<compile_context>
chip_gen: v7x
topology: tpu7x:2x2x1
jax: 0.10.2.dev20260603
libtpu: 0.0.44.dev20260713+nightly
codegen_flags: <defaults>
</compile_context>

<pallas_src>
import jax
import jax.numpy as jnp
from jax import lax
from jax.experimental import pallas as pl
from jax.experimental.pallas import tpu as pltpu
from jax.experimental.pallas import tpu_sc as plsc

B = 8
N = 384 * 384
HALF = N // 2
CHUNK = 18432
NCH_HALF = HALF // CHUNK
NCH_FULL = N // CHUNK
LANES = 16
VEC_PER_CHUNK = CHUNK // LANES
INF_BITS = 0x7F800000


def _sc_body(rg, ag, sr, sa, cf, out, gbuf, sbuf, cbuf, gbuf1, sbuf1,
             cbuf1, part16, out_v, sem0, sem1):
    c = lax.axis_index("c")
    s = lax.axis_index("s")
    image = lax.shift_right_logical(s, 1)
    role = lax.bitwise_and(s, 1)
    wid = c * 16 + s

    zero = jnp.zeros((LANES,), jnp.float32)
    one = jnp.ones((LANES,), jnp.float32)
    idx = lax.iota(jnp.int32, LANES)

    def bcast(x):
        return jnp.full((LANES,), x, jnp.float32)

    def lane(vec, i):
        return jnp.sum(jnp.where(idx == i, vec, zero))

    bufs = ((gbuf, sbuf, cbuf, sem0), (gbuf1, sbuf1, cbuf1, sem1))

    def compute_chunk(slot, carry):
        g_b, s_b, c_b, _ = bufs[slot]

        @plsc.parallel_loop(0, CHUNK, LANES, unroll=8, carry=carry)
        def inner(off, carry):
            tot, pos, cnt = carry
            g = g_b[pl.ds(off, LANES)]
            sc = s_b[pl.ds(off, LANES)]
            cc = c_b[pl.ds(off, LANES)]
            d = sc - g
            pre = d * d * cc
            m = g >= 0.1
            return (tot + pre,
                    pos + jnp.where(m, pre, zero),
                    cnt + jnp.where(m, one, zero))

        return inner

    def phase1(g_hbm, s_hbm):
        base0 = image * N + role * HALF
        handles = [None, None]

        def start(i, slot):
            base = base0 + i * CHUNK
            g_b, s_b, c_b, sem = bufs[slot]
            handles[slot] = [
                pltpu.async_copy(g_hbm.at[pl.ds(base, CHUNK)], g_b, sem),
                pltpu.async_copy(s_hbm.at[pl.ds(base, CHUNK)], s_b, sem),
                pltpu.async_copy(cf.at[pl.ds(base, CHUNK)], c_b, sem),
            ]

        start(0, 0)
        carry = (zero, zero, zero)
        for i in range(NCH_HALF):
            slot = i % 2
            if i + 1 < NCH_HALF:
                start(i + 1, (i + 1) % 2)
            for h in handles[slot]:
                h.wait()
            carry = compute_chunk(slot, carry)
        tot, pos, cnt = carry
        packed = jnp.where(idx == 1, bcast(jnp.sum(tot)),
                  jnp.where(idx == 2, bcast(jnp.sum(pos)),
                   jnp.where(idx == 3, bcast(jnp.sum(cnt)), zero)))
        out_v[...] = packed

    pl.when(c == 0)(lambda: phase1(rg, sr))
    pl.when(c == 1)(lambda: phase1(ag, sa))

    pltpu.sync_copy(out_v, out.at[wid])
    plsc.subcore_barrier()

    def count_pass(g_hbm, s_hbm, t_vec, use_all, strict):

        def outer(i, carry):
            base = image * N + i * CHUNK
            pltpu.sync_copy(g_hbm.at[pl.ds(base, CHUNK)], gbuf)
            pltpu.sync_copy(s_hbm.at[pl.ds(base, CHUNK)], sbuf)
            pltpu.sync_copy(cf.at[pl.ds(base, CHUNK)], cbuf)

            def inner(j, carry):
                cntv, sumv = carry
                off = j * LANES
                g = gbuf[pl.ds(off, LANES)]
                sc = sbuf[pl.ds(off, LANES)]
                cc = cbuf[pl.ds(off, LANES)]
                d = sc - g
                pre = d * d * cc
                m = jnp.logical_or(g < 0.1, use_all)
                hit = jnp.logical_and(m, jnp.where(strict, pre > t_vec,
                                                   pre >= t_vec))
                return (cntv + jnp.where(hit, one, zero),
                        sumv + jnp.where(hit, pre, zero))

            return lax.fori_loop(0, VEC_PER_CHUNK, inner, carry)

        cntv, sumv = lax.fori_loop(0, NCH_FULL, outer, (zero, zero))
        return jnp.sum(cntv), jnp.sum(sumv)

    def finish():
        partner = s ^ 1
        pltpu.sync_copy(out.at[c * 16 + partner], part16)
        mine = out_v[...]
        pv = part16[...]
        tot_sum = lane(mine, 1) + lane(pv, 1)
        pos_sum = lane(mine, 2) + lane(pv, 2)
        p_f = lane(mine, 3) + lane(pv, 3)
        n_f = jnp.float32(N) - p_f
        k_f = 3.0 * p_f

        need_p0 = p_f == 0.0
        need_topk = jnp.logical_and(p_f > 0.0, n_f >= k_f)
        rare = jnp.logical_or(need_p0, need_topk)

        contrib_v = (bcast(pos_sum) / bcast(p_f)
                     + bcast(tot_sum - pos_sum) / bcast(n_f))
        lane0 = idx == 0
        out_v[...] = jnp.where(lane0, contrib_v, zero)

        def rare_search(g_hbm, s_hbm):
            k_eff = jnp.where(need_p0, jnp.float32(500.0), k_f)

            def step(_, lohi):
                lo, hi = lohi
                mid = lo + lax.shift_right_logical(hi - lo, 1)
                t_vec = plsc.bitcast(jnp.full((LANES,), mid, jnp.int32),
                                     jnp.float32)
                cnt, _ = count_pass(g_hbm, s_hbm, t_vec, need_p0,
                                    jnp.bool_(False))
                ge = cnt >= k_eff
                return (jnp.where(ge, mid, lo), jnp.where(ge, hi, mid))

            lo, _ = lax.fori_loop(0, 31, step,
                                  (jnp.int32(0), jnp.int32(INF_BITS)))
            t_vec = plsc.bitcast(jnp.full((LANES,), lo, jnp.int32),
                                 jnp.float32)
            t_star = jnp.max(t_vec)
            cnt_gt, sum_gt = count_pass(g_hbm, s_hbm, t_vec, need_p0,
                                        jnp.bool_(True))
            topk_sum = sum_gt + (k_eff - cnt_gt) * t_star
            topk_term = bcast(topk_sum) / bcast(k_eff)
            pos_term = bcast(pos_sum) / bcast(p_f)
            r_contrib = jnp.where(need_p0, topk_term, pos_term + topk_term)
            out_v[...] = jnp.where(lane0, r_contrib, zero)

        pl.when(jnp.logical_and(rare, c == 0))(lambda: rare_search(rg, sr))
        pl.when(jnp.logical_and(rare, c == 1))(lambda: rare_search(ag, sa))

        pltpu.sync_copy(out_v, out.at[wid])

    pl.when(role == 0)(finish)


@jax.jit
def kernel(region_score_GT, affinity_score_GT, score_region, score_affinity,
           confidence):
    rg = region_score_GT.reshape(-1)
    ag = affinity_score_GT.reshape(-1)
    sr = score_region.reshape(-1)
    sa = score_affinity.reshape(-1)
    cf = confidence.reshape(-1)

    mesh = plsc.VectorSubcoreMesh(core_axis_name="c", subcore_axis_name="s")
    out = pl.kernel(
        _sc_body,
        out_type=jax.ShapeDtypeStruct((32, LANES), jnp.float32),
        mesh=mesh,
        compiler_params=pltpu.CompilerParams(needs_layout_passes=False),
        scratch_types=[
            pltpu.VMEM((CHUNK,), jnp.float32),
            pltpu.VMEM((CHUNK,), jnp.float32),
            pltpu.VMEM((CHUNK,), jnp.float32),
            pltpu.VMEM((CHUNK,), jnp.float32),
            pltpu.VMEM((CHUNK,), jnp.float32),
            pltpu.VMEM((CHUNK,), jnp.float32),
            pltpu.VMEM((LANES,), jnp.float32),
            pltpu.VMEM((LANES,), jnp.float32),
            pltpu.SemaphoreType.DMA,
            pltpu.SemaphoreType.DMA,
        ],
    )(rg, ag, sr, sa, cf)
    return jnp.sum(out[:, 0]) / B

# --- scband reference (transcript-rebuilt; emitter-appended) ---
"""Pipeline reference for scband-ltd-loss-15375982920487 (READ-ONLY COPY).

The authoritative reference and input builder live on the scoring server;
editing this copy changes nothing except your own understanding.
"""

import jax, jax.numpy as jnp
import numpy as np


def _single_image_loss(pre_loss, label):
    batch_size = pre_loss.shape[0]
    pre = pre_loss.reshape(batch_size, -1)
    lab = label.reshape(batch_size, -1)
    N = pre.shape[1]
    idx = jnp.arange(N)
    sum_loss = jnp.mean(pre.reshape(-1)) * 0
    for i in range(batch_size):
        pos_mask = lab[i] >= 0.1
        neg_mask = jnp.logical_not(pos_mask)
        p = jnp.sum(pos_mask)
        n = N - p
        pf = p.astype(pre.dtype)
        nf = n.astype(pre.dtype)
        posi_loss = jnp.sum(jnp.where(pos_mask, pre[i], 0)) / pf
        nega_all = jnp.sum(jnp.where(neg_mask, pre[i], 0)) / nf
        k = 3 * p
        sorted_neg = jnp.flip(jnp.sort(jnp.where(neg_mask, pre[i], -jnp.inf)))
        topk_mean = jnp.sum(jnp.where(idx < k, sorted_neg, 0)) / k.astype(pre.dtype)
        nega_pos_case = jnp.where(n < k, nega_all, topk_mean)
        nega_nopos_case = jnp.mean(jax.lax.top_k(pre[i], 500)[0])
        contrib = jnp.where(p > 0, posi_loss + nega_pos_case, nega_nopos_case)
        sum_loss = sum_loss + contrib
    return sum_loss


def setup_inputs(seed: int = 0) -> dict:
    key = jax.random.key(seed)
    k1, k2, k3, k4, k5 = jax.random.split(key, 5)
    B, H, W = 8, 384, 384
    region_score_GT = jax.random.uniform(k1, (B, H, W), dtype=jnp.float32)
    affinity_score_GT = jax.random.uniform(k2, (B, H, W), dtype=jnp.float32)
    score_region = jax.random.uniform(k3, (B, H, W), dtype=jnp.float32)
    score_affinity = jax.random.uniform(k4, (B, H, W), dtype=jnp.float32)
    confidence = jax.random.uniform(k5, (B, H, W), dtype=jnp.float32)
    return {
        "region_score_GT": region_score_GT,
        "affinity_score_GT": affinity_score_GT,
        "score_region": score_region,
        "score_affinity": score_affinity,
        "confidence": confidence,
    }


def reference(region_score_GT, affinity_score_GT, score_region, score_affinity, confidence):
    loss1 = (score_region - region_score_GT) ** 2
    loss2 = (score_affinity - affinity_score_GT) ** 2
    loss_region = loss1 * confidence
    loss_affinity = loss2 * confidence
    char_loss = _single_image_loss(loss_region, region_score_GT)
    affi_loss = _single_image_loss(loss_affinity, affinity_score_GT)
    return char_loss / loss_region.shape[0] + affi_loss / loss_affinity.shape[0]

if __name__ == "__main__":
    import jax
    _d = setup_inputs()
    print(jax.jit(kernel)(*tuple(_d.values())))

</pallas_src>

<mosaic_0001>
#map = affine_map<(d0, d1) -> (0)>
#map1 = affine_map<(d0, d1) -> (0, 0)>
module attributes {stable_mosaic.version = 14 : i64} {
  func.func @_sc_body(%arg0: i32, %arg1: i32, %arg2: memref<1179648xf32, #tpu.memory_space<hbm>>, %arg3: memref<1179648xf32, #tpu.memory_space<hbm>>, %arg4: memref<1179648xf32, #tpu.memory_space<hbm>>, %arg5: memref<1179648xf32, #tpu.memory_space<hbm>>, %arg6: memref<1179648xf32, #tpu.memory_space<hbm>>, %arg7: memref<32x16xf32, #tpu.memory_space<hbm>>, %arg8: memref<18432xf32, #tpu.memory_space<vmem>>, %arg9: memref<18432xf32, #tpu.memory_space<vmem>>, %arg10: memref<18432xf32, #tpu.memory_space<vmem>>, %arg11: memref<18432xf32, #tpu.memory_space<vmem>>, %arg12: memref<18432xf32, #tpu.memory_space<vmem>>, %arg13: memref<18432xf32, #tpu.memory_space<vmem>>, %arg14: memref<16xf32, #tpu.memory_space<vmem>>, %arg15: memref<16xf32, #tpu.memory_space<vmem>>, %arg16: memref<!tpu.dma_semaphore, #tpu.memory_space<semaphore_mem>>, %arg17: memref<!tpu.dma_semaphore, #tpu.memory_space<semaphore_mem>>) attributes {dimension_semantics = [#tpu.dimension_semantics<core_parallel>, #tpu.dimension_semantics<subcore_parallel>], iteration_bounds = array<i64: 2, 16>, scalar_prefetch = 0 : i64, scratch_operands = 10 : i64, tpu.core_type = #tpu.core_type<sc_vector_subcore>, window_params = [{transform_indices = #map}, {transform_indices = #map}, {transform_indices = #map}, {transform_indices = #map}, {transform_indices = #map}, {transform_indices = #map1}]} {
    %shift_right_logical3A = arith.constant 1 : i32
    %shift_right_logical3A_0 = arith.shrui %arg1, %shift_right_logical3A : i32
    %and3A = arith.constant 1 : i32
    %and3A_1 = arith.andi %arg1, %and3A : i32
    %mul3A = arith.constant 16 : i32
    %mul3A_2 = arith.muli %arg0, %mul3A : i32
    %add3A = arith.addi %mul3A_2, %arg1 : i32
    %broadcast_in_dim3A = arith.constant 0.000000e+00 : f32
    %broadcast_in_dim3A_3 = vector.broadcast %broadcast_in_dim3A : f32 to vector<16xf32>
    %broadcast_in_dim3A_4 = arith.constant 1.000000e+00 : f32
    %broadcast_in_dim3A_5 = vector.broadcast %broadcast_in_dim3A_4 : f32 to vector<16xf32>
    %iota3A = tpu.iota {dimensions = array<i32: 0>} : vector<16xi32>
    %eq3A = arith.constant 0 : i32
    %eq3A_6 = arith.cmpi eq, %arg0, %eq3A : i32
    %convert_element_type3A = arith.extui %eq3A_6 : i1 to i32
    %cond3A = arith.constant 0 : i32
    %cond3A_7 = arith.cmpi ne, %convert_element_type3A, %cond3A : i32
    scf.if %cond3A_7 {
      %mul3A_18 = arith.constant 147456 : i32
      %mul3A_19 = arith.muli %shift_right_logical3A_0, %mul3A_18 : i32
      %mul3A_20 = arith.constant 73728 : i32
      %mul3A_21 = arith.muli %and3A_1, %mul3A_20 : i32
      %add3A_22 = arith.addi %mul3A_19, %mul3A_21 : i32
      %add3A_23 = arith.constant 0 : i32
      %add3A_24 = arith.addi %add3A_22, %add3A_23 : i32
      %dma_start3A = tpu.memref_slice %arg2[%add3A_24] : memref<1179648xf32, #tpu.memory_space<hbm>> -> memref<18432xf32, #tpu.memory_space<hbm>>
      %dma_start3A_25 = tpu.memref_slice %arg2[%add3A_24] : memref<1179648xf32, #tpu.memory_space<hbm>> -> memref<18432xf32, #tpu.memory_space<hbm>>
      tpu.enqueue_dma source(%dma_start3A_25 : memref<18432xf32, #tpu.memory_space<hbm>>) target(%arg8 : memref<18432xf32, #tpu.memory_space<vmem>>) target_semaphore(%arg16 : memref<!tpu.dma_semaphore, #tpu.memory_space<semaphore_mem>>)
      %dma_start3A_26 = tpu.memref_slice %arg4[%add3A_24] : memref<1179648xf32, #tpu.memory_space<hbm>> -> memref<18432xf32, #tpu.memory_space<hbm>>
      %dma_start3A_27 = tpu.memref_slice %arg4[%add3A_24] : memref<1179648xf32, #tpu.memory_space<hbm>> -> memref<18432xf32, #tpu.memory_space<hbm>>
      tpu.enqueue_dma source(%dma_start3A_27 : memref<18432xf32, #tpu.memory_space<hbm>>) target(%arg9 : memref<18432xf32, #tpu.memory_space<vmem>>) target_semaphore(%arg16 : memref<!tpu.dma_semaphore, #tpu.memory_space<semaphore_mem>>)
      %dma_start3A_28 = tpu.memref_slice %arg6[%add3A_24] : memref<1179648xf32, #tpu.memory_space<hbm>> -> memref<18432xf32, #tpu.memory_space<hbm>>
      %dma_start3A_29 = tpu.memref_slice %arg6[%add3A_24] : memref<1179648xf32, #tpu.memory_space<hbm>> -> memref<18432xf32, #tpu.memory_space<hbm>>
      tpu.enqueue_dma source(%dma_start3A_29 : memref<18432xf32, #tpu.memory_space<hbm>>) target(%arg10 : memref<18432xf32, #tpu.memory_space<vmem>>) target_semaphore(%arg16 : memref<!tpu.dma_semaphore, #tpu.memory_space<semaphore_mem>>)
      %add3A_30 = arith.constant 18432 : i32
      %add3A_31 = arith.addi %add3A_22, %add3A_30 : i32
      %dma_start3A_32 = tpu.memref_slice %arg2[%add3A_31] : memref<1179648xf32, #tpu.memory_space<hbm>> -> memref<18432xf32, #tpu.memory_space<hbm>>
      %dma_start3A_33 = tpu.memref_slice %arg2[%add3A_31] : memref<1179648xf32, #tpu.memory_space<hbm>> -> memref<18432xf32, #tpu.memory_space<hbm>>
      tpu.enqueue_dma source(%dma_start3A_33 : memref<18432xf32, #tpu.memory_space<hbm>>) target(%arg11 : memref<18432xf32, #tpu.memory_space<vmem>>) target_semaphore(%arg17 : memref<!tpu.dma_semaphore, #tpu.memory_space<semaphore_mem>>)
      %dma_start3A_34 = tpu.memref_slice %arg4[%add3A_31] : memref<1179648xf32, #tpu.memory_space<hbm>> -> memref<18432xf32, #tpu.memory_space<hbm>>
      %dma_start3A_35 = tpu.memref_slice %arg4[%add3A_31] : memref<1179648xf32, #tpu.memory_space<hbm>> -> memref<18432xf32, #tpu.memory_space<hbm>>
      tpu.enqueue_dma source(%dma_start3A_35 : memref<18432xf32, #tpu.memory_space<hbm>>) target(%arg12 : memref<18432xf32, #tpu.memory_space<vmem>>) target_semaphore(%arg17 : memref<!tpu.dma_semaphore, #tpu.memory_space<semaphore_mem>>)
      %dma_start3A_36 = tpu.memref_slice %arg6[%add3A_31] : memref<1179648xf32, #tpu.memory_space<hbm>> -> memref<18432xf32, #tpu.memory_space<hbm>>
      %dma_start3A_37 = tpu.memref_slice %arg6[%add3A_31] : memref<1179648xf32, #tpu.memory_space<hbm>> -> memref<18432xf32, #tpu.memory_space<hbm>>
      tpu.enqueue_dma source(%dma_start3A_37 : memref<18432xf32, #tpu.memory_space<hbm>>) target(%arg13 : memref<18432xf32, #tpu.memory_space<vmem>>) target_semaphore(%arg17 : memref<!tpu.dma_semaphore, #tpu.memory_space<semaphore_mem>>)
      %dma_wait3A = tpu.memref_slice %arg2[%add3A_24] : memref<1179648xf32, #tpu.memory_space<hbm>> -> memref<18432xf32, #tpu.memory_space<hbm>>
      %dma_wait3A_38 = tpu.memref_slice %arg2[%add3A_24] : memref<1179648xf32, #tpu.memory_space<hbm>> -> memref<18432xf32, #tpu.memory_space<hbm>>
      tpu.wait_dma2 semaphore(%arg16 : memref<!tpu.dma_semaphore, #tpu.memory_space<semaphore_mem>>) src(%dma_wait3A_38 : memref<18432xf32, #tpu.memory_space<hbm>>) dst(%arg8 : memref<18432xf32, #tpu.memory_space<vmem>>)
      %dma_wait3A_39 = tpu.memref_slice %arg4[%add3A_24] : memref<1179648xf32, #tpu.memory_space<hbm>> -> memref<18432xf32, #tpu.memory_space<hbm>>
      %dma_wait3A_40 = tpu.memref_slice %arg4[%add3A_24] : memref<1179648xf32, #tpu.memory_space<hbm>> -> memref<18432xf32, #tpu.memory_space<hbm>>
      tpu.wait_dma2 semaphore(%arg16 : memref<!tpu.dma_semaphore, #tpu.memory_space<semaphore_mem>>) src(%dma_wait3A_40 : memref<18432xf32, #tpu.memory_space<hbm>>) dst(%arg9 : memref<18432xf32, #tpu.memory_space<vmem>>)
      %dma_wait3A_41 = tpu.memref_slice %arg6[%add3A_24] : memref<1179648xf32, #tpu.memory_space<hbm>> -> memref<18432xf32, #tpu.memory_space<hbm>>
      %dma_wait3A_42 = tpu.memref_slice %arg6[%add3A_24] : memref<1179648xf32, #tpu.memory_space<hbm>> -> memref<18432xf32, #tpu.memory_space<hbm>>
      tpu.wait_dma2 semaphore(%arg16 : memref<!tpu.dma_semaphore, #tpu.memory_space<semaphore_mem>>) src(%dma_wait3A_42 : memref<18432xf32, #tpu.memory_space<hbm>>) dst(%arg10 : memref<18432xf32, #tpu.memory_space<vmem>>)
      %parallel_loop3A = arith.constant 0 : i32
      %parallel_loop3A_43 = arith.constant 18432 : i32
      %parallel_loop3A_44 = arith.constant 16 : i32
      %parallel_loop3A_45:3 = scf.for %parallel_loop3A_118 = %parallel_loop3A to %parallel_loop3A_43 step %parallel_loop3A_44 iter_args(%parallel_loop3A_119 = %broadcast_in_dim3A_3, %parallel_loop3A_120 = %broadcast_in_dim3A_3, %parallel_loop3A_121 = %broadcast_in_dim3A_3) -> (vector<16xf32>, vector<16xf32>, vector<16xf32>)  : i32 {
        %parallel_loop3A_122 = arith.index_cast %parallel_loop3A_118 : i32 to index
        %parallel_loop3A_123 = tpu.vector_load %arg8[%parallel_loop3A_122] {strides = array<i32>} : memref<18432xf32, #tpu.memory_space<vmem>>, vector<16xf32>,
        %parallel_loop3A_124 = arith.index_cast %parallel_loop3A_118 : i32 to index
        %parallel_loop3A_125 = tpu.vector_load %arg9[%parallel_loop3A_124] {strides = array<i32>} : memref<18432xf32, #tpu.memory_space<vmem>>, vector<16xf32>,
        %parallel_loop3A_126 = arith.index_cast %parallel_loop3A_118 : i32 to index
        %parallel_loop3A_127 = tpu.vector_load %arg10[%parallel_loop3A_126] {strides = array<i32>} : memref<18432xf32, #tpu.memory_space<vmem>>, vector<16xf32>,
        %parallel_loop3A_128 = arith.subf %parallel_loop3A_125, %parallel_loop3A_123 : vector<16xf32>
        %parallel_loop3A_129 = arith.mulf %parallel_loop3A_128, %parallel_loop3A_128 : vector<16xf32>
        %parallel_loop3A_130 = arith.mulf %parallel_loop3A_129, %parallel_loop3A_127 : vector<16xf32>
        %parallel_loop3A_131 = arith.constant 1.000000e-01 : f32
        %parallel_loop3A_132 = vector.broadcast %parallel_loop3A_131 : f32 to vector<16xf32>
        %parallel_loop3A_133 = arith.cmpf oge, %parallel_loop3A_123, %parallel_loop3A_132 : vector<16xf32>
        %parallel_loop3A_134 = arith.addf %parallel_loop3A_119, %parallel_loop3A_130 : vector<16xf32>
        %parallel_loop3A_135 = arith.select %parallel_loop3A_133, %parallel_loop3A_130, %broadcast_in_dim3A_3 : vector<16xi1>, vector<16xf32>
        %parallel_loop3A_136 = arith.addf %parallel_loop3A_120, %parallel_loop3A_135 : vector<16xf32>
        %parallel_loop3A_137 = arith.select %parallel_loop3A_133, %broadcast_in_dim3A_5, %broadcast_in_dim3A_3 : vector<16xi1>, vector<16xf32>
        %parallel_loop3A_138 = arith.addf %parallel_loop3A_121, %parallel_loop3A_137 : vector<16xf32>
        scf.yield %parallel_loop3A_134, %parallel_loop3A_136, %parallel_loop3A_138 : vector<16xf32>, vector<16xf32>, vector<16xf32>
      } {sc.loop_unroll_factor = 8 : i64, sc.parallel_access}
      %add3A_46 = arith.constant 36864 : i32
      %add3A_47 = arith.addi %add3A_22, %add3A_46 : i32
      %dma_start3A_48 = tpu.memref_slice %arg2[%add3A_47] : memref<1179648xf32, #tpu.memory_space<hbm>> -> memref<18432xf32, #tpu.memory_space<hbm>>
      %dma_start3A_49 = tpu.memref_slice %arg2[%add3A_47] : memref<1179648xf32, #tpu.memory_space<hbm>> -> memref<18432xf32, #tpu.memory_space<hbm>>
      tpu.enqueue_dma source(%dma_start3A_49 : memref<18432xf32, #tpu.memory_space<hbm>>) target(%arg8 : memref<18432xf32, #tpu.memory_space<vmem>>) target_semaphore(%arg16 : memref<!tpu.dma_semaphore, #tpu.memory_space<semaphore_mem>>)
      %dma_start3A_50 = tpu.memref_slice %arg4[%add3A_47] : memref<1179648xf32, #tpu.memory_space<hbm>> -> memref<18432xf32, #tpu.memory_space<hbm>>
      %dma_start3A_51 = tpu.memref_slice %arg4[%add3A_47] : memref<1179648xf32, #tpu.memory_space<hbm>> -> memref<18432xf32, #tpu.memory_space<hbm>>
      tpu.enqueue_dma source(%dma_start3A_51 : memref<18432xf32, #tpu.memory_space<hbm>>) target(%arg9 : memref<18432xf32, #tpu.memory_space<vmem>>) target_semaphore(%arg16 : memref<!tpu.dma_semaphore, #tpu.memory_space<semaphore_mem>>)
      %dma_start3A_52 = tpu.memref_slice %arg6[%add3A_47] : memref<1179648xf32, #tpu.memory_space<hbm>> -> memref<18432xf32, #tpu.memory_space<hbm>>
      %dma_start3A_53 = tpu.memref_slice %arg6[%add3A_47] : memref<1179648xf32, #tpu.memory_space<hbm>> -> memref<18432xf32, #tpu.memory_space<hbm>>
      tpu.enqueue_dma source(%dma_start3A_53 : memref<18432xf32, #tpu.memory_space<hbm>>) target(%arg10 : memref<18432xf32, #tpu.memory_space<vmem>>) target_semaphore(%arg16 : memref<!tpu.dma_semaphore, #tpu.memory_space<semaphore_mem>>)
      %dma_wait3A_54 = tpu.memref_slice %arg2[%add3A_31] : memref<1179648xf32, #tpu.memory_space<hbm>> -> memref<18432xf32, #tpu.memory_space<hbm>>
      %dma_wait3A_55 = tpu.memref_slice %arg2[%add3A_31] : memref<1179648xf32, #tpu.memory_space<hbm>> -> memref<18432xf32, #tpu.memory_space<hbm>>
      tpu.wait_dma2 semaphore(%arg17 : memref<!tpu.dma_semaphore, #tpu.memory_space<semaphore_mem>>) src(%dma_wait3A_55 : memref<18432xf32, #tpu.memory_space<hbm>>) dst(%arg11 : memref<18432xf32, #tpu.memory_space<vmem>>)
      %dma_wait3A_56 = tpu.memref_slice %arg4[%add3A_31] : memref<1179648xf32, #tpu.memory_space<hbm>> -> memref<18432xf32, #tpu.memory_space<hbm>>
      %dma_wait3A_57 = tpu.memref_slice %arg4[%add3A_31] : memref<1179648xf32, #tpu.memory_space<hbm>> -> memref<18432xf32, #tpu.memory_space<hbm>>
      tpu.wait_dma2 semaphore(%arg17 : memref<!tpu.dma_semaphore, #tpu.memory_space<semaphore_mem>>) src(%dma_wait3A_57 : memref<18432xf32, #tpu.memory_space<hbm>>) dst(%arg12 : memref<18432xf32, #tpu.memory_space<vmem>>)
      %dma_wait3A_58 = tpu.memref_slice %arg6[%add3A_31] : memref<1179648xf32, #tpu.memory_space<hbm>> -> memref<18432xf32, #tpu.memory_space<hbm>>
      %dma_wait3A_59 = tpu.memref_slice %arg6[%add3A_31] : memref<1179648xf32, #tpu.memory_space<hbm>> -> memref<18432xf32, #tpu.memory_space<hbm>>
      tpu.wait_dma2 semaphore(%arg17 : memref<!tpu.dma_semaphore, #tpu.memory_space<semaphore_mem>>) src(%dma_wait3A_59 : memref<18432xf32, #tpu.memory_space<hbm>>) dst(%arg13 : memref<18432xf32, #tpu.memory_space<vmem>>)
      %parallel_loop3A_60 = arith.constant 0 : i32
      %parallel_loop3A_61 = arith.constant 18432 : i32
      %parallel_loop3A_62 = arith.constant 16 : i32
      %parallel_loop3A_63:3 = scf.for %parallel_loop3A_118 = %parallel_loop3A_60 to %parallel_loop3A_61 step %parallel_loop3A_62 iter_args(%parallel_loop3A_119 = %parallel_loop3A_45#0, %parallel_loop3A_120 = %parallel_loop3A_45#1, %parallel_loop3A_121 = %parallel_loop3A_45#2) -> (vector<16xf32>, vector<16xf32>, vector<16xf32>)  : i32 {
        %parallel_loop3A_122 = arith.index_cast %parallel_loop3A_118 : i32 to index
        %parallel_loop3A_123 = tpu.vector_load %arg11[%parallel_loop3A_122] {strides = array<i32>} : memref<18432xf32, #tpu.memory_space<vmem>>, vector<16xf32>,
        %parallel_loop3A_124 = arith.index_cast %parallel_loop3A_118 : i32 to index
        %parallel_loop3A_125 = tpu.vector_load %arg12[%parallel_loop3A_124] {strides = array<i32>} : memref<18432xf32, #tpu.memory_space<vmem>>, vector<16xf32>,
        %parallel_loop3A_126 = arith.index_cast %parallel_loop3A_118 : i32 to index
        %parallel_loop3A_127 = tpu.vector_load %arg13[%parallel_loop3A_126] {strides = array<i32>} : memref<18432xf32, #tpu.memory_space<vmem>>, vector<16xf32>,
        %parallel_loop3A_128 = arith.subf %parallel_loop3A_125, %parallel_loop3A_123 : vector<16xf32>
        %parallel_loop3A_129 = arith.mulf %parallel_loop3A_128, %parallel_loop3A_128 : vector<16xf32>
        %parallel_loop3A_130 = arith.mulf %parallel_loop3A_129, %parallel_loop3A_127 : vector<16xf32>
        %parallel_loop3A_131 = arith.constant 1.000000e-01 : f32
        %parallel_loop3A_132 = vector.broadcast %parallel_loop3A_131 : f32 to vector<16xf32>
        %parallel_loop3A_133 = arith.cmpf oge, %parallel_loop3A_123, %parallel_loop3A_132 : vector<16xf32>
        %parallel_loop3A_134 = arith.addf %parallel_loop3A_119, %parallel_loop3A_130 : vector<16xf32>
        %parallel_loop3A_135 = arith.select %parallel_loop3A_133, %parallel_loop3A_130, %broadcast_in_dim3A_3 : vector<16xi1>, vector<16xf32>
        %parallel_loop3A_136 = arith.addf %parallel_loop3A_120, %parallel_loop3A_135 : vector<16xf32>
        %parallel_loop3A_137 = arith.select %parallel_loop3A_133, %broadcast_in_dim3A_5, %broadcast_in_dim3A_3 : vector<16xi1>, vector<16xf32>
        %parallel_loop3A_138 = arith.addf %parallel_loop3A_121, %parallel_loop3A_137 : vector<16xf32>
        scf.yield %parallel_loop3A_134, %parallel_loop3A_136, %parallel_loop3A_138 : vector<16xf32>, vector<16xf32>, vector<16xf32>
      } {sc.loop_unroll_factor = 8 : i64, sc.parallel_access}
      %add3A_64 = arith.constant 55296 : i32
      %add3A_65 = arith.addi %add3A_22, %add3A_64 : i32
      %dma_start3A_66 = tpu.memref_slice %arg2[%add3A_65] : memref<1179648xf32, #tpu.memory_space<hbm>> -> memref<18432xf32, #tpu.memory_space<hbm>>
      %dma_start3A_67 = tpu.memref_slice %arg2[%add3A_65] : memref<1179648xf32, #tpu.memory_space<hbm>> -> memref<18432xf32, #tpu.memory_space<hbm>>
      tpu.enqueue_dma source(%dma_start3A_67 : memref<18432xf32, #tpu.memory_space<hbm>>) target(%arg11 : memref<18432xf32, #tpu.memory_space<vmem>>) target_semaphore(%arg17 : memref<!tpu.dma_semaphore, #tpu.memory_space<semaphore_mem>>)
      %dma_start3A_68 = tpu.memref_slice %arg4[%add3A_65] : memref<1179648xf32, #tpu.memory_space<hbm>> -> memref<18432xf32, #tpu.memory_space<hbm>>
      %dma_start3A_69 = tpu.memref_slice %arg4[%add3A_65] : memref<1179648xf32, #tpu.memory_space<hbm>> -> memref<18432xf32, #tpu.memory_space<hbm>>
      tpu.enqueue_dma source(%dma_start3A_69 : memref<18432xf32, #tpu.memory_space<hbm>>) target(%arg12 : memref<18432xf32, #tpu.memory_space<vmem>>) target_semaphore(%arg17 : memref<!tpu.dma_semaphore, #tpu.memory_space<semaphore_mem>>)
      %dma_start3A_70 = tpu.memref_slice %arg6[%add3A_65] : memref<1179648xf32, #tpu.memory_space<hbm>> -> memref<18432xf32, #tpu.memory_space<hbm>>
      %dma_start3A_71 = tpu.memref_slice %arg6[%add3A_65] : memref<1179648xf32, #tpu.memory_space<hbm>> -> memref<18432xf32, #tpu.memory_space<hbm>>
      tpu.enqueue_dma source(%dma_start3A_71 : memref<18432xf32, #tpu.memory_space<hbm>>) target(%arg13 : memref<18432xf32, #tpu.memory_space<vmem>>) target_semaphore(%arg17 : memref<!tpu.dma_semaphore, #tpu.memory_space<semaphore_mem>>)
      %dma_wait3A_72 = tpu.memref_slice %arg2[%add3A_47] : memref<1179648xf32, #tpu.memory_space<hbm>> -> memref<18432xf32, #tpu.memory_space<hbm>>
      %dma_wait3A_73 = tpu.memref_slice %arg2[%add3A_47] : memref<1179648xf32, #tpu.memory_space<hbm>> -> memref<18432xf32, #tpu.memory_space<hbm>>
      tpu.wait_dma2 semaphore(%arg16 : memref<!tpu.dma_semaphore, #tpu.memory_space<semaphore_mem>>) src(%dma_wait3A_73 : memref<18432xf32, #tpu.memory_space<hbm>>) dst(%arg8 : memref<18432xf32, #tpu.memory_space<vmem>>)
      %dma_wait3A_74 = tpu.memref_slice %arg4[%add3A_47] : memref<1179648xf32, #tpu.memory_space<hbm>> -> memref<18432xf32, #tpu.memory_space<hbm>>
      %dma_wait3A_75 = tpu.memref_slice %arg4[%add3A_47] : memref<1179648xf32, #tpu.memory_space<hbm>> -> memref<18432xf32, #tpu.memory_space<hbm>>
      tpu.wait_dma2 semaphore(%arg16 : memref<!tpu.dma_semaphore, #tpu.memory_space<semaphore_mem>>) src(%dma_wait3A_75 : memref<18432xf32, #tpu.memory_space<hbm>>) dst(%arg9 : memref<18432xf32, #tpu.memory_space<vmem>>)
      %dma_wait3A_76 = tpu.memref_slice %arg6[%add3A_47] : memref<1179648xf32, #tpu.memory_space<hbm>> -> memref<18432xf32, #tpu.memory_space<hbm>>
      %dma_wait3A_77 = tpu.memref_slice %arg6[%add3A_47] : memref<1179648xf32, #tpu.memory_space<hbm>> -> memref<18432xf32, #tpu.memory_space<hbm>>
      tpu.wait_dma2 semaphore(%arg16 : memref<!tpu.dma_semaphore, #tpu.memory_space<semaphore_mem>>) src(%dma_wait3A_77 : memref<18432xf32, #tpu.memory_space<hbm>>) dst(%arg10 : memref<18432xf32, #tpu.memory_space<vmem>>)
      %parallel_loop3A_78 = arith.constant 0 : i32
      %parallel_loop3A_79 = arith.constant 18432 : i32
      %parallel_loop3A_80 = arith.constant 16 : i32
      %parallel_loop3A_81:3 = scf.for %parallel_loop3A_118 = %parallel_loop3A_78 to %parallel_loop3A_79 step %parallel_loop3A_80 iter_args(%parallel_loop3A_119 = %parallel_loop3A_63#0, %parallel_loop3A_120 = %parallel_loop3A_63#1, %parallel_loop3A_121 = %parallel_loop3A_63#2) -> (vector<16xf32>, vector<16xf32>, vector<16xf32>)  : i32 {
        %parallel_loop3A_122 = arith.index_cast %parallel_loop3A_118 : i32 to index
        %parallel_loop3A_123 = tpu.vector_load %arg8[%parallel_loop3A_122] {strides = array<i32>} : memref<18432xf32, #tpu.memory_space<vmem>>, vector<16xf32>,
        %parallel_loop3A_124 = arith.index_cast %parallel_loop3A_118 : i32 to index
        %parallel_loop3A_125 = tpu.vector_load %arg9[%parallel_loop3A_124] {strides = array<i32>} : memref<18432xf32, #tpu.memory_space<vmem>>, vector<16xf32>,
        %parallel_loop3A_126 = arith.index_cast %parallel_loop3A_118 : i32 to index
        %parallel_loop3A_127 = tpu.vector_load %arg10[%parallel_loop3A_126] {strides = array<i32>} : memref<18432xf32, #tpu.memory_space<vmem>>, vector<16xf32>,
        %parallel_loop3A_128 = arith.subf %parallel_loop3A_125, %parallel_loop3A_123 : vector<16xf32>
        %parallel_loop3A_129 = arith.mulf %parallel_loop3A_128, %parallel_loop3A_128 : vector<16xf32>
        %parallel_loop3A_130 = arith.mulf %parallel_loop3A_129, %parallel_loop3A_127 : vector<16xf32>
        %parallel_loop3A_131 = arith.constant 1.000000e-01 : f32
        %parallel_loop3A_132 = vector.broadcast %parallel_loop3A_131 : f32 to vector<16xf32>
        %parallel_loop3A_133 = arith.cmpf oge, %parallel_loop3A_123, %parallel_loop3A_132 : vector<16xf32>
        %parallel_loop3A_134 = arith.addf %parallel_loop3A_119, %parallel_loop3A_130 : vector<16xf32>
        %parallel_loop3A_135 = arith.select %parallel_loop3A_133, %parallel_loop3A_130, %broadcast_in_dim3A_3 : vector<16xi1>, vector<16xf32>
        %parallel_loop3A_136 = arith.addf %parallel_loop3A_120, %parallel_loop3A_135 : vector<16xf32>
        %parallel_loop3A_137 = arith.select %parallel_loop3A_133, %broadcast_in_dim3A_5, %broadcast_in_dim3A_3 : vector<16xi1>, vector<16xf32>
        %parallel_loop3A_138 = arith.addf %parallel_loop3A_121, %parallel_loop3A_137 : vector<16xf32>
        scf.yield %parallel_loop3A_134, %parallel_loop3A_136, %parallel_loop3A_138 : vector<16xf32>, vector<16xf32>, vector<16xf32>
      } {sc.loop_unroll_factor = 8 : i64, sc.parallel_access}
      %dma_wait3A_82 = tpu.memref_slice %arg2[%add3A_65] : memref<1179648xf32, #tpu.memory_space<hbm>> -> memref<18432xf32, #tpu.memory_space<hbm>>
      %dma_wait3A_83 = tpu.memref_slice %arg2[%add3A_65] : memref<1179648xf32, #tpu.memory_space<hbm>> -> memref<18432xf32, #tpu.memory_space<hbm>>
      tpu.wait_dma2 semaphore(%arg17 : memref<!tpu.dma_semaphore, #tpu.memory_space<semaphore_mem>>) src(%dma_wait3A_83 : memref<18432xf32, #tpu.memory_space<hbm>>) dst(%arg11 : memref<18432xf32, #tpu.memory_space<vmem>>)
      %dma_wait3A_84 = tpu.memref_slice %arg4[%add3A_65] : memref<1179648xf32, #tpu.memory_space<hbm>> -> memref<18432xf32, #tpu.memory_space<hbm>>
      %dma_wait3A_85 = tpu.memref_slice %arg4[%add3A_65] : memref<1179648xf32, #tpu.memory_space<hbm>> -> memref<18432xf32, #tpu.memory_space<hbm>>
      tpu.wait_dma2 semaphore(%arg17 : memref<!tpu.dma_semaphore, #tpu.memory_space<semaphore_mem>>) src(%dma_wait3A_85 : memref<18432xf32, #tpu.memory_space<hbm>>) dst(%arg12 : memref<18432xf32, #tpu.memory_space<vmem>>)
      %dma_wait3A_86 = tpu.memref_slice %arg6[%add3A_65] : memref<1179648xf32, #tpu.memory_space<hbm>> -> memref<18432xf32, #tpu.memory_space<hbm>>
      %dma_wait3A_87 = tpu.memref_slice %arg6[%add3A_65] : memref<1179648xf32, #tpu.memory_space<hbm>> -> memref<18432xf32, #tpu.memory_space<hbm>>
      tpu.wait_dma2 semaphore(%arg17 : memref<!tpu.dma_semaphore, #tpu.memory_space<semaphore_mem>>) src(%dma_wait3A_87 : memref<18432xf32, #tpu.memory_space<hbm>>) dst(%arg13 : memref<18432xf32, #tpu.memory_space<vmem>>)
      %parallel_loop3A_88 = arith.constant 0 : i32
      %parallel_loop3A_89 = arith.constant 18432 : i32
      %parallel_loop3A_90 = arith.constant 16 : i32
      %parallel_loop3A_91:3 = scf.for %parallel_loop3A_118 = %parallel_loop3A_88 to %parallel_loop3A_89 step %parallel_loop3A_90 iter_args(%parallel_loop3A_119 = %parallel_loop3A_81#0, %parallel_loop3A_120 = %parallel_loop3A_81#1, %parallel_loop3A_121 = %parallel_loop3A_81#2) -> (vector<16xf32>, vector<16xf32>, vector<16xf32>)  : i32 {
        %parallel_loop3A_122 = arith.index_cast %parallel_loop3A_118 : i32 to index
        %parallel_loop3A_123 = tpu.vector_load %arg11[%parallel_loop3A_122] {strides = array<i32>} : memref<18432xf32, #tpu.memory_space<vmem>>, vector<16xf32>,
        %parallel_loop3A_124 = arith.index_cast %parallel_loop3A_118 : i32 to index
        %parallel_loop3A_125 = tpu.vector_load %arg12[%parallel_loop3A_124] {strides = array<i32>} : memref<18432xf32, #tpu.memory_space<vmem>>, vector<16xf32>,
        %parallel_loop3A_126 = arith.index_cast %parallel_loop3A_118 : i32 to index
        %parallel_loop3A_127 = tpu.vector_load %arg13[%parallel_loop3A_126] {strides = array<i32>} : memref<18432xf32, #tpu.memory_space<vmem>>, vector<16xf32>,
        %parallel_loop3A_128 = arith.subf %parallel_loop3A_125, %parallel_loop3A_123 : vector<16xf32>
        %parallel_loop3A_129 = arith.mulf %parallel_loop3A_128, %parallel_loop3A_128 : vector<16xf32>
        %parallel_loop3A_130 = arith.mulf %parallel_loop3A_129, %parallel_loop3A_127 : vector<16xf32>
        %parallel_loop3A_131 = arith.constant 1.000000e-01 : f32
        %parallel_loop3A_132 = vector.broadcast %parallel_loop3A_131 : f32 to vector<16xf32>
        %parallel_loop3A_133 = arith.cmpf oge, %parallel_loop3A_123, %parallel_loop3A_132 : vector<16xf32>
        %parallel_loop3A_134 = arith.addf %parallel_loop3A_119, %parallel_loop3A_130 : vector<16xf32>
        %parallel_loop3A_135 = arith.select %parallel_loop3A_133, %parallel_loop3A_130, %broadcast_in_dim3A_3 : vector<16xi1>, vector<16xf32>
        %parallel_loop3A_136 = arith.addf %parallel_loop3A_120, %parallel_loop3A_135 : vector<16xf32>
        %parallel_loop3A_137 = arith.select %parallel_loop3A_133, %broadcast_in_dim3A_5, %broadcast_in_dim3A_3 : vector<16xi1>, vector<16xf32>
        %parallel_loop3A_138 = arith.addf %parallel_loop3A_121, %parallel_loop3A_137 : vector<16xf32>
        scf.yield %parallel_loop3A_134, %parallel_loop3A_136, %parallel_loop3A_138 : vector<16xf32>, vector<16xf32>, vector<16xf32>
      } {sc.loop_unroll_factor = 8 : i64, sc.parallel_access}
      %eq3A_92 = arith.constant 1 : i32
      %eq3A_93 = vector.broadcast %eq3A_92 : i32 to vector<16xi32>
      %eq3A_94 = arith.cmpi eq, %iota3A, %eq3A_93 : vector<16xi32>
      %reduce_sum3A = arith.constant true
      %reduce_sum3A_95 = vector.broadcast %reduce_sum3A : i1 to vector<16xi1>
      %reduce_sum3A_96 = tpu.scan <sum>, %parallel_loop3A_91#0 masked %reduce_sum3A_95 : vector<16xf32>, vector<16xi1> -> vector<16xf32>
      %reduce_sum3A_97 = vector.extract %reduce_sum3A_96[15] : f32 from vector<16xf32>
      %broadcast_in_dim3A_98 = vector.broadcast %reduce_sum3A_97 : f32 to vector<16xf32>
      %eq3A_99 = arith.constant 2 : i32
      %eq3A_100 = vector.broadcast %eq3A_99 : i32 to vector<16xi32>
      %eq3A_101 = arith.cmpi eq, %iota3A, %eq3A_100 : vector<16xi32>
      %reduce_sum3A_102 = arith.constant true
      %reduce_sum3A_103 = vector.broadcast %reduce_sum3A_102 : i1 to vector<16xi1>
      %reduce_sum3A_104 = tpu.scan <sum>, %parallel_loop3A_91#1 masked %reduce_sum3A_103 : vector<16xf32>, vector<16xi1> -> vector<16xf32>
      %reduce_sum3A_105 = vector.extract %reduce_sum3A_104[15] : f32 from vector<16xf32>
      %broadcast_in_dim3A_106 = vector.broadcast %reduce_sum3A_105 : f32 to vector<16xf32>
      %eq3A_107 = arith.constant 3 : i32
      %eq3A_108 = vector.broadcast %eq3A_107 : i32 to vector<16xi32>
      %eq3A_109 = arith.cmpi eq, %iota3A, %eq3A_108 : vector<16xi32>
      %reduce_sum3A_110 = arith.constant true
      %reduce_sum3A_111 = vector.broadcast %reduce_sum3A_110 : i1 to vector<16xi1>
      %reduce_sum3A_112 = tpu.scan <sum>, %parallel_loop3A_91#2 masked %reduce_sum3A_111 : vector<16xf32>, vector<16xi1> -> vector<16xf32>
      %reduce_sum3A_113 = vector.extract %reduce_sum3A_112[15] : f32 from vector<16xf32>
      %broadcast_in_dim3A_114 = vector.broadcast %reduce_sum3A_113 : f32 to vector<16xf32>
      %select_n3A = arith.select %eq3A_109, %broadcast_in_dim3A_114, %broadcast_in_dim3A_3 : vector<16xi1>, vector<16xf32>
      %select_n3A_115 = arith.select %eq3A_101, %broadcast_in_dim3A_106, %select_n3A : vector<16xi1>, vector<16xf32>
      %select_n3A_116 = arith.select %eq3A_94, %broadcast_in_dim3A_98, %select_n3A_115 : vector<16xi1>, vector<16xf32>
      %swap3A = arith.constant 0 : index
      %swap3A_117 = tpu.vector_load %arg15[%swap3A] {strides = array<i32>} : memref<16xf32, #tpu.memory_space<vmem>>, vector<16xf32>,
      tpu.vector_store %arg15[%swap3A], %select_n3A_116 {strides = array<i32>} : memref<16xf32, #tpu.memory_space<vmem>>, vector<16xf32>,
    } else {
    }
    %eq3A_8 = arith.constant 1 : i32
    %eq3A_9 = arith.cmpi eq, %arg0, %eq3A_8 : i32
    %convert_element_type3A_10 = arith.extui %eq3A_9 : i1 to i32
    %cond3A_11 = arith.constant 0 : i32
    %cond3A_12 = arith.cmpi ne, %convert_element_type3A_10, %cond3A_11 : i32
    scf.if %cond3A_12 {
      %mul3A_18 = arith.constant 147456 : i32
      %mul3A_19 = arith.muli %shift_right_logical3A_0, %mul3A_18 : i32
      %mul3A_20 = arith.constant 73728 : i32
      %mul3A_21 = arith.muli %and3A_1, %mul3A_20 : i32
      %add3A_22 = arith.addi %mul3A_19, %mul3A_21 : i32
      %add3A_23 = arith.constant 0 : i32
      %add3A_24 = arith.addi %add3A_22, %add3A_23 : i32
      %dma_start3A = tpu.memref_slice %arg3[%add3A_24] : memref<1179648xf32, #tpu.memory_space<hbm>> -> memref<18432xf32, #tpu.memory_space<hbm>>
      %dma_start3A_25 = tpu.memref_slice %arg3[%add3A_24] : memref<1179648xf32, #tpu.memory_space<hbm>> -> memref<18432xf32, #tpu.memory_space<hbm>>
      tpu.enqueue_dma source(%dma_start3A_25 : memref<18432xf32, #tpu.memory_space<hbm>>) target(%arg8 : memref<18432xf32, #tpu.memory_space<vmem>>) target_semaphore(%arg16 : memref<!tpu.dma_semaphore, #tpu.memory_space<semaphore_mem>>)
      %dma_start3A_26 = tpu.memref_slice %arg5[%add3A_24] : memref<1179648xf32, #tpu.memory_space<hbm>> -> memref<18432xf32, #tpu.memory_space<hbm>>
      %dma_start3A_27 = tpu.memref_slice %arg5[%add3A_24] : memref<1179648xf32, #tpu.memory_space<hbm>> -> memref<18432xf32, #tpu.memory_space<hbm>>
      tpu.enqueue_dma source(%dma_start3A_27 : memref<18432xf32, #tpu.memory_space<hbm>>) target(%arg9 : memref<18432xf32, #tpu.memory_space<vmem>>) target_semaphore(%arg16 : memref<!tpu.dma_semaphore, #tpu.memory_space<semaphore_mem>>)
      %dma_start3A_28 = tpu.memref_slice %arg6[%add3A_24] : memref<1179648xf32, #tpu.memory_space<hbm>> -> memref<18432xf32, #tpu.memory_space<hbm>>
      %dma_start3A_29 = tpu.memref_slice %arg6[%add3A_24] : memref<1179648xf32, #tpu.memory_space<hbm>> -> memref<18432xf32, #tpu.memory_space<hbm>>
      tpu.enqueue_dma source(%dma_start3A_29 : memref<18432xf32, #tpu.memory_space<hbm>>) target(%arg10 : memref<18432xf32, #tpu.memory_space<vmem>>) target_semaphore(%arg16 : memref<!tpu.dma_semaphore, #tpu.memory_space<semaphore_mem>>)
      %add3A_30 = arith.constant 18432 : i32
      %add3A_31 = arith.addi %add3A_22, %add3A_30 : i32
      %dma_start3A_32 = tpu.memref_slice %arg3[%add3A_31] : memref<1179648xf32, #tpu.memory_space<hbm>> -> memref<18432xf32, #tpu.memory_space<hbm>>
      %dma_start3A_33 = tpu.memref_slice %arg3[%add3A_31] : memref<1179648xf32, #tpu.memory_space<hbm>> -> memref<18432xf32, #tpu.memory_space<hbm>>
      tpu.enqueue_dma source(%dma_start3A_33 : memref<18432xf32, #tpu.memory_space<hbm>>) target(%arg11 : memref<18432xf32, #tpu.memory_space<vmem>>) target_semaphore(%arg17 : memref<!tpu.dma_semaphore, #tpu.memory_space<semaphore_mem>>)
      %dma_start3A_34 = tpu.memref_slice %arg5[%add3A_31] : memref<1179648xf32, #tpu.memory_space<hbm>> -> memref<18432xf32, #tpu.memory_space<hbm>>
      %dma_start3A_35 = tpu.memref_slice %arg5[%add3A_31] : memref<1179648xf32, #tpu.memory_space<hbm>> -> memref<18432xf32, #tpu.memory_space<hbm>>
      tpu.enqueue_dma source(%dma_start3A_35 : memref<18432xf32, #tpu.memory_space<hbm>>) target(%arg12 : memref<18432xf32, #tpu.memory_space<vmem>>) target_semaphore(%arg17 : memref<!tpu.dma_semaphore, #tpu.memory_space<semaphore_mem>>)
      %dma_start3A_36 = tpu.memref_slice %arg6[%add3A_31] : memref<1179648xf32, #tpu.memory_space<hbm>> -> memref<18432xf32, #tpu.memory_space<hbm>>
      %dma_start3A_37 = tpu.memref_slice %arg6[%add3A_31] : memref<1179648xf32, #tpu.memory_space<hbm>> -> memref<18432xf32, #tpu.memory_space<hbm>>
      tpu.enqueue_dma source(%dma_start3A_37 : memref<18432xf32, #tpu.memory_space<hbm>>) target(%arg13 : memref<18432xf32, #tpu.memory_space<vmem>>) target_semaphore(%arg17 : memref<!tpu.dma_semaphore, #tpu.memory_space<semaphore_mem>>)
      %dma_wait3A = tpu.memref_slice %arg3[%add3A_24] : memref<1179648xf32, #tpu.memory_space<hbm>> -> memref<18432xf32, #tpu.memory_space<hbm>>
      %dma_wait3A_38 = tpu.memref_slice %arg3[%add3A_24] : memref<1179648xf32, #tpu.memory_space<hbm>> -> memref<18432xf32, #tpu.memory_space<hbm>>
      tpu.wait_dma2 semaphore(%arg16 : memref<!tpu.dma_semaphore, #tpu.memory_space<semaphore_mem>>) src(%dma_wait3A_38 : memref<18432xf32, #tpu.memory_space<hbm>>) dst(%arg8 : memref<18432xf32, #tpu.memory_space<vmem>>)
      %dma_wait3A_39 = tpu.memref_slice %arg5[%add3A_24] : memref<1179648xf32, #tpu.memory_space<hbm>> -> memref<18432xf32, #tpu.memory_space<hbm>>
      %dma_wait3A_40 = tpu.memref_slice %arg5[%add3A_24] : memref<1179648xf32, #tpu.memory_space<hbm>> -> memref<18432xf32, #tpu.memory_space<hbm>>
      tpu.wait_dma2 semaphore(%arg16 : memref<!tpu.dma_semaphore, #tpu.memory_space<semaphore_mem>>) src(%dma_wait3A_40 : memref<18432xf32, #tpu.memory_space<hbm>>) dst(%arg9 : memref<18432xf32, #tpu.memory_space<vmem>>)
      %dma_wait3A_41 = tpu.memref_slice %arg6[%add3A_24] : memref<1179648xf32, #tpu.memory_space<hbm>> -> memref<18432xf32, #tpu.memory_space<hbm>>
      %dma_wait3A_42 = tpu.memref_slice %arg6[%add3A_24] : memref<1179648xf32, #tpu.memory_space<hbm>> -> memref<18432xf32, #tpu.memory_space<hbm>>
      tpu.wait_dma2 semaphore(%arg16 : memref<!tpu.dma_semaphore, #tpu.memory_space<semaphore_mem>>) src(%dma_wait3A_42 : memref<18432xf32, #tpu.memory_space<hbm>>) dst(%arg10 : memref<18432xf32, #tpu.memory_space<vmem>>)
      %parallel_loop3A = arith.constant 0 : i32
      %parallel_loop3A_43 = arith.constant 18432 : i32
      %parallel_loop3A_44 = arith.constant 16 : i32
      %parallel_loop3A_45:3 = scf.for %parallel_loop3A_118 = %parallel_loop3A to %parallel_loop3A_43 step %parallel_loop3A_44 iter_args(%parallel_loop3A_119 = %broadcast_in_dim3A_3, %parallel_loop3A_120 = %broadcast_in_dim3A_3, %parallel_loop3A_121 = %broadcast_in_dim3A_3) -> (vector<16xf32>, vector<16xf32>, vector<16xf32>)  : i32 {
        %parallel_loop3A_122 = arith.index_cast %parallel_loop3A_118 : i32 to index
        %parallel_loop3A_123 = tpu.vector_load %arg8[%parallel_loop3A_122] {strides = array<i32>} : memref<18432xf32, #tpu.memory_space<vmem>>, vector<16xf32>,
        %parallel_loop3A_124 = arith.index_cast %parallel_loop3A_118 : i32 to index
        %parallel_loop3A_125 = tpu.vector_load %arg9[%parallel_loop3A_124] {strides = array<i32>} : memref<18432xf32, #tpu.memory_space<vmem>>, vector<16xf32>,
        %parallel_loop3A_126 = arith.index_cast %parallel_loop3A_118 : i32 to index
        %parallel_loop3A_127 = tpu.vector_load %arg10[%parallel_loop3A_126] {strides = array<i32>} : memref<18432xf32, #tpu.memory_space<vmem>>, vector<16xf32>,
        %parallel_loop3A_128 = arith.subf %parallel_loop3A_125, %parallel_loop3A_123 : vector<16xf32>
        %parallel_loop3A_129 = arith.mulf %parallel_loop3A_128, %parallel_loop3A_128 : vector<16xf32>
        %parallel_loop3A_130 = arith.mulf %parallel_loop3A_129, %parallel_loop3A_127 : vector<16xf32>
        %parallel_loop3A_131 = arith.constant 1.000000e-01 : f32
        %parallel_loop3A_132 = vector.broadcast %parallel_loop3A_131 : f32 to vector<16xf32>
        %parallel_loop3A_133 = arith.cmpf oge, %parallel_loop3A_123, %parallel_loop3A_132 : vector<16xf32>
        %parallel_loop3A_134 = arith.addf %parallel_loop3A_119, %parallel_loop3A_130 : vector<16xf32>
        %parallel_loop3A_135 = arith.select %parallel_loop3A_133, %parallel_loop3A_130, %broadcast_in_dim3A_3 : vector<16xi1>, vector<16xf32>
        %parallel_loop3A_136 = arith.addf %parallel_loop3A_120, %parallel_loop3A_135 : vector<16xf32>
        %parallel_loop3A_137 = arith.select %parallel_loop3A_133, %broadcast_in_dim3A_5, %broadcast_in_dim3A_3 : vector<16xi1>, vector<16xf32>
        %parallel_loop3A_138 = arith.addf %parallel_loop3A_121, %parallel_loop3A_137 : vector<16xf32>
        scf.yield %parallel_loop3A_134, %parallel_loop3A_136, %parallel_loop3A_138 : vector<16xf32>, vector<16xf32>, vector<16xf32>
      } {sc.loop_unroll_factor = 8 : i64, sc.parallel_access}
      %add3A_46 = arith.constant 36864 : i32
      %add3A_47 = arith.addi %add3A_22, %add3A_46 : i32
      %dma_start3A_48 = tpu.memref_slice %arg3[%add3A_47] : memref<1179648xf32, #tpu.memory_space<hbm>> -> memref<18432xf32, #tpu.memory_space<hbm>>
      %dma_start3A_49 = tpu.memref_slice %arg3[%add3A_47] : memref<1179648xf32, #tpu.memory_space<hbm>> -> memref<18432xf32, #tpu.memory_space<hbm>>
      tpu.enqueue_dma source(%dma_start3A_49 : memref<18432xf32, #tpu.memory_space<hbm>>) target(%arg8 : memref<18432xf32, #tpu.memory_space<vmem>>) target_semaphore(%arg16 : memref<!tpu.dma_semaphore, #tpu.memory_space<semaphore_mem>>)
      %dma_start3A_50 = tpu.memref_slice %arg5[%add3A_47] : memref<1179648xf32, #tpu.memory_space<hbm>> -> memref<18432xf32, #tpu.memory_space<hbm>>
      %dma_start3A_51 = tpu.memref_slice %arg5[%add3A_47] : memref<1179648xf32, #tpu.memory_space<hbm>> -> memref<18432xf32, #tpu.memory_space<hbm>>
      tpu.enqueue_dma source(%dma_start3A_51 : memref<18432xf32, #tpu.memory_space<hbm>>) target(%arg9 : memref<18432xf32, #tpu.memory_space<vmem>>) target_semaphore(%arg16 : memref<!tpu.dma_semaphore, #tpu.memory_space<semaphore_mem>>)
      %dma_start3A_52 = tpu.memref_slice %arg6[%add3A_47] : memref<1179648xf32, #tpu.memory_space<hbm>> -> memref<18432xf32, #tpu.memory_space<hbm>>
      %dma_start3A_53 = tpu.memref_slice %arg6[%add3A_47] : memref<1179648xf32, #tpu.memory_space<hbm>> -> memref<18432xf32, #tpu.memory_space<hbm>>
      tpu.enqueue_dma source(%dma_start3A_53 : memref<18432xf32, #tpu.memory_space<hbm>>) target(%arg10 : memref<18432xf32, #tpu.memory_space<vmem>>) target_semaphore(%arg16 : memref<!tpu.dma_semaphore, #tpu.memory_space<semaphore_mem>>)
      %dma_wait3A_54 = tpu.memref_slice %arg3[%add3A_31] : memref<1179648xf32, #tpu.memory_space<hbm>> -> memref<18432xf32, #tpu.memory_space<hbm>>
      %dma_wait3A_55 = tpu.memref_slice %arg3[%add3A_31] : memref<1179648xf32, #tpu.memory_space<hbm>> -> memref<18432xf32, #tpu.memory_space<hbm>>
      tpu.wait_dma2 semaphore(%arg17 : memref<!tpu.dma_semaphore, #tpu.memory_space<semaphore_mem>>) src(%dma_wait3A_55 : memref<18432xf32, #tpu.memory_space<hbm>>) dst(%arg11 : memref<18432xf32, #tpu.memory_space<vmem>>)
      %dma_wait3A_56 = tpu.memref_slice %arg5[%add3A_31] : memref<1179648xf32, #tpu.memory_space<hbm>> -> memref<18432xf32, #tpu.memory_space<hbm>>
      %dma_wait3A_57 = tpu.memref_slice %arg5[%add3A_31] : memref<1179648xf32, #tpu.memory_space<hbm>> -> memref<18432xf32, #tpu.memory_space<hbm>>
      tpu.wait_dma2 semaphore(%arg17 : memref<!tpu.dma_semaphore, #tpu.memory_space<semaphore_mem>>) src(%dma_wait3A_57 : memref<18432xf32, #tpu.memory_space<hbm>>) dst(%arg12 : memref<18432xf32, #tpu.memory_space<vmem>>)
      %dma_wait3A_58 = tpu.memref_slice %arg6[%add3A_31] : memref<1179648xf32, #tpu.memory_space<hbm>> -> memref<18432xf32, #tpu.memory_space<hbm>>
      %dma_wait3A_59 = tpu.memref_slice %arg6[%add3A_31] : memref<1179648xf32, #tpu.memory_space<hbm>> -> memref<18432xf32, #tpu.memory_space<hbm>>
      tpu.wait_dma2 semaphore(%arg17 : memref<!tpu.dma_semaphore, #tpu.memory_space<semaphore_mem>>) src(%dma_wait3A_59 : memref<18432xf32, #tpu.memory_space<hbm>>) dst(%arg13 : memref<18432xf32, #tpu.memory_space<vmem>>)
      %parallel_loop3A_60 = arith.constant 0 : i32
      %parallel_loop3A_61 = arith.constant 18432 : i32
      %parallel_loop3A_62 = arith.constant 16 : i32
      %parallel_loop3A_63:3 = scf.for %parallel_loop3A_118 = %parallel_loop3A_60 to %parallel_loop3A_61 step %parallel_loop3A_62 iter_args(%parallel_loop3A_119 = %parallel_loop3A_45#0, %parallel_loop3A_120 = %parallel_loop3A_45#1, %parallel_loop3A_121 = %parallel_loop3A_45#2) -> (vector<16xf32>, vector<16xf32>, vector<16xf32>)  : i32 {
        %parallel_loop3A_122 = arith.index_cast %parallel_loop3A_118 : i32 to index
        %parallel_loop3A_123 = tpu.vector_load %arg11[%parallel_loop3A_122] {strides = array<i32>} : memref<18432xf32, #tpu.memory_space<vmem>>, vector<16xf32>,
        %parallel_loop3A_124 = arith.index_cast %parallel_loop3A_118 : i32 to index
        %parallel_loop3A_125 = tpu.vector_load %arg12[%parallel_loop3A_124] {strides = array<i32>} : memref<18432xf32, #tpu.memory_space<vmem>>, vector<16xf32>,
        %parallel_loop3A_126 = arith.index_cast %parallel_loop3A_118 : i32 to index
        %parallel_loop3A_127 = tpu.vector_load %arg13[%parallel_loop3A_126] {strides = array<i32>} : memref<18432xf32, #tpu.memory_space<vmem>>, vector<16xf32>,
        %parallel_loop3A_128 = arith.subf %parallel_loop3A_125, %parallel_loop3A_123 : vector<16xf32>
        %parallel_loop3A_129 = arith.mulf %parallel_loop3A_128, %parallel_loop3A_128 : vector<16xf32>
        %parallel_loop3A_130 = arith.mulf %parallel_loop3A_129, %parallel_loop3A_127 : vector<16xf32>
        %parallel_loop3A_131 = arith.constant 1.000000e-01 : f32
        %parallel_loop3A_132 = vector.broadcast %parallel_loop3A_131 : f32 to vector<16xf32>
        %parallel_loop3A_133 = arith.cmpf oge, %parallel_loop3A_123, %parallel_loop3A_132 : vector<16xf32>
        %parallel_loop3A_134 = arith.addf %parallel_loop3A_119, %parallel_loop3A_130 : vector<16xf32>
        %parallel_loop3A_135 = arith.select %parallel_loop3A_133, %parallel_loop3A_130, %broadcast_in_dim3A_3 : vector<16xi1>, vector<16xf32>
        %parallel_loop3A_136 = arith.addf %parallel_loop3A_120, %parallel_loop3A_135 : vector<16xf32>
        %parallel_loop3A_137 = arith.select %parallel_loop3A_133, %broadcast_in_dim3A_5, %broadcast_in_dim3A_3 : vector<16xi1>, vector<16xf32>
        %parallel_loop3A_138 = arith.addf %parallel_loop3A_121, %parallel_loop3A_137 : vector<16xf32>
        scf.yield %parallel_loop3A_134, %parallel_loop3A_136, %parallel_loop3A_138 : vector<16xf32>, vector<16xf32>, vector<16xf32>
      } {sc.loop_unroll_factor = 8 : i64, sc.parallel_access}
      %add3A_64 = arith.constant 55296 : i32
      %add3A_65 = arith.addi %add3A_22, %add3A_64 : i32
      %dma_start3A_66 = tpu.memref_slice %arg3[%add3A_65] : memref<1179648xf32, #tpu.memory_space<hbm>> -> memref<18432xf32, #tpu.memory_space<hbm>>
      %dma_start3A_67 = tpu.memref_slice %arg3[%add3A_65] : memref<1179648xf32, #tpu.memory_space<hbm>> -> memref<18432xf32, #tpu.memory_space<hbm>>
      tpu.enqueue_dma source(%dma_start3A_67 : memref<18432xf32, #tpu.memory_space<hbm>>) target(%arg11 : memref<18432xf32, #tpu.memory_space<vmem>>) target_semaphore(%arg17 : memref<!tpu.dma_semaphore, #tpu.memory_space<semaphore_mem>>)
      %dma_start3A_68 = tpu.memref_slice %arg5[%add3A_65] : memref<1179648xf32, #tpu.memory_space<hbm>> -> memref<18432xf32, #tpu.memory_space<hbm>>
      %dma_start3A_69 = tpu.memref_slice %arg5[%add3A_65] : memref<1179648xf32, #tpu.memory_space<hbm>> -> memref<18432xf32, #tpu.memory_space<hbm>>
      tpu.enqueue_dma source(%dma_start3A_69 : memref<18432xf32, #tpu.memory_space<hbm>>) target(%arg12 : memref<18432xf32, #tpu.memory_space<vmem>>) target_semaphore(%arg17 : memref<!tpu.dma_semaphore, #tpu.memory_space<semaphore_mem>>)
      %dma_start3A_70 = tpu.memref_slice %arg6[%add3A_65] : memref<1179648xf32, #tpu.memory_space<hbm>> -> memref<18432xf32, #tpu.memory_space<hbm>>
      %dma_start3A_71 = tpu.memref_slice %arg6[%add3A_65] : memref<1179648xf32, #tpu.memory_space<hbm>> -> memref<18432xf32, #tpu.memory_space<hbm>>
      tpu.enqueue_dma source(%dma_start3A_71 : memref<18432xf32, #tpu.memory_space<hbm>>) target(%arg13 : memref<18432xf32, #tpu.memory_space<vmem>>) target_semaphore(%arg17 : memref<!tpu.dma_semaphore, #tpu.memory_space<semaphore_mem>>)
      %dma_wait3A_72 = tpu.memref_slice %arg3[%add3A_47] : memref<1179648xf32, #tpu.memory_space<hbm>> -> memref<18432xf32, #tpu.memory_space<hbm>>
      %dma_wait3A_73 = tpu.memref_slice %arg3[%add3A_47] : memref<1179648xf32, #tpu.memory_space<hbm>> -> memref<18432xf32, #tpu.memory_space<hbm>>
      tpu.wait_dma2 semaphore(%arg16 : memref<!tpu.dma_semaphore, #tpu.memory_space<semaphore_mem>>) src(%dma_wait3A_73 : memref<18432xf32, #tpu.memory_space<hbm>>) dst(%arg8 : memref<18432xf32, #tpu.memory_space<vmem>>)
      %dma_wait3A_74 = tpu.memref_slice %arg5[%add3A_47] : memref<1179648xf32, #tpu.memory_space<hbm>> -> memref<18432xf32, #tpu.memory_space<hbm>>
      %dma_wait3A_75 = tpu.memref_slice %arg5[%add3A_47] : memref<1179648xf32, #tpu.memory_space<hbm>> -> memref<18432xf32, #tpu.memory_space<hbm>>
      tpu.wait_dma2 semaphore(%arg16 : memref<!tpu.dma_semaphore, #tpu.memory_space<semaphore_mem>>) src(%dma_wait3A_75 : memref<18432xf32, #tpu.memory_space<hbm>>) dst(%arg9 : memref<18432xf32, #tpu.memory_space<vmem>>)
      %dma_wait3A_76 = tpu.memref_slice %arg6[%add3A_47] : memref<1179648xf32, #tpu.memory_space<hbm>> -> memref<18432xf32, #tpu.memory_space<hbm>>
      %dma_wait3A_77 = tpu.memref_slice %arg6[%add3A_47] : memref<1179648xf32, #tpu.memory_space<hbm>> -> memref<18432xf32, #tpu.memory_space<hbm>>
      tpu.wait_dma2 semaphore(%arg16 : memref<!tpu.dma_semaphore, #tpu.memory_space<semaphore_mem>>) src(%dma_wait3A_77 : memref<18432xf32, #tpu.memory_space<hbm>>) dst(%arg10 : memref<18432xf32, #tpu.memory_space<vmem>>)
      %parallel_loop3A_78 = arith.constant 0 : i32
      %parallel_loop3A_79 = arith.constant 18432 : i32
      %parallel_loop3A_80 = arith.constant 16 : i32
      %parallel_loop3A_81:3 = scf.for %parallel_loop3A_118 = %parallel_loop3A_78 to %parallel_loop3A_79 step %parallel_loop3A_80 iter_args(%parallel_loop3A_119 = %parallel_loop3A_63#0, %parallel_loop3A_120 = %parallel_loop3A_63#1, %parallel_loop3A_121 = %parallel_loop3A_63#2) -> (vector<16xf32>, vector<16xf32>, vector<16xf32>)  : i32 {
        %parallel_loop3A_122 = arith.index_cast %parallel_loop3A_118 : i32 to index
        %parallel_loop3A_123 = tpu.vector_load %arg8[%parallel_loop3A_122] {strides = array<i32>} : memref<18432xf32, #tpu.memory_space<vmem>>, vector<16xf32>,
        %parallel_loop3A_124 = arith.index_cast %parallel_loop3A_118 : i32 to index
        %parallel_loop3A_125 = tpu.vector_load %arg9[%parallel_loop3A_124] {strides = array<i32>} : memref<18432xf32, #tpu.memory_space<vmem>>, vector<16xf32>,
        %parallel_loop3A_126 = arith.index_cast %parallel_loop3A_118 : i32 to index
        %parallel_loop3A_127 = tpu.vector_load %arg10[%parallel_loop3A_126] {strides = array<i32>} : memref<18432xf32, #tpu.memory_space<vmem>>, vector<16xf32>,
        %parallel_loop3A_128 = arith.subf %parallel_loop3A_125, %parallel_loop3A_123 : vector<16xf32>
        %parallel_loop3A_129 = arith.mulf %parallel_loop3A_128, %parallel_loop3A_128 : vector<16xf32>
        %parallel_loop3A_130 = arith.mulf %parallel_loop3A_129, %parallel_loop3A_127 : vector<16xf32>
        %parallel_loop3A_131 = arith.constant 1.000000e-01 : f32
        %parallel_loop3A_132 = vector.broadcast %parallel_loop3A_131 : f32 to vector<16xf32>
        %parallel_loop3A_133 = arith.cmpf oge, %parallel_loop3A_123, %parallel_loop3A_132 : vector<16xf32>
        %parallel_loop3A_134 = arith.addf %parallel_loop3A_119, %parallel_loop3A_130 : vector<16xf32>
        %parallel_loop3A_135 = arith.select %parallel_loop3A_133, %parallel_loop3A_130, %broadcast_in_dim3A_3 : vector<16xi1>, vector<16xf32>
        %parallel_loop3A_136 = arith.addf %parallel_loop3A_120, %parallel_loop3A_135 : vector<16xf32>
        %parallel_loop3A_137 = arith.select %parallel_loop3A_133, %broadcast_in_dim3A_5, %broadcast_in_dim3A_3 : vector<16xi1>, vector<16xf32>
        %parallel_loop3A_138 = arith.addf %parallel_loop3A_121, %parallel_loop3A_137 : vector<16xf32>
        scf.yield %parallel_loop3A_134, %parallel_loop3A_136, %parallel_loop3A_138 : vector<16xf32>, vector<16xf32>, vector<16xf32>
      } {sc.loop_unroll_factor = 8 : i64, sc.parallel_access}
      %dma_wait3A_82 = tpu.memref_slice %arg3[%add3A_65] : memref<1179648xf32, #tpu.memory_space<hbm>> -> memref<18432xf32, #tpu.memory_space<hbm>>
      %dma_wait3A_83 = tpu.memref_slice %arg3[%add3A_65] : memref<1179648xf32, #tpu.memory_space<hbm>> -> memref<18432xf32, #tpu.memory_space<hbm>>
      tpu.wait_dma2 semaphore(%arg17 : memref<!tpu.dma_semaphore, #tpu.memory_space<semaphore_mem>>) src(%dma_wait3A_83 : memref<18432xf32, #tpu.memory_space<hbm>>) dst(%arg11 : memref<18432xf32, #tpu.memory_space<vmem>>)
      %dma_wait3A_84 = tpu.memref_slice %arg5[%add3A_65] : memref<1179648xf32, #tpu.memory_space<hbm>> -> memref<18432xf32, #tpu.memory_space<hbm>>
      %dma_wait3A_85 = tpu.memref_slice %arg5[%add3A_65] : memref<1179648xf32, #tpu.memory_space<hbm>> -> memref<18432xf32, #tpu.memory_space<hbm>>
      tpu.wait_dma2 semaphore(%arg17 : memref<!tpu.dma_semaphore, #tpu.memory_space<semaphore_mem>>) src(%dma_wait3A_85 : memref<18432xf32, #tpu.memory_space<hbm>>) dst(%arg12 : memref<18432xf32, #tpu.memory_space<vmem>>)
      %dma_wait3A_86 = tpu.memref_slice %arg6[%add3A_65] : memref<1179648xf32, #tpu.memory_space<hbm>> -> memref<18432xf32, #tpu.memory_space<hbm>>
      %dma_wait3A_87 = tpu.memref_slice %arg6[%add3A_65] : memref<1179648xf32, #tpu.memory_space<hbm>> -> memref<18432xf32, #tpu.memory_space<hbm>>
      tpu.wait_dma2 semaphore(%arg17 : memref<!tpu.dma_semaphore, #tpu.memory_space<semaphore_mem>>) src(%dma_wait3A_87 : memref<18432xf32, #tpu.memory_space<hbm>>) dst(%arg13 : memref<18432xf32, #tpu.memory_space<vmem>>)
      %parallel_loop3A_88 = arith.constant 0 : i32
      %parallel_loop3A_89 = arith.constant 18432 : i32
      %parallel_loop3A_90 = arith.constant 16 : i32
      %parallel_loop3A_91:3 = scf.for %parallel_loop3A_118 = %parallel_loop3A_88 to %parallel_loop3A_89 step %parallel_loop3A_90 iter_args(%parallel_loop3A_119 = %parallel_loop3A_81#0, %parallel_loop3A_120 = %parallel_loop3A_81#1, %parallel_loop3A_121 = %parallel_loop3A_81#2) -> (vector<16xf32>, vector<16xf32>, vector<16xf32>)  : i32 {
        %parallel_loop3A_122 = arith.index_cast %parallel_loop3A_118 : i32 to index
        %parallel_loop3A_123 = tpu.vector_load %arg11[%parallel_loop3A_122] {strides = array<i32>} : memref<18432xf32, #tpu.memory_space<vmem>>, vector<16xf32>,
        %parallel_loop3A_124 = arith.index_cast %parallel_loop3A_118 : i32 to index
        %parallel_loop3A_125 = tpu.vector_load %arg12[%parallel_loop3A_124] {strides = array<i32>} : memref<18432xf32, #tpu.memory_space<vmem>>, vector<16xf32>,
        %parallel_loop3A_126 = arith.index_cast %parallel_loop3A_118 : i32 to index
        %parallel_loop3A_127 = tpu.vector_load %arg13[%parallel_loop3A_126] {strides = array<i32>} : memref<18432xf32, #tpu.memory_space<vmem>>, vector<16xf32>,
        %parallel_loop3A_128 = arith.subf %parallel_loop3A_125, %parallel_loop3A_123 : vector<16xf32>
        %parallel_loop3A_129 = arith.mulf %parallel_loop3A_128, %parallel_loop3A_128 : vector<16xf32>
        %parallel_loop3A_130 = arith.mulf %parallel_loop3A_129, %parallel_loop3A_127 : vector<16xf32>
        %parallel_loop3A_131 = arith.constant 1.000000e-01 : f32
        %parallel_loop3A_132 = vector.broadcast %parallel_loop3A_131 : f32 to vector<16xf32>
        %parallel_loop3A_133 = arith.cmpf oge, %parallel_loop3A_123, %parallel_loop3A_132 : vector<16xf32>
        %parallel_loop3A_134 = arith.addf %parallel_loop3A_119, %parallel_loop3A_130 : vector<16xf32>
        %parallel_loop3A_135 = arith.select %parallel_loop3A_133, %parallel_loop3A_130, %broadcast_in_dim3A_3 : vector<16xi1>, vector<16xf32>
        %parallel_loop3A_136 = arith.addf %parallel_loop3A_120, %parallel_loop3A_135 : vector<16xf32>
        %parallel_loop3A_137 = arith.select %parallel_loop3A_133, %broadcast_in_dim3A_5, %broadcast_in_dim3A_3 : vector<16xi1>, vector<16xf32>
        %parallel_loop3A_138 = arith.addf %parallel_loop3A_121, %parallel_loop3A_137 : vector<16xf32>
        scf.yield %parallel_loop3A_134, %parallel_loop3A_136, %parallel_loop3A_138 : vector<16xf32>, vector<16xf32>, vector<16xf32>
      } {sc.loop_unroll_factor = 8 : i64, sc.parallel_access}
      %eq3A_92 = arith.constant 1 : i32
      %eq3A_93 = vector.broadcast %eq3A_92 : i32 to vector<16xi32>
      %eq3A_94 = arith.cmpi eq, %iota3A, %eq3A_93 : vector<16xi32>
      %reduce_sum3A = arith.constant true
      %reduce_sum3A_95 = vector.broadcast %reduce_sum3A : i1 to vector<16xi1>
      %reduce_sum3A_96 = tpu.scan <sum>, %parallel_loop3A_91#0 masked %reduce_sum3A_95 : vector<16xf32>, vector<16xi1> -> vector<16xf32>
      %reduce_sum3A_97 = vector.extract %reduce_sum3A_96[15] : f32 from vector<16xf32>
      %broadcast_in_dim3A_98 = vector.broadcast %reduce_sum3A_97 : f32 to vector<16xf32>
      %eq3A_99 = arith.constant 2 : i32
      %eq3A_100 = vector.broadcast %eq3A_99 : i32 to vector<16xi32>
      %eq3A_101 = arith.cmpi eq, %iota3A, %eq3A_100 : vector<16xi32>
      %reduce_sum3A_102 = arith.constant true
      %reduce_sum3A_103 = vector.broadcast %reduce_sum3A_102 : i1 to vector<16xi1>
      %reduce_sum3A_104 = tpu.scan <sum>, %parallel_loop3A_91#1 masked %reduce_sum3A_103 : vector<16xf32>, vector<16xi1> -> vector<16xf32>
      %reduce_sum3A_105 = vector.extract %reduce_sum3A_104[15] : f32 from vector<16xf32>
      %broadcast_in_dim3A_106 = vector.broadcast %reduce_sum3A_105 : f32 to vector<16xf32>
      %eq3A_107 = arith.constant 3 : i32
      %eq3A_108 = vector.broadcast %eq3A_107 : i32 to vector<16xi32>
      %eq3A_109 = arith.cmpi eq, %iota3A, %eq3A_108 : vector<16xi32>
      %reduce_sum3A_110 = arith.constant true
      %reduce_sum3A_111 = vector.broadcast %reduce_sum3A_110 : i1 to vector<16xi1>
      %reduce_sum3A_112 = tpu.scan <sum>, %parallel_loop3A_91#2 masked %reduce_sum3A_111 : vector<16xf32>, vector<16xi1> -> vector<16xf32>
      %reduce_sum3A_113 = vector.extract %reduce_sum3A_112[15] : f32 from vector<16xf32>
      %broadcast_in_dim3A_114 = vector.broadcast %reduce_sum3A_113 : f32 to vector<16xf32>
      %select_n3A = arith.select %eq3A_109, %broadcast_in_dim3A_114, %broadcast_in_dim3A_3 : vector<16xi1>, vector<16xf32>
      %select_n3A_115 = arith.select %eq3A_101, %broadcast_in_dim3A_106, %select_n3A : vector<16xi1>, vector<16xf32>
      %select_n3A_116 = arith.select %eq3A_94, %broadcast_in_dim3A_98, %select_n3A_115 : vector<16xi1>, vector<16xf32>
      %swap3A = arith.constant 0 : index
      %swap3A_117 = tpu.vector_load %arg15[%swap3A] {strides = array<i32>} : memref<16xf32, #tpu.memory_space<vmem>>, vector<16xf32>,
      tpu.vector_store %arg15[%swap3A], %select_n3A_116 {strides = array<i32>} : memref<16xf32, #tpu.memory_space<vmem>>, vector<16xf32>,
    } else {
    }
    "tpu.region"() ({
      %run_scoped3A = tpu.sem_alloc : memref<!tpu.dma_semaphore, #tpu.memory_space<semaphore_mem>>
      %dma_start3A = arith.constant 0 : i32
      %dma_start3A_18 = tpu.memref_slice %arg7[%add3A, %dma_start3A] : memref<32x16xf32, #tpu.memory_space<hbm>> -> memref<1x16xf32, #tpu.memory_space<hbm>>
      %dma_start3A_19 = tpu.memref_squeeze %dma_start3A_18 : memref<1x16xf32, #tpu.memory_space<hbm>> -> memref<16xf32, #tpu.memory_space<hbm>>
      %dma_start3A_20 = arith.constant 0 : i32
      %dma_start3A_21 = tpu.memref_slice %arg7[%add3A, %dma_start3A_20] : memref<32x16xf32, #tpu.memory_space<hbm>> -> memref<1x16xf32, #tpu.memory_space<hbm>>
      %dma_start3A_22 = tpu.memref_squeeze %dma_start3A_21 : memref<1x16xf32, #tpu.memory_space<hbm>> -> memref<16xf32, #tpu.memory_space<hbm>>
      tpu.enqueue_dma source(%arg15 : memref<16xf32, #tpu.memory_space<vmem>>) target(%dma_start3A_22 : memref<16xf32, #tpu.memory_space<hbm>>) target_semaphore(%run_scoped3A : memref<!tpu.dma_semaphore, #tpu.memory_space<semaphore_mem>>)
      %dma_wait3A = arith.constant 0 : i32
      %dma_wait3A_23 = tpu.memref_slice %arg7[%add3A, %dma_wait3A] : memref<32x16xf32, #tpu.memory_space<hbm>> -> memref<1x16xf32, #tpu.memory_space<hbm>>
      %dma_wait3A_24 = tpu.memref_squeeze %dma_wait3A_23 : memref<1x16xf32, #tpu.memory_space<hbm>> -> memref<16xf32, #tpu.memory_space<hbm>>
      %dma_wait3A_25 = arith.constant 0 : i32
      %dma_wait3A_26 = tpu.memref_slice %arg7[%add3A, %dma_wait3A_25] : memref<32x16xf32, #tpu.memory_space<hbm>> -> memref<1x16xf32, #tpu.memory_space<hbm>>
      %dma_wait3A_27 = tpu.memref_squeeze %dma_wait3A_26 : memref<1x16xf32, #tpu.memory_space<hbm>> -> memref<16xf32, #tpu.memory_space<hbm>>
      tpu.wait_dma2 semaphore(%run_scoped3A : memref<!tpu.dma_semaphore, #tpu.memory_space<semaphore_mem>>) src(%arg15 : memref<16xf32, #tpu.memory_space<vmem>>) dst(%dma_wait3A_27 : memref<16xf32, #tpu.memory_space<hbm>>)
      tpu.yield
    }) : () -> ()
    %barrier3A = arith.constant 0 : index
    tpu.barrier barrier_id(%barrier3A)
    %eq3A_13 = arith.constant 0 : i32
    %eq3A_14 = arith.cmpi eq, %and3A_1, %eq3A_13 : i32
    %convert_element_type3A_15 = arith.extui %eq3A_14 : i1 to i32
    %cond3A_16 = arith.constant 0 : i32
    %cond3A_17 = arith.cmpi ne, %convert_element_type3A_15, %cond3A_16 : i32
    scf.if %cond3A_17 {
      %xor3A = arith.constant 1 : i32
      %xor3A_18 = arith.xori %arg1, %xor3A : i32
      %mul3A_19 = arith.constant 16 : i32
      %mul3A_20 = arith.muli %arg0, %mul3A_19 : i32
      %add3A_21 = arith.addi %mul3A_20, %xor3A_18 : i32
      "tpu.region"() ({
        %run_scoped3A = tpu.sem_alloc : memref<!tpu.dma_semaphore, #tpu.memory_space<semaphore_mem>>
        %dma_start3A = arith.constant 0 : i32
        %dma_start3A_105 = tpu.memref_slice %arg7[%add3A_21, %dma_start3A] : memref<32x16xf32, #tpu.memory_space<hbm>> -> memref<1x16xf32, #tpu.memory_space<hbm>>
        %dma_start3A_106 = tpu.memref_squeeze %dma_start3A_105 : memref<1x16xf32, #tpu.memory_space<hbm>> -> memref<16xf32, #tpu.memory_space<hbm>>
        %dma_start3A_107 = arith.constant 0 : i32
        %dma_start3A_108 = tpu.memref_slice %arg7[%add3A_21, %dma_start3A_107] : memref<32x16xf32, #tpu.memory_space<hbm>> -> memref<1x16xf32, #tpu.memory_space<hbm>>
        %dma_start3A_109 = tpu.memref_squeeze %dma_start3A_108 : memref<1x16xf32, #tpu.memory_space<hbm>> -> memref<16xf32, #tpu.memory_space<hbm>>
        tpu.enqueue_dma source(%dma_start3A_109 : memref<16xf32, #tpu.memory_space<hbm>>) target(%arg14 : memref<16xf32, #tpu.memory_space<vmem>>) target_semaphore(%run_scoped3A : memref<!tpu.dma_semaphore, #tpu.memory_space<semaphore_mem>>)
        %dma_wait3A = arith.constant 0 : i32
        %dma_wait3A_110 = tpu.memref_slice %arg7[%add3A_21, %dma_wait3A] : memref<32x16xf32, #tpu.memory_space<hbm>> -> memref<1x16xf32, #tpu.memory_space<hbm>>
        %dma_wait3A_111 = tpu.memref_squeeze %dma_wait3A_110 : memref<1x16xf32, #tpu.memory_space<hbm>> -> memref<16xf32, #tpu.memory_space<hbm>>
        %dma_wait3A_112 = arith.constant 0 : i32
        %dma_wait3A_113 = tpu.memref_slice %arg7[%add3A_21, %dma_wait3A_112] : memref<32x16xf32, #tpu.memory_space<hbm>> -> memref<1x16xf32, #tpu.memory_space<hbm>>
        %dma_wait3A_114 = tpu.memref_squeeze %dma_wait3A_113 : memref<1x16xf32, #tpu.memory_space<hbm>> -> memref<16xf32, #tpu.memory_space<hbm>>
        tpu.wait_dma2 semaphore(%run_scoped3A : memref<!tpu.dma_semaphore, #tpu.memory_space<semaphore_mem>>) src(%dma_wait3A_114 : memref<16xf32, #tpu.memory_space<hbm>>) dst(%arg14 : memref<16xf32, #tpu.memory_space<vmem>>)
        tpu.yield
      }) : () -> ()
      %get3A = arith.constant 0 : index
      %get3A_22 = tpu.vector_load %arg15[%get3A] {strides = array<i32>} : memref<16xf32, #tpu.memory_space<vmem>>, vector<16xf32>,
      %get3A_23 = arith.constant 0 : index
      %get3A_24 = tpu.vector_load %arg14[%get3A_23] {strides = array<i32>} : memref<16xf32, #tpu.memory_space<vmem>>, vector<16xf32>,
      %eq3A_25 = arith.constant 1 : i32
      %eq3A_26 = vector.broadcast %eq3A_25 : i32 to vector<16xi32>
      %eq3A_27 = arith.cmpi eq, %iota3A, %eq3A_26 : vector<16xi32>
      %select_n3A = arith.select %eq3A_27, %get3A_22, %broadcast_in_dim3A_3 : vector<16xi1>, vector<16xf32>
      %reduce_sum3A = arith.constant true
      %reduce_sum3A_28 = vector.broadcast %reduce_sum3A : i1 to vector<16xi1>
      %reduce_sum3A_29 = tpu.scan <sum>, %select_n3A masked %reduce_sum3A_28 : vector<16xf32>, vector<16xi1> -> vector<16xf32>
      %reduce_sum3A_30 = vector.extract %reduce_sum3A_29[15] : f32 from vector<16xf32>
      %eq3A_31 = arith.constant 1 : i32
      %eq3A_32 = vector.broadcast %eq3A_31 : i32 to vector<16xi32>
      %eq3A_33 = arith.cmpi eq, %iota3A, %eq3A_32 : vector<16xi32>
      %select_n3A_34 = arith.select %eq3A_33, %get3A_24, %broadcast_in_dim3A_3 : vector<16xi1>, vector<16xf32>
      %reduce_sum3A_35 = arith.constant true
      %reduce_sum3A_36 = vector.broadcast %reduce_sum3A_35 : i1 to vector<16xi1>
      %reduce_sum3A_37 = tpu.scan <sum>, %select_n3A_34 masked %reduce_sum3A_36 : vector<16xf32>, vector<16xi1> -> vector<16xf32>
      %reduce_sum3A_38 = vector.extract %reduce_sum3A_37[15] : f32 from vector<16xf32>
      %add3A_39 = arith.addf %reduce_sum3A_30, %reduce_sum3A_38 : f32
      %eq3A_40 = arith.constant 2 : i32
      %eq3A_41 = vector.broadcast %eq3A_40 : i32 to vector<16xi32>
      %eq3A_42 = arith.cmpi eq, %iota3A, %eq3A_41 : vector<16xi32>
      %select_n3A_43 = arith.select %eq3A_42, %get3A_22, %broadcast_in_dim3A_3 : vector<16xi1>, vector<16xf32>
      %reduce_sum3A_44 = arith.constant true
      %reduce_sum3A_45 = vector.broadcast %reduce_sum3A_44 : i1 to vector<16xi1>
      %reduce_sum3A_46 = tpu.scan <sum>, %select_n3A_43 masked %reduce_sum3A_45 : vector<16xf32>, vector<16xi1> -> vector<16xf32>
      %reduce_sum3A_47 = vector.extract %reduce_sum3A_46[15] : f32 from vector<16xf32>
      %eq3A_48 = arith.constant 2 : i32
      %eq3A_49 = vector.broadcast %eq3A_48 : i32 to vector<16xi32>
      %eq3A_50 = arith.cmpi eq, %iota3A, %eq3A_49 : vector<16xi32>
      %select_n3A_51 = arith.select %eq3A_50, %get3A_24, %broadcast_in_dim3A_3 : vector<16xi1>, vector<16xf32>
      %reduce_sum3A_52 = arith.constant true
      %reduce_sum3A_53 = vector.broadcast %reduce_sum3A_52 : i1 to vector<16xi1>
      %reduce_sum3A_54 = tpu.scan <sum>, %select_n3A_51 masked %reduce_sum3A_53 : vector<16xf32>, vector<16xi1> -> vector<16xf32>
      %reduce_sum3A_55 = vector.extract %reduce_sum3A_54[15] : f32 from vector<16xf32>
      %add3A_56 = arith.addf %reduce_sum3A_47, %reduce_sum3A_55 : f32
      %eq3A_57 = arith.constant 3 : i32
      %eq3A_58 = vector.broadcast %eq3A_57 : i32 to vector<16xi32>
      %eq3A_59 = arith.cmpi eq, %iota3A, %eq3A_58 : vector<16xi32>
      %select_n3A_60 = arith.select %eq3A_59, %get3A_22, %broadcast_in_dim3A_3 : vector<16xi1>, vector<16xf32>
      %reduce_sum3A_61 = arith.constant true
      %reduce_sum3A_62 = vector.broadcast %reduce_sum3A_61 : i1 to vector<16xi1>
      %reduce_sum3A_63 = tpu.scan <sum>, %select_n3A_60 masked %reduce_sum3A_62 : vector<16xf32>, vector<16xi1> -> vector<16xf32>
      %reduce_sum3A_64 = vector.extract %reduce_sum3A_63[15] : f32 from vector<16xf32>
      %eq3A_65 = arith.constant 3 : i32
      %eq3A_66 = vector.broadcast %eq3A_65 : i32 to vector<16xi32>
      %eq3A_67 = arith.cmpi eq, %iota3A, %eq3A_66 : vector<16xi32>
      %select_n3A_68 = arith.select %eq3A_67, %get3A_24, %broadcast_in_dim3A_3 : vector<16xi1>, vector<16xf32>
      %reduce_sum3A_69 = arith.constant true
      %reduce_sum3A_70 = vector.broadcast %reduce_sum3A_69 : i1 to vector<16xi1>
      %reduce_sum3A_71 = tpu.scan <sum>, %select_n3A_68 masked %reduce_sum3A_70 : vector<16xf32>, vector<16xi1> -> vector<16xf32>
      %reduce_sum3A_72 = vector.extract %reduce_sum3A_71[15] : f32 from vector<16xf32>
      %add3A_73 = arith.addf %reduce_sum3A_64, %reduce_sum3A_72 : f32
      %sub3A = arith.constant 1.474560e+05 : f32
      %sub3A_74 = arith.subf %sub3A, %add3A_73 : f32
      %mul3A_75 = arith.constant 3.000000e+00 : f32
      %mul3A_76 = arith.mulf %mul3A_75, %add3A_73 : f32
      %eq3A_77 = arith.constant 0.000000e+00 : f32
      %eq3A_78 = arith.cmpf oeq, %add3A_73, %eq3A_77 : f32
      %gt3A = arith.constant 0.000000e+00 : f32
      %gt3A_79 = arith.cmpf ogt, %add3A_73, %gt3A : f32
      %ge3A = arith.cmpf oge, %sub3A_74, %mul3A_76 : f32
      %and3A_80 = arith.andi %gt3A_79, %ge3A : i1
      %or3A = arith.ori %eq3A_78, %and3A_80 : i1
      %broadcast_in_dim3A_81 = vector.broadcast %add3A_56 : f32 to vector<16xf32>
      %broadcast_in_dim3A_82 = vector.broadcast %add3A_73 : f32 to vector<16xf32>
      %div3A = arith.divf %broadcast_in_dim3A_81, %broadcast_in_dim3A_82 : vector<16xf32>
      %sub3A_83 = arith.subf %add3A_39, %add3A_56 : f32
      %broadcast_in_dim3A_84 = vector.broadcast %sub3A_83 : f32 to vector<16xf32>
      %broadcast_in_dim3A_85 = vector.broadcast %sub3A_74 : f32 to vector<16xf32>
      %div3A_86 = arith.divf %broadcast_in_dim3A_84, %broadcast_in_dim3A_85 : vector<16xf32>
      %add3A_87 = arith.addf %div3A, %div3A_86 : vector<16xf32>
      %eq3A_88 = arith.constant 0 : i32
      %eq3A_89 = vector.broadcast %eq3A_88 : i32 to vector<16xi32>
      %eq3A_90 = arith.cmpi eq, %iota3A, %eq3A_89 : vector<16xi32>
      %select_n3A_91 = arith.select %eq3A_90, %add3A_87, %broadcast_in_dim3A_3 : vector<16xi1>, vector<16xf32>
      %swap3A = arith.constant 0 : index
      %swap3A_92 = tpu.vector_load %arg15[%swap3A] {strides = array<i32>} : memref<16xf32, #tpu.memory_space<vmem>>, vector<16xf32>,
      tpu.vector_store %arg15[%swap3A], %select_n3A_91 {strides = array<i32>} : memref<16xf32, #tpu.memory_space<vmem>>, vector<16xf32>,
      %eq3A_93 = arith.constant 0 : i32
      %eq3A_94 = arith.cmpi eq, %arg0, %eq3A_93 : i32
      %and3A_95 = arith.andi %or3A, %eq3A_94 : i1
      %convert_element_type3A_96 = arith.extui %and3A_95 : i1 to i32
      %cond3A_97 = arith.constant 0 : i32
      %cond3A_98 = arith.cmpi ne, %convert_element_type3A_96, %cond3A_97 : i32
      scf.if %cond3A_98 {
        %jit3A = arith.constant 5.000000e+02 : f32
        %select_n3A_105 = arith.select %eq3A_78, %jit3A, %mul3A_76 : f32
        %scan3A = arith.constant 0 : i32
        %scan3A_106 = arith.constant 2139095040 : i32
        %scan3A_107 = arith.constant 0 : i32
        %scan3A_108 = arith.constant 31 : i32
        %scan3A_109 = arith.addi %scan3A_107, %scan3A_108 : i32
        %scan3A_110 = arith.constant 1 : i32
        %scan3A_111:2 = scf.for %scan3A_146 = %scan3A_107 to %scan3A_109 step %scan3A_110 iter_args(%scan3A_147 = %scan3A, %scan3A_148 = %scan3A_106) -> (i32, i32)  : i32 {
          %sub3A_149 = arith.subi %scan3A_148, %scan3A_147 : i32
          %shift_right_logical3A_150 = arith.constant 1 : i32
          %shift_right_logical3A_151 = arith.shrui %sub3A_149, %shift_right_logical3A_150 : i32
          %add3A_152 = arith.addi %scan3A_147, %shift_right_logical3A_151 : i32
          %broadcast_in_dim3A_153 = vector.broadcast %add3A_152 : i32 to vector<16xi32>
          %bitcast3A_154 = vector.bitcast %broadcast_in_dim3A_153 : vector<16xi32> to vector<16xf32>
          %scan3A_155 = arith.constant false
          %scan3A_156 = arith.constant 0 : i32
          %scan3A_157 = arith.constant 8 : i32
          %scan3A_158 = arith.addi %scan3A_156, %scan3A_157 : i32
          %scan3A_159 = arith.constant 1 : i32
          %scan3A_160:2 = scf.for %scan3A_173 = %scan3A_156 to %scan3A_158 step %scan3A_159 iter_args(%scan3A_174 = %broadcast_in_dim3A_3, %scan3A_175 = %broadcast_in_dim3A_3) -> (vector<16xf32>, vector<16xf32>)  : i32 {
            %mul3A_176 = arith.constant 147456 : i32
            %mul3A_177 = arith.muli %shift_right_logical3A_0, %mul3A_176 : i32
            %mul3A_178 = arith.constant 18432 : i32
            %mul3A_179 = arith.muli %scan3A_173, %mul3A_178 : i32
            %add3A_180 = arith.addi %mul3A_177, %mul3A_179 : i32
            "tpu.region"() ({
              %run_scoped3A = tpu.sem_alloc : memref<!tpu.dma_semaphore, #tpu.memory_space<semaphore_mem>>
              %dma_start3A = tpu.memref_slice %arg2[%add3A_180] : memref<1179648xf32, #tpu.memory_space<hbm>> -> memref<18432xf32, #tpu.memory_space<hbm>>
              %dma_start3A_187 = tpu.memref_slice %arg2[%add3A_180] : memref<1179648xf32, #tpu.memory_space<hbm>> -> memref<18432xf32, #tpu.memory_space<hbm>>
              tpu.enqueue_dma source(%dma_start3A_187 : memref<18432xf32, #tpu.memory_space<hbm>>) target(%arg8 : memref<18432xf32, #tpu.memory_space<vmem>>) target_semaphore(%run_scoped3A : memref<!tpu.dma_semaphore, #tpu.memory_space<semaphore_mem>>)
              %dma_wait3A = tpu.memref_slice %arg2[%add3A_180] : memref<1179648xf32, #tpu.memory_space<hbm>> -> memref<18432xf32, #tpu.memory_space<hbm>>
              %dma_wait3A_188 = tpu.memref_slice %arg2[%add3A_180] : memref<1179648xf32, #tpu.memory_space<hbm>> -> memref<18432xf32, #tpu.memory_space<hbm>>
              tpu.wait_dma2 semaphore(%run_scoped3A : memref<!tpu.dma_semaphore, #tpu.memory_space<semaphore_mem>>) src(%dma_wait3A_188 : memref<18432xf32, #tpu.memory_space<hbm>>) dst(%arg8 : memref<18432xf32, #tpu.memory_space<vmem>>)
              tpu.yield
            }) : () -> ()
            "tpu.region"() ({
              %run_scoped3A = tpu.sem_alloc : memref<!tpu.dma_semaphore, #tpu.memory_space<semaphore_mem>>
              %dma_start3A = tpu.memref_slice %arg4[%add3A_180] : memref<1179648xf32, #tpu.memory_space<hbm>> -> memref<18432xf32, #tpu.memory_space<hbm>>
              %dma_start3A_187 = tpu.memref_slice %arg4[%add3A_180] : memref<1179648xf32, #tpu.memory_space<hbm>> -> memref<18432xf32, #tpu.memory_space<hbm>>
              tpu.enqueue_dma source(%dma_start3A_187 : memref<18432xf32, #tpu.memory_space<hbm>>) target(%arg9 : memref<18432xf32, #tpu.memory_space<vmem>>) target_semaphore(%run_scoped3A : memref<!tpu.dma_semaphore, #tpu.memory_space<semaphore_mem>>)
              %dma_wait3A = tpu.memref_slice %arg4[%add3A_180] : memref<1179648xf32, #tpu.memory_space<hbm>> -> memref<18432xf32, #tpu.memory_space<hbm>>
              %dma_wait3A_188 = tpu.memref_slice %arg4[%add3A_180] : memref<1179648xf32, #tpu.memory_space<hbm>> -> memref<18432xf32, #tpu.memory_space<hbm>>
              tpu.wait_dma2 semaphore(%run_scoped3A : memref<!tpu.dma_semaphore, #tpu.memory_space<semaphore_mem>>) src(%dma_wait3A_188 : memref<18432xf32, #tpu.memory_space<hbm>>) dst(%arg9 : memref<18432xf32, #tpu.memory_space<vmem>>)
              tpu.yield
            }) : () -> ()
            "tpu.region"() ({
              %run_scoped3A = tpu.sem_alloc : memref<!tpu.dma_semaphore, #tpu.memory_space<semaphore_mem>>
              %dma_start3A = tpu.memref_slice %arg6[%add3A_180] : memref<1179648xf32, #tpu.memory_space<hbm>> -> memref<18432xf32, #tpu.memory_space<hbm>>
              %dma_start3A_187 = tpu.memref_slice %arg6[%add3A_180] : memref<1179648xf32, #tpu.memory_space<hbm>> -> memref<18432xf32, #tpu.memory_space<hbm>>
              tpu.enqueue_dma source(%dma_start3A_187 : memref<18432xf32, #tpu.memory_space<hbm>>) target(%arg10 : memref<18432xf32, #tpu.memory_space<vmem>>) target_semaphore(%run_scoped3A : memref<!tpu.dma_semaphore, #tpu.memory_space<semaphore_mem>>)
              %dma_wait3A = tpu.memref_slice %arg6[%add3A_180] : memref<1179648xf32, #tpu.memory_space<hbm>> -> memref<18432xf32, #tpu.memory_space<hbm>>
              %dma_wait3A_188 = tpu.memref_slice %arg6[%add3A_180] : memref<1179648xf32, #tpu.memory_space<hbm>> -> memref<18432xf32, #tpu.memory_space<hbm>>
              tpu.wait_dma2 semaphore(%run_scoped3A : memref<!tpu.dma_semaphore, #tpu.memory_space<semaphore_mem>>) src(%dma_wait3A_188 : memref<18432xf32, #tpu.memory_space<hbm>>) dst(%arg10 : memref<18432xf32, #tpu.memory_space<vmem>>)
              tpu.yield
            }) : () -> ()
            %scan3A_181 = arith.constant 0 : i32
            %scan3A_182 = arith.constant 1152 : i32
            %scan3A_183 = arith.addi %scan3A_181, %scan3A_182 : i32
            %scan3A_184 = arith.constant 1 : i32
            %scan3A_185:2 = scf.for %scan3A_187 = %scan3A_181 to %scan3A_183 step %scan3A_184 iter_args(%scan3A_188 = %scan3A_174, %scan3A_189 = %scan3A_175) -> (vector<16xf32>, vector<16xf32>)  : i32 {
              %mul3A_190 = arith.constant 16 : i32
              %mul3A_191 = arith.muli %scan3A_187, %mul3A_190 : i32
              %get3A_192 = arith.index_cast %mul3A_191 : i32 to index
              %get3A_193 = tpu.vector_load %arg8[%get3A_192] {strides = array<i32>} : memref<18432xf32, #tpu.memory_space<vmem>>, vector<16xf32>,
              %get3A_194 = arith.index_cast %mul3A_191 : i32 to index
              %get3A_195 = tpu.vector_load %arg9[%get3A_194] {strides = array<i32>} : memref<18432xf32, #tpu.memory_space<vmem>>, vector<16xf32>,
              %get3A_196 = arith.index_cast %mul3A_191 : i32 to index
              %get3A_197 = tpu.vector_load %arg10[%get3A_196] {strides = array<i32>} : memref<18432xf32, #tpu.memory_space<vmem>>, vector<16xf32>,
              %sub3A_198 = arith.subf %get3A_195, %get3A_193 : vector<16xf32>
              %mul3A_199 = arith.mulf %sub3A_198, %sub3A_198 : vector<16xf32>
              %mul3A_200 = arith.mulf %mul3A_199, %get3A_197 : vector<16xf32>
              %lt3A = arith.constant 1.000000e-01 : f32
              %lt3A_201 = vector.broadcast %lt3A : f32 to vector<16xf32>
              %lt3A_202 = arith.cmpf olt, %get3A_193, %lt3A_201 : vector<16xf32>
              %or3A_203 = vector.broadcast %eq3A_78 : i1 to vector<16xi1>
              %or3A_204 = arith.ori %lt3A_202, %or3A_203 : vector<16xi1>
              %gt3A_205 = arith.cmpf ogt, %mul3A_200, %bitcast3A_154 : vector<16xf32>
              %ge3A_206 = arith.cmpf oge, %mul3A_200, %bitcast3A_154 : vector<16xf32>
              %select_n3A_207 = arith.select %scan3A_155, %gt3A_205, %ge3A_206 : vector<16xi1>
              %and3A_208 = arith.andi %or3A_204, %select_n3A_207 : vector<16xi1>
              %select_n3A_209 = arith.select %and3A_208, %broadcast_in_dim3A_5, %broadcast_in_dim3A_3 : vector<16xi1>, vector<16xf32>
              %add3A_210 = arith.addf %scan3A_188, %select_n3A_209 : vector<16xf32>
              %select_n3A_211 = arith.select %and3A_208, %mul3A_200, %broadcast_in_dim3A_3 : vector<16xi1>, vector<16xf32>
              %add3A_212 = arith.addf %scan3A_189, %select_n3A_211 : vector<16xf32>
              scf.yield %add3A_210, %add3A_212 : vector<16xf32>, vector<16xf32>
            }
            %scan3A_186 = arith.constant 1152 : i32
            scf.yield %scan3A_185#0, %scan3A_185#1 : vector<16xf32>, vector<16xf32>
          }
          %scan3A_161 = arith.constant 8 : i32
          %reduce_sum3A_162 = arith.constant true
          %reduce_sum3A_163 = vector.broadcast %reduce_sum3A_162 : i1 to vector<16xi1>
          %reduce_sum3A_164 = tpu.scan <sum>, %scan3A_160#0 masked %reduce_sum3A_163 : vector<16xf32>, vector<16xi1> -> vector<16xf32>
          %reduce_sum3A_165 = vector.extract %reduce_sum3A_164[15] : f32 from vector<16xf32>
          %reduce_sum3A_166 = arith.constant true
          %reduce_sum3A_167 = vector.broadcast %reduce_sum3A_166 : i1 to vector<16xi1>
          %reduce_sum3A_168 = tpu.scan <sum>, %scan3A_160#1 masked %reduce_sum3A_167 : vector<16xf32>, vector<16xi1> -> vector<16xf32>
          %reduce_sum3A_169 = vector.extract %reduce_sum3A_168[15] : f32 from vector<16xf32>
          %ge3A_170 = arith.cmpf oge, %reduce_sum3A_165, %select_n3A_105 : f32
          %select_n3A_171 = arith.select %ge3A_170, %add3A_152, %scan3A_147 : i32
          %select_n3A_172 = arith.select %ge3A_170, %scan3A_148, %add3A_152 : i32
          scf.yield %select_n3A_171, %select_n3A_172 : i32, i32
        }
        %scan3A_112 = arith.constant 31 : i32
        %broadcast_in_dim3A_113 = vector.broadcast %scan3A_111#0 : i32 to vector<16xi32>
        %bitcast3A = vector.bitcast %broadcast_in_dim3A_113 : vector<16xi32> to vector<16xf32>
        %reduce_max3A = arith.constant true
        %reduce_max3A_114 = vector.broadcast %reduce_max3A : i1 to vector<16xi1>
        %reduce_max3A_115 = tpu.scan <max>, %bitcast3A masked %reduce_max3A_114 : vector<16xf32>, vector<16xi1> -> vector<16xf32>
        %reduce_max3A_116 = vector.extract %reduce_max3A_115[15] : f32 from vector<16xf32>
        %scan3A_117 = arith.constant true
        %scan3A_118 = arith.constant 0 : i32
        %scan3A_119 = arith.constant 8 : i32
        %scan3A_120 = arith.addi %scan3A_118, %scan3A_119 : i32
        %scan3A_121 = arith.constant 1 : i32
        %scan3A_122:2 = scf.for %scan3A_146 = %scan3A_118 to %scan3A_120 step %scan3A_121 iter_args(%scan3A_147 = %broadcast_in_dim3A_3, %scan3A_148 = %broadcast_in_dim3A_3) -> (vector<16xf32>, vector<16xf32>)  : i32 {
          %mul3A_149 = arith.constant 147456 : i32
          %mul3A_150 = arith.muli %shift_right_logical3A_0, %mul3A_149 : i32
          %mul3A_151 = arith.constant 18432 : i32
          %mul3A_152 = arith.muli %scan3A_146, %mul3A_151 : i32
          %add3A_153 = arith.addi %mul3A_150, %mul3A_152 : i32
          "tpu.region"() ({
            %run_scoped3A = tpu.sem_alloc : memref<!tpu.dma_semaphore, #tpu.memory_space<semaphore_mem>>
            %dma_start3A = tpu.memref_slice %arg2[%add3A_153] : memref<1179648xf32, #tpu.memory_space<hbm>> -> memref<18432xf32, #tpu.memory_space<hbm>>
            %dma_start3A_160 = tpu.memref_slice %arg2[%add3A_153] : memref<1179648xf32, #tpu.memory_space<hbm>> -> memref<18432xf32, #tpu.memory_space<hbm>>
            tpu.enqueue_dma source(%dma_start3A_160 : memref<18432xf32, #tpu.memory_space<hbm>>) target(%arg8 : memref<18432xf32, #tpu.memory_space<vmem>>) target_semaphore(%run_scoped3A : memref<!tpu.dma_semaphore, #tpu.memory_space<semaphore_mem>>)
            %dma_wait3A = tpu.memref_slice %arg2[%add3A_153] : memref<1179648xf32, #tpu.memory_space<hbm>> -> memref<18432xf32, #tpu.memory_space<hbm>>
            %dma_wait3A_161 = tpu.memref_slice %arg2[%add3A_153] : memref<1179648xf32, #tpu.memory_space<hbm>> -> memref<18432xf32, #tpu.memory_space<hbm>>
            tpu.wait_dma2 semaphore(%run_scoped3A : memref<!tpu.dma_semaphore, #tpu.memory_space<semaphore_mem>>) src(%dma_wait3A_161 : memref<18432xf32, #tpu.memory_space<hbm>>) dst(%arg8 : memref<18432xf32, #tpu.memory_space<vmem>>)
            tpu.yield
          }) : () -> ()
          "tpu.region"() ({
            %run_scoped3A = tpu.sem_alloc : memref<!tpu.dma_semaphore, #tpu.memory_space<semaphore_mem>>
            %dma_start3A = tpu.memref_slice %arg4[%add3A_153] : memref<1179648xf32, #tpu.memory_space<hbm>> -> memref<18432xf32, #tpu.memory_space<hbm>>
            %dma_start3A_160 = tpu.memref_slice %arg4[%add3A_153] : memref<1179648xf32, #tpu.memory_space<hbm>> -> memref<18432xf32, #tpu.memory_space<hbm>>
            tpu.enqueue_dma source(%dma_start3A_160 : memref<18432xf32, #tpu.memory_space<hbm>>) target(%arg9 : memref<18432xf32, #tpu.memory_space<vmem>>) target_semaphore(%run_scoped3A : memref<!tpu.dma_semaphore, #tpu.memory_space<semaphore_mem>>)
            %dma_wait3A = tpu.memref_slice %arg4[%add3A_153] : memref<1179648xf32, #tpu.memory_space<hbm>> -> memref<18432xf32, #tpu.memory_space<hbm>>
            %dma_wait3A_161 = tpu.memref_slice %arg4[%add3A_153] : memref<1179648xf32, #tpu.memory_space<hbm>> -> memref<18432xf32, #tpu.memory_space<hbm>>
            tpu.wait_dma2 semaphore(%run_scoped3A : memref<!tpu.dma_semaphore, #tpu.memory_space<semaphore_mem>>) src(%dma_wait3A_161 : memref<18432xf32, #tpu.memory_space<hbm>>) dst(%arg9 : memref<18432xf32, #tpu.memory_space<vmem>>)
            tpu.yield
          }) : () -> ()
          "tpu.region"() ({
            %run_scoped3A = tpu.sem_alloc : memref<!tpu.dma_semaphore, #tpu.memory_space<semaphore_mem>>
            %dma_start3A = tpu.memref_slice %arg6[%add3A_153] : memref<1179648xf32, #tpu.memory_space<hbm>> -> memref<18432xf32, #tpu.memory_space<hbm>>
            %dma_start3A_160 = tpu.memref_slice %arg6[%add3A_153] : memref<1179648xf32, #tpu.memory_space<hbm>> -> memref<18432xf32, #tpu.memory_space<hbm>>
            tpu.enqueue_dma source(%dma_start3A_160 : memref<18432xf32, #tpu.memory_space<hbm>>) target(%arg10 : memref<18432xf32, #tpu.memory_space<vmem>>) target_semaphore(%run_scoped3A : memref<!tpu.dma_semaphore, #tpu.memory_space<semaphore_mem>>)
            %dma_wait3A = tpu.memref_slice %arg6[%add3A_153] : memref<1179648xf32, #tpu.memory_space<hbm>> -> memref<18432xf32, #tpu.memory_space<hbm>>
            %dma_wait3A_161 = tpu.memref_slice %arg6[%add3A_153] : memref<1179648xf32, #tpu.memory_space<hbm>> -> memref<18432xf32, #tpu.memory_space<hbm>>
            tpu.wait_dma2 semaphore(%run_scoped3A : memref<!tpu.dma_semaphore, #tpu.memory_space<semaphore_mem>>) src(%dma_wait3A_161 : memref<18432xf32, #tpu.memory_space<hbm>>) dst(%arg10 : memref<18432xf32, #tpu.memory_space<vmem>>)
            tpu.yield
          }) : () -> ()
          %scan3A_154 = arith.constant 0 : i32
          %scan3A_155 = arith.constant 1152 : i32
          %scan3A_156 = arith.addi %scan3A_154, %scan3A_155 : i32
          %scan3A_157 = arith.constant 1 : i32
          %scan3A_158:2 = scf.for %scan3A_160 = %scan3A_154 to %scan3A_156 step %scan3A_157 iter_args(%scan3A_161 = %scan3A_147, %scan3A_162 = %scan3A_148) -> (vector<16xf32>, vector<16xf32>)  : i32 {
            %mul3A_163 = arith.constant 16 : i32
            %mul3A_164 = arith.muli %scan3A_160, %mul3A_163 : i32
            %get3A_165 = arith.index_cast %mul3A_164 : i32 to index
            %get3A_166 = tpu.vector_load %arg8[%get3A_165] {strides = array<i32>} : memref<18432xf32, #tpu.memory_space<vmem>>, vector<16xf32>,
            %get3A_167 = arith.index_cast %mul3A_164 : i32 to index
            %get3A_168 = tpu.vector_load %arg9[%get3A_167] {strides = array<i32>} : memref<18432xf32, #tpu.memory_space<vmem>>, vector<16xf32>,
            %get3A_169 = arith.index_cast %mul3A_164 : i32 to index
            %get3A_170 = tpu.vector_load %arg10[%get3A_169] {strides = array<i32>} : memref<18432xf32, #tpu.memory_space<vmem>>, vector<16xf32>,
            %sub3A_171 = arith.subf %get3A_168, %get3A_166 : vector<16xf32>
            %mul3A_172 = arith.mulf %sub3A_171, %sub3A_171 : vector<16xf32>
            %mul3A_173 = arith.mulf %mul3A_172, %get3A_170 : vector<16xf32>
            %lt3A = arith.constant 1.000000e-01 : f32
            %lt3A_174 = vector.broadcast %lt3A : f32 to vector<16xf32>
            %lt3A_175 = arith.cmpf olt, %get3A_166, %lt3A_174 : vector<16xf32>
            %or3A_176 = vector.broadcast %eq3A_78 : i1 to vector<16xi1>
            %or3A_177 = arith.ori %lt3A_175, %or3A_176 : vector<16xi1>
            %gt3A_178 = arith.cmpf ogt, %mul3A_173, %bitcast3A : vector<16xf32>
            %ge3A_179 = arith.cmpf oge, %mul3A_173, %bitcast3A : vector<16xf32>
            %select_n3A_180 = arith.select %scan3A_117, %gt3A_178, %ge3A_179 : vector<16xi1>
            %and3A_181 = arith.andi %or3A_177, %select_n3A_180 : vector<16xi1>
            %select_n3A_182 = arith.select %and3A_181, %broadcast_in_dim3A_5, %broadcast_in_dim3A_3 : vector<16xi1>, vector<16xf32>
            %add3A_183 = arith.addf %scan3A_161, %select_n3A_182 : vector<16xf32>
            %select_n3A_184 = arith.select %and3A_181, %mul3A_173, %broadcast_in_dim3A_3 : vector<16xi1>, vector<16xf32>
            %add3A_185 = arith.addf %scan3A_162, %select_n3A_184 : vector<16xf32>
            scf.yield %add3A_183, %add3A_185 : vector<16xf32>, vector<16xf32>
          }
          %scan3A_159 = arith.constant 1152 : i32
          scf.yield %scan3A_158#0, %scan3A_158#1 : vector<16xf32>, vector<16xf32>
        }
        %scan3A_123 = arith.constant 8 : i32
        %reduce_sum3A_124 = arith.constant true
        %reduce_sum3A_125 = vector.broadcast %reduce_sum3A_124 : i1 to vector<16xi1>
        %reduce_sum3A_126 = tpu.scan <sum>, %scan3A_122#0 masked %reduce_sum3A_125 : vector<16xf32>, vector<16xi1> -> vector<16xf32>
        %reduce_sum3A_127 = vector.extract %reduce_sum3A_126[15] : f32 from vector<16xf32>
        %reduce_sum3A_128 = arith.constant true
        %reduce_sum3A_129 = vector.broadcast %reduce_sum3A_128 : i1 to vector<16xi1>
        %reduce_sum3A_130 = tpu.scan <sum>, %scan3A_122#1 masked %reduce_sum3A_129 : vector<16xf32>, vector<16xi1> -> vector<16xf32>
        %reduce_sum3A_131 = vector.extract %reduce_sum3A_130[15] : f32 from vector<16xf32>
        %sub3A_132 = arith.subf %select_n3A_105, %reduce_sum3A_127 : f32
        %mul3A_133 = arith.mulf %sub3A_132, %reduce_max3A_116 : f32
        %add3A_134 = arith.addf %reduce_sum3A_131, %mul3A_133 : f32
        %broadcast_in_dim3A_135 = vector.broadcast %add3A_134 : f32 to vector<16xf32>
        %broadcast_in_dim3A_136 = vector.broadcast %select_n3A_105 : f32 to vector<16xf32>
        %div3A_137 = arith.divf %broadcast_in_dim3A_135, %broadcast_in_dim3A_136 : vector<16xf32>
        %broadcast_in_dim3A_138 = vector.broadcast %add3A_56 : f32 to vector<16xf32>
        %broadcast_in_dim3A_139 = vector.broadcast %add3A_73 : f32 to vector<16xf32>
        %div3A_140 = arith.divf %broadcast_in_dim3A_138, %broadcast_in_dim3A_139 : vector<16xf32>
        %add3A_141 = arith.addf %div3A_140, %div3A_137 : vector<16xf32>
        %select_n3A_142 = arith.select %eq3A_78, %div3A_137, %add3A_141 : vector<16xf32>
        %select_n3A_143 = arith.select %eq3A_90, %select_n3A_142, %broadcast_in_dim3A_3 : vector<16xi1>, vector<16xf32>
        %swap3A_144 = arith.constant 0 : index
        %swap3A_145 = tpu.vector_load %arg15[%swap3A_144] {strides = array<i32>} : memref<16xf32, #tpu.memory_space<vmem>>, vector<16xf32>,
        tpu.vector_store %arg15[%swap3A_144], %select_n3A_143 {strides = array<i32>} : memref<16xf32, #tpu.memory_space<vmem>>, vector<16xf32>,
      } else {
      }
      %eq3A_99 = arith.constant 1 : i32
      %eq3A_100 = arith.cmpi eq, %arg0, %eq3A_99 : i32
      %and3A_101 = arith.andi %or3A, %eq3A_100 : i1
      %convert_element_type3A_102 = arith.extui %and3A_101 : i1 to i32
      %cond3A_103 = arith.constant 0 : i32
      %cond3A_104 = arith.cmpi ne, %convert_element_type3A_102, %cond3A_103 : i32
      scf.if %cond3A_104 {
        %jit3A = arith.constant 5.000000e+02 : f32
        %select_n3A_105 = arith.select %eq3A_78, %jit3A, %mul3A_76 : f32
        %scan3A = arith.constant 0 : i32
        %scan3A_106 = arith.constant 2139095040 : i32
        %scan3A_107 = arith.constant 0 : i32
        %scan3A_108 = arith.constant 31 : i32
        %scan3A_109 = arith.addi %scan3A_107, %scan3A_108 : i32
        %scan3A_110 = arith.constant 1 : i32
        %scan3A_111:2 = scf.for %scan3A_146 = %scan3A_107 to %scan3A_109 step %scan3A_110 iter_args(%scan3A_147 = %scan3A, %scan3A_148 = %scan3A_106) -> (i32, i32)  : i32 {
          %sub3A_149 = arith.subi %scan3A_148, %scan3A_147 : i32
          %shift_right_logical3A_150 = arith.constant 1 : i32
          %shift_right_logical3A_151 = arith.shrui %sub3A_149, %shift_right_logical3A_150 : i32
          %add3A_152 = arith.addi %scan3A_147, %shift_right_logical3A_151 : i32
          %broadcast_in_dim3A_153 = vector.broadcast %add3A_152 : i32 to vector<16xi32>
          %bitcast3A_154 = vector.bitcast %broadcast_in_dim3A_153 : vector<16xi32> to vector<16xf32>
          %scan3A_155 = arith.constant false
          %scan3A_156 = arith.constant 0 : i32
          %scan3A_157 = arith.constant 8 : i32
          %scan3A_158 = arith.addi %scan3A_156, %scan3A_157 : i32
          %scan3A_159 = arith.constant 1 : i32
          %scan3A_160:2 = scf.for %scan3A_173 = %scan3A_156 to %scan3A_158 step %scan3A_159 iter_args(%scan3A_174 = %broadcast_in_dim3A_3, %scan3A_175 = %broadcast_in_dim3A_3) -> (vector<16xf32>, vector<16xf32>)  : i32 {
            %mul3A_176 = arith.constant 147456 : i32
            %mul3A_177 = arith.muli %shift_right_logical3A_0, %mul3A_176 : i32
            %mul3A_178 = arith.constant 18432 : i32
            %mul3A_179 = arith.muli %scan3A_173, %mul3A_178 : i32
            %add3A_180 = arith.addi %mul3A_177, %mul3A_179 : i32
            "tpu.region"() ({
              %run_scoped3A = tpu.sem_alloc : memref<!tpu.dma_semaphore, #tpu.memory_space<semaphore_mem>>
              %dma_start3A = tpu.memref_slice %arg3[%add3A_180] : memref<1179648xf32, #tpu.memory_space<hbm>> -> memref<18432xf32, #tpu.memory_space<hbm>>
              %dma_start3A_187 = tpu.memref_slice %arg3[%add3A_180] : memref<1179648xf32, #tpu.memory_space<hbm>> -> memref<18432xf32, #tpu.memory_space<hbm>>
              tpu.enqueue_dma source(%dma_start3A_187 : memref<18432xf32, #tpu.memory_space<hbm>>) target(%arg8 : memref<18432xf32, #tpu.memory_space<vmem>>) target_semaphore(%run_scoped3A : memref<!tpu.dma_semaphore, #tpu.memory_space<semaphore_mem>>)
              %dma_wait3A = tpu.memref_slice %arg3[%add3A_180] : memref<1179648xf32, #tpu.memory_space<hbm>> -> memref<18432xf32, #tpu.memory_space<hbm>>
              %dma_wait3A_188 = tpu.memref_slice %arg3[%add3A_180] : memref<1179648xf32, #tpu.memory_space<hbm>> -> memref<18432xf32, #tpu.memory_space<hbm>>
              tpu.wait_dma2 semaphore(%run_scoped3A : memref<!tpu.dma_semaphore, #tpu.memory_space<semaphore_mem>>) src(%dma_wait3A_188 : memref<18432xf32, #tpu.memory_space<hbm>>) dst(%arg8 : memref<18432xf32, #tpu.memory_space<vmem>>)
              tpu.yield
            }) : () -> ()
            "tpu.region"() ({
              %run_scoped3A = tpu.sem_alloc : memref<!tpu.dma_semaphore, #tpu.memory_space<semaphore_mem>>
              %dma_start3A = tpu.memref_slice %arg5[%add3A_180] : memref<1179648xf32, #tpu.memory_space<hbm>> -> memref<18432xf32, #tpu.memory_space<hbm>>
              %dma_start3A_187 = tpu.memref_slice %arg5[%add3A_180] : memref<1179648xf32, #tpu.memory_space<hbm>> -> memref<18432xf32, #tpu.memory_space<hbm>>
              tpu.enqueue_dma source(%dma_start3A_187 : memref<18432xf32, #tpu.memory_space<hbm>>) target(%arg9 : memref<18432xf32, #tpu.memory_space<vmem>>) target_semaphore(%run_scoped3A : memref<!tpu.dma_semaphore, #tpu.memory_space<semaphore_mem>>)
              %dma_wait3A = tpu.memref_slice %arg5[%add3A_180] : memref<1179648xf32, #tpu.memory_space<hbm>> -> memref<18432xf32, #tpu.memory_space<hbm>>
              %dma_wait3A_188 = tpu.memref_slice %arg5[%add3A_180] : memref<1179648xf32, #tpu.memory_space<hbm>> -> memref<18432xf32, #tpu.memory_space<hbm>>
              tpu.wait_dma2 semaphore(%run_scoped3A : memref<!tpu.dma_semaphore, #tpu.memory_space<semaphore_mem>>) src(%dma_wait3A_188 : memref<18432xf32, #tpu.memory_space<hbm>>) dst(%arg9 : memref<18432xf32, #tpu.memory_space<vmem>>)
              tpu.yield
            }) : () -> ()
            "tpu.region"() ({
              %run_scoped3A = tpu.sem_alloc : memref<!tpu.dma_semaphore, #tpu.memory_space<semaphore_mem>>
              %dma_start3A = tpu.memref_slice %arg6[%add3A_180] : memref<1179648xf32, #tpu.memory_space<hbm>> -> memref<18432xf32, #tpu.memory_space<hbm>>
              %dma_start3A_187 = tpu.memref_slice %arg6[%add3A_180] : memref<1179648xf32, #tpu.memory_space<hbm>> -> memref<18432xf32, #tpu.memory_space<hbm>>
              tpu.enqueue_dma source(%dma_start3A_187 : memref<18432xf32, #tpu.memory_space<hbm>>) target(%arg10 : memref<18432xf32, #tpu.memory_space<vmem>>) target_semaphore(%run_scoped3A : memref<!tpu.dma_semaphore, #tpu.memory_space<semaphore_mem>>)
              %dma_wait3A = tpu.memref_slice %arg6[%add3A_180] : memref<1179648xf32, #tpu.memory_space<hbm>> -> memref<18432xf32, #tpu.memory_space<hbm>>
              %dma_wait3A_188 = tpu.memref_slice %arg6[%add3A_180] : memref<1179648xf32, #tpu.memory_space<hbm>> -> memref<18432xf32, #tpu.memory_space<hbm>>
              tpu.wait_dma2 semaphore(%run_scoped3A : memref<!tpu.dma_semaphore, #tpu.memory_space<semaphore_mem>>) src(%dma_wait3A_188 : memref<18432xf32, #tpu.memory_space<hbm>>) dst(%arg10 : memref<18432xf32, #tpu.memory_space<vmem>>)
              tpu.yield
            }) : () -> ()
            %scan3A_181 = arith.constant 0 : i32
            %scan3A_182 = arith.constant 1152 : i32
            %scan3A_183 = arith.addi %scan3A_181, %scan3A_182 : i32
            %scan3A_184 = arith.constant 1 : i32
            %scan3A_185:2 = scf.for %scan3A_187 = %scan3A_181 to %scan3A_183 step %scan3A_184 iter_args(%scan3A_188 = %scan3A_174, %scan3A_189 = %scan3A_175) -> (vector<16xf32>, vector<16xf32>)  : i32 {
              %mul3A_190 = arith.constant 16 : i32
              %mul3A_191 = arith.muli %scan3A_187, %mul3A_190 : i32
              %get3A_192 = arith.index_cast %mul3A_191 : i32 to index
              %get3A_193 = tpu.vector_load %arg8[%get3A_192] {strides = array<i32>} : memref<18432xf32, #tpu.memory_space<vmem>>, vector<16xf32>,
              %get3A_194 = arith.index_cast %mul3A_191 : i32 to index
              %get3A_195 = tpu.vector_load %arg9[%get3A_194] {strides = array<i32>} : memref<18432xf32, #tpu.memory_space<vmem>>, vector<16xf32>,
              %get3A_196 = arith.index_cast %mul3A_191 : i32 to index
              %get3A_197 = tpu.vector_load %arg10[%get3A_196] {strides = array<i32>} : memref<18432xf32, #tpu.memory_space<vmem>>, vector<16xf32>,
              %sub3A_198 = arith.subf %get3A_195, %get3A_193 : vector<16xf32>
              %mul3A_199 = arith.mulf %sub3A_198, %sub3A_198 : vector<16xf32>
              %mul3A_200 = arith.mulf %mul3A_199, %get3A_197 : vector<16xf32>
              %lt3A = arith.constant 1.000000e-01 : f32
              %lt3A_201 = vector.broadcast %lt3A : f32 to vector<16xf32>
              %lt3A_202 = arith.cmpf olt, %get3A_193, %lt3A_201 : vector<16xf32>
              %or3A_203 = vector.broadcast %eq3A_78 : i1 to vector<16xi1>
              %or3A_204 = arith.ori %lt3A_202, %or3A_203 : vector<16xi1>
              %gt3A_205 = arith.cmpf ogt, %mul3A_200, %bitcast3A_154 : vector<16xf32>
              %ge3A_206 = arith.cmpf oge, %mul3A_200, %bitcast3A_154 : vector<16xf32>
              %select_n3A_207 = arith.select %scan3A_155, %gt3A_205, %ge3A_206 : vector<16xi1>
              %and3A_208 = arith.andi %or3A_204, %select_n3A_207 : vector<16xi1>
              %select_n3A_209 = arith.select %and3A_208, %broadcast_in_dim3A_5, %broadcast_in_dim3A_3 : vector<16xi1>, vector<16xf32>
              %add3A_210 = arith.addf %scan3A_188, %select_n3A_209 : vector<16xf32>
              %select_n3A_211 = arith.select %and3A_208, %mul3A_200, %broadcast_in_dim3A_3 : vector<16xi1>, vector<16xf32>
              %add3A_212 = arith.addf %scan3A_189, %select_n3A_211 : vector<16xf32>
              scf.yield %add3A_210, %add3A_212 : vector<16xf32>, vector<16xf32>
            }
            %scan3A_186 = arith.constant 1152 : i32
            scf.yield %scan3A_185#0, %scan3A_185#1 : vector<16xf32>, vector<16xf32>
          }
          %scan3A_161 = arith.constant 8 : i32
          %reduce_sum3A_162 = arith.constant true
          %reduce_sum3A_163 = vector.broadcast %reduce_sum3A_162 : i1 to vector<16xi1>
          %reduce_sum3A_164 = tpu.scan <sum>, %scan3A_160#0 masked %reduce_sum3A_163 : vector<16xf32>, vector<16xi1> -> vector<16xf32>
          %reduce_sum3A_165 = vector.extract %reduce_sum3A_164[15] : f32 from vector<16xf32>
          %reduce_sum3A_166 = arith.constant true
          %reduce_sum3A_167 = vector.broadcast %reduce_sum3A_166 : i1 to vector<16xi1>
          %reduce_sum3A_168 = tpu.scan <sum>, %scan3A_160#1 masked %reduce_sum3A_167 : vector<16xf32>, vector<16xi1> -> vector<16xf32>
          %reduce_sum3A_169 = vector.extract %reduce_sum3A_168[15] : f32 from vector<16xf32>
          %ge3A_170 = arith.cmpf oge, %reduce_sum3A_165, %select_n3A_105 : f32
          %select_n3A_171 = arith.select %ge3A_170, %add3A_152, %scan3A_147 : i32
          %select_n3A_172 = arith.select %ge3A_170, %scan3A_148, %add3A_152 : i32
          scf.yield %select_n3A_171, %select_n3A_172 : i32, i32
        }
        %scan3A_112 = arith.constant 31 : i32
        %broadcast_in_dim3A_113 = vector.broadcast %scan3A_111#0 : i32 to vector<16xi32>
        %bitcast3A = vector.bitcast %broadcast_in_dim3A_113 : vector<16xi32> to vector<16xf32>
        %reduce_max3A = arith.constant true
        %reduce_max3A_114 = vector.broadcast %reduce_max3A : i1 to vector<16xi1>
        %reduce_max3A_115 = tpu.scan <max>, %bitcast3A masked %reduce_max3A_114 : vector<16xf32>, vector<16xi1> -> vector<16xf32>
        %reduce_max3A_116 = vector.extract %reduce_max3A_115[15] : f32 from vector<16xf32>
        %scan3A_117 = arith.constant true
        %scan3A_118 = arith.constant 0 : i32
        %scan3A_119 = arith.constant 8 : i32
        %scan3A_120 = arith.addi %scan3A_118, %scan3A_119 : i32
        %scan3A_121 = arith.constant 1 : i32
        %scan3A_122:2 = scf.for %scan3A_146 = %scan3A_118 to %scan3A_120 step %scan3A_121 iter_args(%scan3A_147 = %broadcast_in_dim3A_3, %scan3A_148 = %broadcast_in_dim3A_3) -> (vector<16xf32>, vector<16xf32>)  : i32 {
          %mul3A_149 = arith.constant 147456 : i32
          %mul3A_150 = arith.muli %shift_right_logical3A_0, %mul3A_149 : i32
          %mul3A_151 = arith.constant 18432 : i32
          %mul3A_152 = arith.muli %scan3A_146, %mul3A_151 : i32
          %add3A_153 = arith.addi %mul3A_150, %mul3A_152 : i32
          "tpu.region"() ({
            %run_scoped3A = tpu.sem_alloc : memref<!tpu.dma_semaphore, #tpu.memory_space<semaphore_mem>>
            %dma_start3A = tpu.memref_slice %arg3[%add3A_153] : memref<1179648xf32, #tpu.memory_space<hbm>> -> memref<18432xf32, #tpu.memory_space<hbm>>
            %dma_start3A_160 = tpu.memref_slice %arg3[%add3A_153] : memref<1179648xf32, #tpu.memory_space<hbm>> -> memref<18432xf32, #tpu.memory_space<hbm>>
            tpu.enqueue_dma source(%dma_start3A_160 : memref<18432xf32, #tpu.memory_space<hbm>>) target(%arg8 : memref<18432xf32, #tpu.memory_space<vmem>>) target_semaphore(%run_scoped3A : memref<!tpu.dma_semaphore, #tpu.memory_space<semaphore_mem>>)
            %dma_wait3A = tpu.memref_slice %arg3[%add3A_153] : memref<1179648xf32, #tpu.memory_space<hbm>> -> memref<18432xf32, #tpu.memory_space<hbm>>
            %dma_wait3A_161 = tpu.memref_slice %arg3[%add3A_153] : memref<1179648xf32, #tpu.memory_space<hbm>> -> memref<18432xf32, #tpu.memory_space<hbm>>
            tpu.wait_dma2 semaphore(%run_scoped3A : memref<!tpu.dma_semaphore, #tpu.memory_space<semaphore_mem>>) src(%dma_wait3A_161 : memref<18432xf32, #tpu.memory_space<hbm>>) dst(%arg8 : memref<18432xf32, #tpu.memory_space<vmem>>)
            tpu.yield
          }) : () -> ()
          "tpu.region"() ({
            %run_scoped3A = tpu.sem_alloc : memref<!tpu.dma_semaphore, #tpu.memory_space<semaphore_mem>>
            %dma_start3A = tpu.memref_slice %arg5[%add3A_153] : memref<1179648xf32, #tpu.memory_space<hbm>> -> memref<18432xf32, #tpu.memory_space<hbm>>
            %dma_start3A_160 = tpu.memref_slice %arg5[%add3A_153] : memref<1179648xf32, #tpu.memory_space<hbm>> -> memref<18432xf32, #tpu.memory_space<hbm>>
            tpu.enqueue_dma source(%dma_start3A_160 : memref<18432xf32, #tpu.memory_space<hbm>>) target(%arg9 : memref<18432xf32, #tpu.memory_space<vmem>>) target_semaphore(%run_scoped3A : memref<!tpu.dma_semaphore, #tpu.memory_space<semaphore_mem>>)
            %dma_wait3A = tpu.memref_slice %arg5[%add3A_153] : memref<1179648xf32, #tpu.memory_space<hbm>> -> memref<18432xf32, #tpu.memory_space<hbm>>
            %dma_wait3A_161 = tpu.memref_slice %arg5[%add3A_153] : memref<1179648xf32, #tpu.memory_space<hbm>> -> memref<18432xf32, #tpu.memory_space<hbm>>
            tpu.wait_dma2 semaphore(%run_scoped3A : memref<!tpu.dma_semaphore, #tpu.memory_space<semaphore_mem>>) src(%dma_wait3A_161 : memref<18432xf32, #tpu.memory_space<hbm>>) dst(%arg9 : memref<18432xf32, #tpu.memory_space<vmem>>)
            tpu.yield
          }) : () -> ()
          "tpu.region"() ({
            %run_scoped3A = tpu.sem_alloc : memref<!tpu.dma_semaphore, #tpu.memory_space<semaphore_mem>>
            %dma_start3A = tpu.memref_slice %arg6[%add3A_153] : memref<1179648xf32, #tpu.memory_space<hbm>> -> memref<18432xf32, #tpu.memory_space<hbm>>
            %dma_start3A_160 = tpu.memref_slice %arg6[%add3A_153] : memref<1179648xf32, #tpu.memory_space<hbm>> -> memref<18432xf32, #tpu.memory_space<hbm>>
            tpu.enqueue_dma source(%dma_start3A_160 : memref<18432xf32, #tpu.memory_space<hbm>>) target(%arg10 : memref<18432xf32, #tpu.memory_space<vmem>>) target_semaphore(%run_scoped3A : memref<!tpu.dma_semaphore, #tpu.memory_space<semaphore_mem>>)
            %dma_wait3A = tpu.memref_slice %arg6[%add3A_153] : memref<1179648xf32, #tpu.memory_space<hbm>> -> memref<18432xf32, #tpu.memory_space<hbm>>
            %dma_wait3A_161 = tpu.memref_slice %arg6[%add3A_153] : memref<1179648xf32, #tpu.memory_space<hbm>> -> memref<18432xf32, #tpu.memory_space<hbm>>
            tpu.wait_dma2 semaphore(%run_scoped3A : memref<!tpu.dma_semaphore, #tpu.memory_space<semaphore_mem>>) src(%dma_wait3A_161 : memref<18432xf32, #tpu.memory_space<hbm>>) dst(%arg10 : memref<18432xf32, #tpu.memory_space<vmem>>)
            tpu.yield
          }) : () -> ()
          %scan3A_154 = arith.constant 0 : i32
          %scan3A_155 = arith.constant 1152 : i32
          %scan3A_156 = arith.addi %scan3A_154, %scan3A_155 : i32
          %scan3A_157 = arith.constant 1 : i32
          %scan3A_158:2 = scf.for %scan3A_160 = %scan3A_154 to %scan3A_156 step %scan3A_157 iter_args(%scan3A_161 = %scan3A_147, %scan3A_162 = %scan3A_148) -> (vector<16xf32>, vector<16xf32>)  : i32 {
            %mul3A_163 = arith.constant 16 : i32
            %mul3A_164 = arith.muli %scan3A_160, %mul3A_163 : i32
            %get3A_165 = arith.index_cast %mul3A_164 : i32 to index
            %get3A_166 = tpu.vector_load %arg8[%get3A_165] {strides = array<i32>} : memref<18432xf32, #tpu.memory_space<vmem>>, vector<16xf32>,
            %get3A_167 = arith.index_cast %mul3A_164 : i32 to index
            %get3A_168 = tpu.vector_load %arg9[%get3A_167] {strides = array<i32>} : memref<18432xf32, #tpu.memory_space<vmem>>, vector<16xf32>,
            %get3A_169 = arith.index_cast %mul3A_164 : i32 to index
            %get3A_170 = tpu.vector_load %arg10[%get3A_169] {strides = array<i32>} : memref<18432xf32, #tpu.memory_space<vmem>>, vector<16xf32>,
            %sub3A_171 = arith.subf %get3A_168, %get3A_166 : vector<16xf32>
            %mul3A_172 = arith.mulf %sub3A_171, %sub3A_171 : vector<16xf32>
            %mul3A_173 = arith.mulf %mul3A_172, %get3A_170 : vector<16xf32>
            %lt3A = arith.constant 1.000000e-01 : f32
            %lt3A_174 = vector.broadcast %lt3A : f32 to vector<16xf32>
            %lt3A_175 = arith.cmpf olt, %get3A_166, %lt3A_174 : vector<16xf32>
            %or3A_176 = vector.broadcast %eq3A_78 : i1 to vector<16xi1>
            %or3A_177 = arith.ori %lt3A_175, %or3A_176 : vector<16xi1>
            %gt3A_178 = arith.cmpf ogt, %mul3A_173, %bitcast3A : vector<16xf32>
            %ge3A_179 = arith.cmpf oge, %mul3A_173, %bitcast3A : vector<16xf32>
            %select_n3A_180 = arith.select %scan3A_117, %gt3A_178, %ge3A_179 : vector<16xi1>
            %and3A_181 = arith.andi %or3A_177, %select_n3A_180 : vector<16xi1>
            %select_n3A_182 = arith.select %and3A_181, %broadcast_in_dim3A_5, %broadcast_in_dim3A_3 : vector<16xi1>, vector<16xf32>
            %add3A_183 = arith.addf %scan3A_161, %select_n3A_182 : vector<16xf32>
            %select_n3A_184 = arith.select %and3A_181, %mul3A_173, %broadcast_in_dim3A_3 : vector<16xi1>, vector<16xf32>
            %add3A_185 = arith.addf %scan3A_162, %select_n3A_184 : vector<16xf32>
            scf.yield %add3A_183, %add3A_185 : vector<16xf32>, vector<16xf32>
          }
          %scan3A_159 = arith.constant 1152 : i32
          scf.yield %scan3A_158#0, %scan3A_158#1 : vector<16xf32>, vector<16xf32>
        }
        %scan3A_123 = arith.constant 8 : i32
        %reduce_sum3A_124 = arith.constant true
        %reduce_sum3A_125 = vector.broadcast %reduce_sum3A_124 : i1 to vector<16xi1>
        %reduce_sum3A_126 = tpu.scan <sum>, %scan3A_122#0 masked %reduce_sum3A_125 : vector<16xf32>, vector<16xi1> -> vector<16xf32>
        %reduce_sum3A_127 = vector.extract %reduce_sum3A_126[15] : f32 from vector<16xf32>
        %reduce_sum3A_128 = arith.constant true
        %reduce_sum3A_129 = vector.broadcast %reduce_sum3A_128 : i1 to vector<16xi1>
        %reduce_sum3A_130 = tpu.scan <sum>, %scan3A_122#1 masked %reduce_sum3A_129 : vector<16xf32>, vector<16xi1> -> vector<16xf32>
        %reduce_sum3A_131 = vector.extract %reduce_sum3A_130[15] : f32 from vector<16xf32>
        %sub3A_132 = arith.subf %select_n3A_105, %reduce_sum3A_127 : f32
        %mul3A_133 = arith.mulf %sub3A_132, %reduce_max3A_116 : f32
        %add3A_134 = arith.addf %reduce_sum3A_131, %mul3A_133 : f32
        %broadcast_in_dim3A_135 = vector.broadcast %add3A_134 : f32 to vector<16xf32>
        %broadcast_in_dim3A_136 = vector.broadcast %select_n3A_105 : f32 to vector<16xf32>
        %div3A_137 = arith.divf %broadcast_in_dim3A_135, %broadcast_in_dim3A_136 : vector<16xf32>
        %broadcast_in_dim3A_138 = vector.broadcast %add3A_56 : f32 to vector<16xf32>
        %broadcast_in_dim3A_139 = vector.broadcast %add3A_73 : f32 to vector<16xf32>
        %div3A_140 = arith.divf %broadcast_in_dim3A_138, %broadcast_in_dim3A_139 : vector<16xf32>
        %add3A_141 = arith.addf %div3A_140, %div3A_137 : vector<16xf32>
        %select_n3A_142 = arith.select %eq3A_78, %div3A_137, %add3A_141 : vector<16xf32>
        %select_n3A_143 = arith.select %eq3A_90, %select_n3A_142, %broadcast_in_dim3A_3 : vector<16xi1>, vector<16xf32>
        %swap3A_144 = arith.constant 0 : index
        %swap3A_145 = tpu.vector_load %arg15[%swap3A_144] {strides = array<i32>} : memref<16xf32, #tpu.memory_space<vmem>>, vector<16xf32>,
        tpu.vector_store %arg15[%swap3A_144], %select_n3A_143 {strides = array<i32>} : memref<16xf32, #tpu.memory_space<vmem>>, vector<16xf32>,
      } else {
      }
      "tpu.region"() ({
        %run_scoped3A = tpu.sem_alloc : memref<!tpu.dma_semaphore, #tpu.memory_space<semaphore_mem>>
        %dma_start3A = arith.constant 0 : i32
        %dma_start3A_105 = tpu.memref_slice %arg7[%add3A, %dma_start3A] : memref<32x16xf32, #tpu.memory_space<hbm>> -> memref<1x16xf32, #tpu.memory_space<hbm>>
        %dma_start3A_106 = tpu.memref_squeeze %dma_start3A_105 : memref<1x16xf32, #tpu.memory_space<hbm>> -> memref<16xf32, #tpu.memory_space<hbm>>
        %dma_start3A_107 = arith.constant 0 : i32
        %dma_start3A_108 = tpu.memref_slice %arg7[%add3A, %dma_start3A_107] : memref<32x16xf32, #tpu.memory_space<hbm>> -> memref<1x16xf32, #tpu.memory_space<hbm>>
        %dma_start3A_109 = tpu.memref_squeeze %dma_start3A_108 : memref<1x16xf32, #tpu.memory_space<hbm>> -> memref<16xf32, #tpu.memory_space<hbm>>
        tpu.enqueue_dma source(%arg15 : memref<16xf32, #tpu.memory_space<vmem>>) target(%dma_start3A_109 : memref<16xf32, #tpu.memory_space<hbm>>) target_semaphore(%run_scoped3A : memref<!tpu.dma_semaphore, #tpu.memory_space<semaphore_mem>>)
        %dma_wait3A = arith.constant 0 : i32
        %dma_wait3A_110 = tpu.memref_slice %arg7[%add3A, %dma_wait3A] : memref<32x16xf32, #tpu.memory_space<hbm>> -> memref<1x16xf32, #tpu.memory_space<hbm>>
        %dma_wait3A_111 = tpu.memref_squeeze %dma_wait3A_110 : memref<1x16xf32, #tpu.memory_space<hbm>> -> memref<16xf32, #tpu.memory_space<hbm>>
        %dma_wait3A_112 = arith.constant 0 : i32
        %dma_wait3A_113 = tpu.memref_slice %arg7[%add3A, %dma_wait3A_112] : memref<32x16xf32, #tpu.memory_space<hbm>> -> memref<1x16xf32, #tpu.memory_space<hbm>>
        %dma_wait3A_114 = tpu.memref_squeeze %dma_wait3A_113 : memref<1x16xf32, #tpu.memory_space<hbm>> -> memref<16xf32, #tpu.memory_space<hbm>>
        tpu.wait_dma2 semaphore(%run_scoped3A : memref<!tpu.dma_semaphore, #tpu.memory_space<semaphore_mem>>) src(%arg15 : memref<16xf32, #tpu.memory_space<vmem>>) dst(%dma_wait3A_114 : memref<16xf32, #tpu.memory_space<hbm>>)
        tpu.yield
      }) : () -> ()
    } else {
    }
    return
  }
}

</mosaic_0001>

<sc_bundles>
// kernel: kernel.3.cloned.1.call-start
scs
__scs_entry_jumppad:
0x0: {  	(pc) =	sbr.rel $0x88, $3  }
0x1: {  	(tag) =	ssettag $0x0;
	lr =	simm.s32 $0x1  }
0x2: {  	[smem:$0x3F9C] =	sst lr;
	_ =	strace $0xD0000000  }
0x3: {  	_ = 	snop  }
0x4: {  	_ = 	snop  }
0x5: {  	_ = 	snop  }
0x6: {  	_ = 	snop  }
0x7: {  	_ = 	snop  }
__scs_overlays_trampoline_lowered:
0x8: {  	[smem:$0x3FAB] =	sst s0  }
0x9: {  	[smem:$0x3FAC] =	sst s1  }
0xa: {  	[smem:$0x3FAD] =	sst s2  }
0xb: {  	[smem:$0x3FAE] =	sst s3  }
0xc: {  	[smem:$0x3FAF] =	sst s4  }
0xd: {  	[smem:$0x3FB0] =	sst s5  }
0xe: {  	[smem:$0x3FB1] =	sst s6  }
0xf: {  	[smem:$0x3FB2] =	sst s7  }
0x10: {  	[smem:$0x3FB3] =	sst s8  }
0x11: {  	[smem:$0x3FB4] =	sst s9;
	s0 =	simm.s32 @!p0 $0x0  }
0x12: {  	s1 =	sld [smem:$0x3F9A];
	s0 =	simm.s32 @p0 $0x1  }
0x13: {  	[smem:$0x3FB5] =	sst s0;
	s0 =	simm.s32 @!p1 $0x0  }
0x14: {  	s2 =	sld [smem:$0x3F99];
	s0 =	simm.s32 @p1 $0x1  }
0x15: {  	[smem:$0x3FB6] =	sst s0;
	s0 =	simm.s32 @!p2 $0x0  }
0x16: {  	s3 =	sld [smem:$0x3FDB];
	s0 =	simm.s32 @p2 $0x1  }
0x17: {  	s4 =	simm.s32 $0x1BF5;
	[smem:$0x3FB8] =	sst s0  }
0x18: {  	s0 =	sld [smem:$0x3F9B];
	_ =	swait.ge [sflag:s4], $0x0  }
0x19: {  	s7 =	sld [smem:$0x3F9C]  }
0x1a: {  	s8 =	sadd.s32 $0xFFFFE003, lr  }
0x1b: {  	s9 =	sadd.s32 $0xFFFFFEF7, lr;
	s5 =	simm.s32 $0xFFFFFFFF;
	p2 =	slt.u32 s8, $0xFFFFF086  }
0x1c: {  	p1 =	slt.u32 s9, $0xF7A;
	s5 =	simm.s32 @!p2 $0x0  }
0x1d: {  	s5 =	simm.s32 @p1 $0x1;
	p0 =	seq.s32 s7, s2  }
0x1e: {  	s7 =	smul.u32 @!p0 $0xF7A, s2;
	p2 =	seq.s32 @!p0 s5, $0x0  }
0x1f: {  	s9 =	smul.u32 $0xF7A, s1;
	s8 =	simm.s32 @!p0 $0x1BF5;
	p2 =	por !p2, p0  }
0x20: {  	[sflag:s8] =	ssyncset.s32 @!p0 $0xFFFFF086;
	s6 =	sadd.s32 @!p0 s3, s7;
	s7 =	simm.s32 @!p0 $0x108  }
0x21: {  	s3 =	sadd.s32 s3, s9;
	s6 =	sadd.s32 @!p0 $0x88, s6;
	s7 =	simm.s32 @p2 $0x1082  }
0x22: {  	[simem:s7], [sflag:s8] =	dma.local @!p0 [hbm:s6], $0xF7A  }
0x23: {  	s9 =	sor.u32 $0xD0000000, s2;
	s6 =	simm.s32 $0x108;
	_ =	swait.ge @!p0 [sflag:s8], $0x0  }
0x24: {  	s3 =	sadd.s32 $0x88, s3;
	s6 =	simm.s32 @!p1 $0x1082;
	[sflag:s4] =	ssyncset.s32 $0xFFFFF086  }
0x25: {  	[simem:s6], [sflag:s4] =	dma.local [hbm:s3], $0xF7A  }
0x26: {  	[smem:$0x3F9C] =	sst s1;
	(tag) =	ssettag s2;
	_ =	strace s9  }
0x27: {  	s1 =	sld [smem:$0x3FAC]  }
0x28: {  	s2 =	sld [smem:$0x3FAD]  }
0x29: {  	s4 =	sld [smem:$0x3FAF]  }
0x2a: {  	p0 =	seq.s32 s5, $0x0;
	s5 =	sld [smem:$0x3FB0]  }
0x2b: {  	s6 =	sld [smem:$0x3FB1]  }
0x2c: {  	s7 =	sld [smem:$0x3FB2]  }
0x2d: {  	s3 =	simm.s32 $0x108;
	s8 =	sld [smem:$0x3FB3]  }
0x2e: {  	s3 =	simm.s32 @!p0 $0x1082;
	s9 =	sld [smem:$0x3FB4]  }
0x2f: {  	lr =	sadd.s32 s0, s3;
	s0 =	sld [smem:$0x3FAB]  }
0x30: {  	s3 =	sld [smem:$0x3FAE]  }
0x31: {  	[smem:$0x3FB7] =	sst s10  }
0x32: {  	s10 =	sld [smem:$0x3FB5];
	_ =	sdelay $0x3  }
0x33: {  	p0 =	seq.s32 s10, $0x1;
	s10 =	sld [smem:$0x3FB7];
	_ =	sdelay $0x3  }
0x34: {  	[smem:$0x3FB7] =	sst s10  }
0x35: {  	s10 =	sld [smem:$0x3FB6];
	_ =	sdelay $0x3  }
0x36: {  	p1 =	seq.s32 s10, $0x1;
	s10 =	sld [smem:$0x3FB7];
	_ =	sdelay $0x3  }
0x37: {  	[smem:$0x3FB7] =	sst s10  }
0x38: {  	s10 =	sld [smem:$0x3FB8]  }
0x39: {  	_ = 	snop;
	(pc) =	sbr.ind lr, $3  }
0x3a: {  	_ = 	snop  }
0x3b: {  	_ = 	snop  }
0x3c: {  	p2 =	seq.s32 s10, $0x1;
	s10 =	sld [smem:$0x3FB7]  }
0x3d: {  	_ =	shalt  }
0x3e: {  	_ =	shalt  }
0x3f: {  	_ =	shalt  }
0x40: {  	_ =	shalt  }
0x41: {  	_ =	shalt  }
0x42: {  	_ =	shalt  }
0x43: {  	_ =	shalt  }
0x44: {  	_ =	shalt  }
0x45: {  	_ =	shalt  }
0x46: {  	_ =	shalt  }
0x47: {  	_ =	shalt  }
0x48: {  	_ =	shalt  }
0x49: {  	_ =	shalt  }
0x4a: {  	_ =	shalt  }
0x4b: {  	_ =	shalt  }
0x4c: {  	_ =	shalt  }
0x4d: {  	_ =	shalt  }
0x4e: {  	_ =	shalt  }
0x4f: {  	_ =	shalt  }
0x50: {  	_ =	shalt  }
0x51: {  	_ =	shalt  }
0x52: {  	_ =	shalt  }
0x53: {  	_ =	shalt  }
0x54: {  	_ =	shalt  }
0x55: {  	_ =	shalt  }
0x56: {  	_ =	shalt  }
0x57: {  	_ =	shalt  }
0x58: {  	_ =	shalt  }
0x59: {  	_ =	shalt  }
0x5a: {  	_ =	shalt  }
0x5b: {  	_ =	shalt  }
0x5c: {  	_ =	shalt  }
0x5d: {  	_ =	shalt  }
0x5e: {  	_ =	shalt  }
0x5f: {  	_ =	shalt  }
0x60: {  	_ =	shalt  }
0x61: {  	_ =	shalt  }
0x62: {  	_ =	shalt  }
0x63: {  	_ =	shalt  }
0x64: {  	_ =	shalt  }
0x65: {  	_ =	shalt  }
0x66: {  	_ =	shalt  }
0x67: {  	_ =	shalt  }
0x68: {  	_ =	shalt  }
0x69: {  	_ =	shalt  }
0x6a: {  	_ =	shalt  }
0x6b: {  	_ =	shalt  }
0x6c: {  	_ =	shalt  }
0x6d: {  	_ =	shalt  }
0x6e: {  	_ =	shalt  }
0x6f: {  	_ =	shalt  }
0x70: {  	_ =	shalt  }
0x71: {  	_ =	shalt  }
0x72: {  	_ =	shalt  }
0x73: {  	_ =	shalt  }
0x74: {  	_ =	shalt  }
0x75: {  	_ =	shalt  }
0x76: {  	_ =	shalt  }
0x77: {  	_ =	shalt  }
0x78: {  	_ =	shalt  }
0x79: {  	_ =	shalt  }
0x7a: {  	_ =	shalt  }
0x7b: {  	_ =	shalt  }
0x7c: {  	_ =	shalt  }
0x7d: {  	_ =	shalt  }
0x7e: {  	_ =	shalt  }
0x7f: {  	_ =	shalt  }
0x80: {  	_ =	shalt  }
0x81: {  	_ =	shalt  }
0x82: {  	_ =	shalt  }
0x83: {  	_ =	shalt  }
0x84: {  	_ =	shalt  }
0x85: {  	_ =	shalt  }
0x86: {  	_ =	shalt  }
0x87: {  	_ =	shalt  }
.Lfunc_end0:
.L_simem_size_0:
called_computation_lowered:
.L_overlay_start_0:
0x88: {  	s2 =	sld [smem:$0x3FD9]  }
0x89: {  	s3 =	sld [smem:$0x3FFE];
	_ =	sdelay $0x1  }
0x8a: {  	s1 =	srdreg.scid  }
0x8b: {  	s0 =	sand.u32 $0x1, s1  }
0x8c: {  	s16 =	sshll.u32 s0, $0xA;
	s2 =	sadd.s32 s3, s2  }
0x8d: {  	s2 =	sadd.s32 s2, s16  }
0x8e: {  	[smem:$0x3FC3] =	sst s2  }
0x8f: {  	_ = 	snop  }
0x90: {  	(tm) =	ssettm $0x1  }
0x91: {  	s17 =	sld [smem:$0x3FFB];
	_ =	sdelay $0x3  }
0x92: {  	_ =	strace s17  }
0x93: {  	s2 =	sld [smem:$0x3FFC];
	_ =	sdelay $0x3  }
0x94: {  	_ =	strace s2  }
0x95: {  	s2 =	sld [smem:$0x3FFD];
	_ =	sdelay $0x3  }
0x96: {  	_ =	strace s2  }
0x97: {  	_ =	strace $0x8FFFFFFF  }
0x98: {  	s18 =	sld [smem:$0x3FDB];
	_ =	sdelay $0x1  }
0x99: {  	s19 =	simm.s32 $_scs_section_size  }
0x9a: {  	s4 =	simm.s32 $_size__tile_overlayer_lowered;
	s5 =	simm.s32 $_tile_overlayer_lowered  }
0x9b: {  	s22 =	simm.s32 $0x1BFF;
	s21 =	sshll.u32 s5, $0x1;
	s2 =	sadd.s32 s19, s18  }
0x9c: {  	s6 =	simm.s32 $0x0;
	s20 =	sshll.u32 s4, $0x1;
	s4 =	sadd.s32 s21, s2  }
0x9d: {  	[timem:s6], [sflag:s22] =	dma.local [hbm:s4], s20  }
0x9e: {  	_ =	swait.ge [sflag:s22], s20  }
0x9f: {  	s3 =	ssub.s32 $0x0, s20;
	[sflag:s22] =	ssyncset.done $0x0  }
0xa0: {  	[sflag:s22] =	ssyncadd.s32 s3;
	_ =	sdelay $0x1  }
0xa1: {  	s23 =	simm.s32 $0x1B8B  }
0xa2: {  	_ =	swait.ge [sflag:s23], $0x1  }
0xa3: {  	[sflag:s23] =	ssyncset.done $0x0  }
0xa4: {  	s25 =	simm.s32 $0x1B8E;
	s24 =	sld [smem:$0x3FFE];
	[sflag:s23] =	ssyncadd.s32 $0xFFFFFFFF  }
0xa5: {  	s26 =	simm.s32 $execute0_lowered;
	[smem:$0x3FD2] =	sst s25  }
0xa6: {  	s4 =	sshll.u32 s26, $0x1;
	_ =	strace $0x80000046;
	[dreg:$0x1] =	wrdreg $0xFFFFFFFF  }
0xa7: {  	s28 =	simm.s32 $_size_execute0_lowered;
	s2 =	sadd.s32 s2, s4;
	[dreg:$0x0] =	wrdreg $0x0  }
0xa8: {  	s4 =	sshll.u32 s28, $0x1;
	[dreg:$0x2] =	wrdreg s2  }
0xa9: {  	[dreg:$0x3] =	wrdreg s4  }
0xaa: {  	[dreg:$0x4] =	wrdreg $0xC0  }
0xab: {  	_ =	task [dreg:s6], $0x5FFFF  }
0xac: {  	[dreg:$0x1] =	wrdreg $0xFFFFFFFF  }
0xad: {  	[dreg:$0x0] =	wrdreg $0x60  }
0xae: {  	[dreg:$0x2] =	wrdreg s24  }
0xaf: {  	[dreg:$0x3] =	wrdreg $0x9  }
0xb0: {  	_ =	task.clear_ibuf [dreg:s6], $0x4FFFF;
	_ =	strace $0x90000046  }
0xb1: {  	s29 =	simm.s32 $0x9;
	_ =	strace $0x80000048  }
0xb2: {  	_ =	swait.ge [sflag:s29], $0x1  }
0xb3: {  	[sflag:s29] =	ssyncadd.s32 $0xFFFFFFFF  }
0xb4: {  	_ =	strace $0x90000048  }
0xb5: {  	_ =	sfence  }
0xb6: {  	s30 =	sld [smem:$0x0];
	_ =	sdelay $0x2  }
0xb7: {  	s31 =	sshll.u32 s1, $0xD;
	s1 =	sshrl.u32 s1, $0x2  }
0xb8: {  	s3 =	sand.u32 $0x4000, s31;
	s1 =	sadd.s32 s1, s30  }
0xb9: {  	s0 =	sor.u32 s3, s0;
	s1 =	sshll.u32 s1, $0x11  }
0xba: {  	s0 =	sor.u32 s1, s0  }
0xbb: {  	s0 =	sadd.s32 $0x8F2B, s0  }
0xbc: {  	[sflag:s0] =	ssyncadd.remote.s32 $0x1  }
0xbd: {  	_ =	sfence.sel $0xFFFF  }
0xbe: {  	[dreg:$0x0] =	wrdreg $0xFFFFFFFF;
	(pc) =	sbr.abs _section_cstart, $3  }
0xbf: {  	[dreg:$0x1] =	wrdreg $0xFFFFFFFF  }
0xc0: {  	_ =	task.clear_ibuf [dreg:s6], $0x2FFFF;
	_ =	strace $0x9FFFFFFF  }
0xc1: {  	(tm) =	ssettm $0x7FFFFFFF  }
tec
execute0_lowered:
.L_overlay_start_1:
0x0: {  	(tag) =	ssettag $0x1  }
0x1: {  	s0 =	rddreg [dreg:$0x0]  }
0x2: {  	s2 =	simm.s32 $0x0;
	s14 =	stileid.u32;
	s23 =	srdreg.scid  }
0x3: {  	[smem:$0x7FF] =	sst s2;
	s1 =	sshrl.u32 s14, $0x1;
	s9 =	sand.u32 $0x1, s14  }
0x4: {  	s4 =	sadd.s32 $0x1A00, s0;
	s5 =	sadd.s32 $0x25A00, s0;
	s6 =	sadd.s32 $0x49A00, s0  }
0x5: {  	s7 =	sadd.s32 $0x6DA00, s0;
	s29 =	sshll.u32 s14, $0x4;
	s3 =	smul.u32 $0x24000, s1  }
0x6: {  	_ =	strace $0x80000047;
	s8 =	smul.u32 $0x12000, s9;
	s1 =	sand.u32 $0x1, s23  }
0x7: {  	s17 =	sand.u32 $0x80, s29;
	s30 =	sand.u32 $0x70, s29;
	p2 =	sne.s32 s9, $0x0  }
0x8: {  	s9 =	simm.s32 $0x9000;
	s10 =	ssub.s32 $0x2, s1;
	s16 =	sshll.u32 s1, $0x8  }
0x9: {  	p0 =	seq.s32 s1, $0x1;
	p1 =	sne.s32 s1, $0x0;
	s11 =	sadd.s32 s8, s3  }
0xa: {  	s1 =	simm.s32 $0x4800;
	s8 =	sadd.s32 $0x91A00, s0;
	s13 =	sshrl.u32 s11, $0x3  }
0xb: {  	s12 =	sshrl.u32 s10, $0x1;
	s0 =	sadd.s32 $0xB5A00, s0;
	s11 =	sadd.s32 s4, s13  }
0xc: {  	s16 =	sor.u32 s17, s16;
	s24 =	sadd.s32 s6, s13;
	[dreg:$0x2] =	wrdreg s11  }
0xd: {  	s10 =	ssub.s32 s10, s12;
	s20 =	sadd.s32 s5, s13;
	[dreg:$0x3] =	wrdreg s24  }
0xe: {  	s25 =	sadd.s32 $0x900, s13;
	s21 =	sadd.s32 s7, s13;
	[dreg:$0x8] =	wrdreg s20  }
0xf: {  	s17 =	sadd.s32 s0, s30;
	s15 =	sadd.s32 s4, s25;
	[dreg:$0x9] =	wrdreg s21  }
0x10: {  	s18 =	sadd.s32 $0x1200, s13;
	s26 =	sadd.s32 s6, s25;
	[dreg:$0x4] =	wrdreg s15  }
0x11: {  	s12 =	simm.s32 $0x12000;
	s19 =	sadd.s32 s4, s18;
	[dreg:$0x5] =	wrdreg s26  }
0x12: {  	s17 =	sadd.s32 s16, s17;
	s31 =	sadd.s32 s6, s18;
	[dreg:$0x6] =	wrdreg s19  }
0x13: {  	s11 =	sadd.s32 s8, s13;
	s22 =	sadd.s32 s5, s25;
	[dreg:$0x7] =	wrdreg s31  }
0x14: {  	s14 =	sadd.s32 s8, s25;
	s23 =	sadd.s32 s7, s25;
	[dreg:$0xa] =	wrdreg s22  }
0x15: {  	s24 =	sadd.s32 s5, s18;
	s25 =	sadd.s32 s7, s18;
	[dreg:$0xb] =	wrdreg s23  }
0x16: {  	s20 =	simm.s32 $0x0;
	s15 =	sand.u32 $0x60, s29;
	[dreg:$0xc] =	wrdreg s24  }
0x17: {  	s19 =	sadd.s32 $0x1B00, s13;
	s22 =	sadd.s32 s8, s18;
	[dreg:$0xd] =	wrdreg s25  }
0x18: {  	s13 =	simm.s32 $0x16800;
	s0 =	sadd.s32 s15, s0;
	s26 =	sadd.s32 s4, s19  }
0x19: {  	s29 =	sadd.s32 s6, s19;
	s28 =	sadd.s32 s8, s19;
	[dreg:$0xe] =	wrdreg s26  }
.Ltmp0:
0x1a: {  	s30 =	sadd.s32 s5, s19;
	[dreg:$0xf] =	wrdreg s29;
	(pc) =	sbr.rel .LBB2_1-.Ltmp0, $4  }
0x1b: {  	s31 =	sadd.s32 s7, s19;
	s15 =	simm.s32 $0x1;
	[dreg:$0x10] =	wrdreg s30  }
0x1c: {  	v0 =	vimm.f32 $0.0e+00;
	s19 =	simm.s32 $0x3;
	s0 =	sadd.s32 s16, s0;
	[dreg:$0x11] =	wrdreg s31  }
0x1d: {  	vm0 =	vcmask $0xF0C;
	vm1 =	vcmask $0x30C;
	vm2 =	vcmask $0x308;
	s16 =	simm.s32 $0x2;
	s26 =	simm.s32 $0x1B080;
	s0 =	sadd.s32 $0x10, s0  }
0x1e: {  	vm3 =	vcmask $0x70C;
	vm4 =	vcmask $0xB10;
	vm5 =	vmxor vm5, vm5;
	[dreg:$0x12] =	wrdreg s0;
	s0 =	smax.u32 s10, $0x1;
	s10 =	simm.s32 $0xD800  }
.LBB2_46:
0x1f: {  	s26 =	simm.s32 $0x1B080  }
0x20: {  	[hbm4b:s17+s2] =	stream.linear.scatter [tilespmem:s26], [sflag:$0x3], $0x80, $0x38;
	[tilespmem:$0x1B100] =	vst v63  }
0x21: {  	_ =	swait.ge [sflag:s19], $0x80  }
0x22: {  	[sflag:s19] =	ssyncset.done $0x0  }
0x23: {  	[sflag:s19] =	ssyncadd.s32 $0xFFFFFF80  }
.LBB2_47:
0x24: {  	s20 =	sadd.s32 $0x1, s20  }
0x25: {  	p3 =	sne.s32 s20, s0  }
.Ltmp1:
0x26: {  	_ = 	snop;
	(pc) =	sbr.rel @!p3 .LBB2_48-.Ltmp1, $1  }
0x27: {  	_ =	sdelay $0x3  }
.LBB2_1:
.Ltmp2:
0x28: {  	(pc) =	sbr.rel @p1 .LBB2_11-.Ltmp2, $1  }
0x29: {  	_ =	sdelay $0x3  }
0x2a: {  	s18 =	rddreg [dreg:$0x2]  }
0x2b: {  	[tilespmem:s2], [sflag:$0x1] =	stream.linear.gather [hbm4b:s18+s2], $0x4800, $0x38;
	[tilespmem:$0x1B100] =	vst v63  }
0x2c: {  	s29 =	rddreg [dreg:$0x3]  }
0x2d: {  	[tilespmem:s1], [sflag:$0x1] =	stream.linear.gather [hbm4b:s29+s2], $0x4800, $0x38;
	[tilespmem:$0x1B100] =	vst v63  }
0x2e: {  	_ = 	snop  }
0x2f: {  	[tilespmem:s9], [sflag:$0x1] =	stream.linear.gather [hbm4b:s11+s2], $0x4800, $0x38;
	[tilespmem:$0x1B100] =	vst v63  }
0x30: {  	s30 =	rddreg [dreg:$0x4]  }
0x31: {  	[tilespmem:s10], [sflag:$0x2] =	stream.linear.gather [hbm4b:s30+s2], $0x4800, $0x38;
	[tilespmem:$0x1B100] =	vst v63  }
0x32: {  	s31 =	rddreg [dreg:$0x5]  }
0x33: {  	[tilespmem:s12], [sflag:$0x2] =	stream.linear.gather [hbm4b:s31+s2], $0x4800, $0x38;
	[tilespmem:$0x1B100] =	vst v63  }
0x34: {  	_ = 	snop  }
0x35: {  	[tilespmem:s13], [sflag:$0x2] =	stream.linear.gather [hbm4b:s14+s2], $0x4800, $0x38;
	[tilespmem:$0x1B100] =	vst v63  }
0x36: {  	_ =	swait.ge [sflag:s15], $0x4800  }
0x37: {  	[sflag:s15] =	ssyncset.done $0x0  }
0x38: {  	[sflag:s15] =	ssyncadd.s32 $0xFFFFB800  }
0x39: {  	_ =	swait.ge [sflag:s15], $0x4800  }
0x3a: {  	[sflag:s15] =	ssyncset.done $0x0  }
0x3b: {  	[sflag:s15] =	ssyncadd.s32 $0xFFFFB800  }
0x3c: {  	_ =	swait.ge [sflag:s15], $0x4800  }
0x3d: {  	[sflag:s15] =	ssyncset.done $0x0  }
0x3e: {  	s23 =	simm.s32 $0x40;
	[sflag:s15] =	ssyncadd.s32 $0xFFFFB800  }
0x3f: {  	s21 =	simm.s32 $0x4840;
	v2 =	vld [tilespmem:s23+$0x30]  }
0x40: {  	v4 =	vld [tilespmem:s21+$0x30]  }
0x41: {  	v5 =	vld [tilespmem:s23+$0x20]  }
0x42: {  	v6 =	vld [tilespmem:s21+$0x20]  }
0x43: {  	v7 =	vld [tilespmem:s23+$0x10]  }
0x44: {  	v8 =	vld [tilespmem:s21+$0x10]  }
0x45: {  	v9 =	vld [tilespmem:s23+$0x0]  }
0x46: {  	v10 =	vld [tilespmem:s21+$0x0]  }
0x47: {  	v11 =	vld [tilespmem:s23+$0xFFFFFFF0]  }
0x48: {  	v13 =	vld [tilespmem:s21+$0xFFFFFFF0]  }
0x49: {  	v14 =	vld [tilespmem:s23+$0xFFFFFFE0]  }
0x4a: {  	v15 =	vld [tilespmem:s23+$0xFFFFFFC0]  }
0x4b: {  	v12 =	vld [tilespmem:s21+$0xFFFFFFC0]  }
0x4c: {  	v16 =	vld [tilespmem:s23+$0xFFFFFFD0]  }
0x4d: {  	v19 =	vld [tilespmem:s21+$0xFFFFFFD0]  }
0x4e: {  	v1 =	vimm.f32 $0.0e+00;
	v22 =	vld [tilespmem:s21+$0xFFFFFFE0]  }
0x4f: {  	s23 =	simm.s32 $0x9040;
	vm6 =	vge.f32 v5, $1.000000010e-01;
	vm8 =	vge.f32 v9, $1.000000010e-01;
	vm7 =	vge.f32 v7, $1.000000010e-01  }
0x50: {  	v3 =	vld [tilespmem:s23+$0x30];
	v4 =	vsub.f32 v4, v2;
	vm9 =	vge.f32 v11, $1.000000010e-01;
	v8 =	vsub.f32 v8, v7  }
0x51: {  	v18 =	vld [tilespmem:s23+$0xFFFFFFC0];
	v6 =	vsub.f32 v6, v5;
	v7 =	vsub.f32 v12, v15;
	vm10 =	vge.f32 v14, $1.000000010e-01  }
0x52: {  	v17 =	vld [tilespmem:s23+$0xFFFFFFD0];
	v12 =	vsub.f32 v10, v9;
	vm12 =	vge.f32 v15, $1.000000010e-01;
	v15 =	vsub.f32 v13, v11  }
0x53: {  	v5 =	vld [tilespmem:s23+$0x20];
	vm11 =	vge.f32 v16, $1.000000010e-01;
	v20 =	vsub.f32 v19, v16;
	v19 =	vsub.f32 v22, v14  }
0x54: {  	v10 =	vld [tilespmem:s23+$0x10];
	v14 =	vimm.f32 $0.0e+00;
	v13 =	vimm.f32 $0.0e+00;
	v21 =	vmul.f32 v7, v7  }
0x55: {  	s24 =	simm.s32 $0x0;
	s25 =	simm.s32 $0xC0;
	v16 =	vld [tilespmem:s23+$0xFFFFFFE0];
	v11 =	vsel vm9, $0x3F800000, v0;
	v9 =	vsel vm8, $0x3F800000, v0;
	v7 =	vsel vm7, $0x3F800000, v0  }
.LBB2_3:
0x56: {  	v22 =	vld [tilespmem:s25+$0x30];
	v18 =	vmul.f32 v21, v18;
	v20 =	vmul.f32 v20, v20;
	v21 =	vsel vm10, $0x3F800000, v0  }
0x57: {  	v23 =	vsel vm12, $0x3F800000, v0;
	v24 =	vsel vm11, $0x3F800000, v0;
	v19 =	vmul.f32 v19, v19;
	s21 =	sadd.s32 $0x80, s21;
	v25 =	vld [tilespmem:s23+$0xFFFFFFF0]  }
0x58: {  	v26 =	vld [tilespmem:s21+$0x30];
	v1 =	vadd.f32 v18, v1;
	v18 =	vnsel vm12, $0x0, v18;
	v17 =	vmul.f32 v20, v17  }
0x59: {  	v15 =	vmul.f32 v15, v15;
	v13 =	vadd.f32 v23, v13;
	v14 =	vadd.f32 v18, v14;
	v18 =	vld [tilespmem:s23+$0x0]  }
0x5a: {  	v20 =	vld [tilespmem:s25+$0x20];
	v1 =	vadd.f32 v17, v1;
	v17 =	vnsel vm11, $0x0, v17;
	v16 =	vmul.f32 v19, v16  }
0x5b: {  	v12 =	vmul.f32 v12, v12;
	v13 =	vadd.f32 v24, v13;
	v19 =	vld [tilespmem:s21+$0x20];
	v14 =	vadd.f32 v17, v14  }
0x5c: {  	v17 =	vld [tilespmem:s25+$0x10];
	v1 =	vadd.f32 v16, v1;
	v16 =	vnsel vm10, $0x0, v16;
	v15 =	vmul.f32 v15, v25  }
0x5d: {  	v8 =	vmul.f32 v8, v8;
	v13 =	vadd.f32 v21, v13;
	v23 =	vld [tilespmem:s21+$0x10];
	v14 =	vadd.f32 v16, v14  }
0x5e: {  	v16 =	vld [tilespmem:s25+$0x0];
	v1 =	vadd.f32 v15, v1;
	v15 =	vnsel vm9, $0x0, v15;
	v12 =	vmul.f32 v12, v18  }
0x5f: {  	v6 =	vmul.f32 v6, v6;
	v11 =	vadd.f32 v11, v13;
	v21 =	vld [tilespmem:s21+$0x0];
	v14 =	vadd.f32 v15, v14  }
0x60: {  	v8 =	vmul.f32 v8, v10;
	v15 =	vld [tilespmem:s25+$0xFFFFFFF0];
	v1 =	vadd.f32 v12, v1;
	v12 =	vnsel vm8, $0x0, v12  }
0x61: {  	v4 =	vmul.f32 v4, v4;
	v9 =	vadd.f32 v9, v11;
	v10 =	vld [tilespmem:s21+$0xFFFFFFF0];
	v12 =	vadd.f32 v12, v14  }
0x62: {  	v5 =	vmul.f32 v6, v5;
	v11 =	vld [tilespmem:s25+$0xFFFFFFE0];
	v1 =	vadd.f32 v8, v1;
	v8 =	vnsel vm7, $0x0, v8  }
0x63: {  	v7 =	vadd.f32 v7, v9;
	v24 =	vld [tilespmem:s21+$0xFFFFFFE0];
	v6 =	vadd.f32 v8, v12;
	v8 =	vsel vm6, $0x3F800000, v0  }
0x64: {  	v3 =	vmul.f32 v4, v3;
	v9 =	vld [tilespmem:s25+$0xFFFFFFC0];
	v1 =	vadd.f32 v5, v1;
	v5 =	vnsel vm6, $0x0, v5  }
0x65: {  	s24 =	sadd.s32 $0x80, s24;
	vm6 =	vge.f32 v2, $1.000000010e-01;
	v2 =	vmovc v22;
	v12 =	vld [tilespmem:s21+$0xFFFFFFC0];
	v4 =	vadd.f32 v5, v6;
	v5 =	vadd.f32 v8, v7  }
0x66: {  	p3 =	slt.u32 s24, $0x4780;
	v6 =	vsel vm6, $0x3F800000, v0;
	v7 =	vld [tilespmem:s25+$0xFFFFFFD0];
	v1 =	vadd.f32 v3, v1;
	v3 =	vnsel vm6, $0x0, v3  }
0x67: {  	s23 =	sadd.s32 $0x80, s23;
	vm6 =	vge.f32 v20, $1.000000010e-01;
	v22 =	vld [tilespmem:s21+$0xFFFFFFD0];
	v14 =	vadd.f32 v3, v4;
	v13 =	vadd.f32 v6, v5  }
0x68: {  	vm7 =	vge.f32 v17, $1.000000010e-01;
	vm8 =	vge.f32 v16, $1.000000010e-01;
	v4 =	vsub.f32 v26, v2;
	v3 =	vld [tilespmem:s23+$0x30]  }
.Ltmp3:
0x69: {  	vm9 =	vge.f32 v15, $1.000000010e-01;
	v8 =	vsub.f32 v23, v17;
	v6 =	vsub.f32 v19, v20;
	v18 =	vld [tilespmem:s23+$0xFFFFFFC0];
	(pc) =	sbr.rel @p3 .LBB2_3-.Ltmp3, $4  }
0x6a: {  	vm10 =	vge.f32 v11, $1.000000010e-01;
	v19 =	vsub.f32 v12, v9;
	v12 =	vsub.f32 v21, v16;
	v5 =	vld [tilespmem:s23+$0x20]  }
0x6b: {  	v15 =	vsub.f32 v10, v15;
	vm12 =	vge.f32 v9, $1.000000010e-01;
	v17 =	vld [tilespmem:s23+$0xFFFFFFD0];
	vm11 =	vge.f32 v7, $1.000000010e-01  }
0x6c: {  	v21 =	vmul.f32 v19, v19;
	v20 =	vsub.f32 v22, v7;
	v19 =	vsub.f32 v24, v11;
	v10 =	vld [tilespmem:s23+$0x10]  }
0x6d: {  	s25 =	sadd.s32 $0x80, s25;
	v9 =	vsel vm8, $0x3F800000, v0;
	v11 =	vsel vm9, $0x3F800000, v0;
	v7 =	vsel vm7, $0x3F800000, v0;
	v16 =	vld [tilespmem:s23+$0xFFFFFFE0]  }
0x6e: {  	v22 =	vld [tilespmem:s23+$0xFFFFFFF0];
	s18 =	rddreg [dreg:$0x6]  }
0x6f: {  	v23 =	vld [tilespmem:s23+$0x0];
	[tilespmem:s2], [sflag:$0x1] =	stream.linear.gather [hbm4b:s18+s2], $0x4800, $0x38  }
0x70: {  	s30 =	rddreg [dreg:$0x7]  }
0x71: {  	[tilespmem:s1], [sflag:$0x1] =	stream.linear.gather [hbm4b:s30+s2], $0x4800, $0x38;
	[tilespmem:$0x1B100] =	vst v63  }
0x72: {  	_ = 	snop  }
0x73: {  	[tilespmem:s9], [sflag:$0x1] =	stream.linear.gather [hbm4b:s22+s2], $0x4800, $0x38;
	[tilespmem:$0x1B100] =	vst v63  }
0x74: {  	_ =	swait.ge [sflag:s16], $0x4800  }
0x75: {  	[sflag:s16] =	ssyncset.done $0x0  }
0x76: {  	[sflag:s16] =	ssyncadd.s32 $0xFFFFB800  }
0x77: {  	_ =	swait.ge [sflag:s16], $0x4800  }
0x78: {  	[sflag:s16] =	ssyncset.done $0x0  }
0x79: {  	[sflag:s16] =	ssyncadd.s32 $0xFFFFB800  }
0x7a: {  	v18 =	vmul.f32 v21, v18;
	_ =	swait.ge [sflag:s16], $0x4800  }
0x7b: {  	v20 =	vmul.f32 v20, v20;
	v21 =	vsel vm10, $0x3F800000, v0;
	[sflag:s16] =	ssyncset.done $0x0  }
0x7c: {  	v24 =	vsel vm12, $0x3F800000, v0;
	s31 =	simm.s32 $0xD840;
	v25 =	vadd.f32 v18, v1;
	v1 =	vnsel vm12, $0x0, v18;
	[sflag:s16] =	ssyncadd.s32 $0xFFFFB800  }
0x7d: {  	s21 =	simm.s32 $0x12040;
	v18 =	vmul.f32 v19, v19;
	v17 =	vmul.f32 v20, v17;
	v14 =	vadd.f32 v1, v14;
	v1 =	vld [tilespmem:s31+$0x30]  }
0x7e: {  	v15 =	vmul.f32 v15, v15;
	v13 =	vadd.f32 v24, v13;
	v19 =	vsel vm11, $0x3F800000, v0;
	v20 =	vld [tilespmem:s21+$0x30]  }
0x7f: {  	v61 =	vadd.f32 v17, v25;
	v17 =	vnsel vm11, $0x0, v17;
	v16 =	vmul.f32 v18, v16;
	v62 =	vld [tilespmem:s31+$0x20]  }
0x80: {  	v12 =	vmul.f32 v12, v12;
	v13 =	vadd.f32 v19, v13;
	v14 =	vadd.f32 v17, v14;
	v17 =	vld [tilespmem:s21+$0x20]  }
0x81: {  	v15 =	vmul.f32 v15, v22;
	v18 =	vadd.f32 v16, v61;
	v16 =	vnsel vm10, $0x0, v16;
	v19 =	vld [tilespmem:s31+$0x10]  }
0x82: {  	v8 =	vmul.f32 v8, v8;
	v13 =	vadd.f32 v21, v13;
	v14 =	vadd.f32 v16, v14;
	v16 =	vld [tilespmem:s21+$0x10]  }
0x83: {  	v12 =	vmul.f32 v12, v23;
	v18 =	vadd.f32 v15, v18;
	v15 =	vnsel vm9, $0x0, v15;
	v21 =	vld [tilespmem:s31+$0x0]  }
0x84: {  	v6 =	vmul.f32 v6, v6;
	v11 =	vadd.f32 v11, v13;
	v14 =	vadd.f32 v15, v14;
	v15 =	vld [tilespmem:s21+$0x0]  }
0x85: {  	v8 =	vmul.f32 v8, v10;
	v13 =	vadd.f32 v12, v18;
	v12 =	vnsel vm8, $0x0, v12;
	v10 =	vld [tilespmem:s31+$0xFFFFFFF0]  }
0x86: {  	v4 =	vmul.f32 v4, v4;
	v9 =	vadd.f32 v9, v11;
	v12 =	vadd.f32 v12, v14;
	v22 =	vld [tilespmem:s21+$0xFFFFFFF0]  }
0x87: {  	v5 =	vmul.f32 v6, v5;
	v11 =	vadd.f32 v8, v13;
	v8 =	vnsel vm7, $0x0, v8;
	v23 =	vld [tilespmem:s31+$0xFFFFFFE0]  }
0x88: {  	v3 =	vmul.f32 v4, v3;
	v7 =	vadd.f32 v7, v9;
	v6 =	vadd.f32 v8, v12;
	v9 =	vld [tilespmem:s21+$0xFFFFFFE0]  }
0x89: {  	v8 =	vsel vm6, $0x3F800000, v0;
	v11 =	vadd.f32 v5, v11;
	v5 =	vnsel vm6, $0x0, v5;
	v12 =	vld [tilespmem:s31+$0xFFFFFFC0]  }
0x8a: {  	vm6 =	vge.f32 v2, $1.000000010e-01;
	v4 =	vadd.f32 v5, v6;
	v5 =	vadd.f32 v8, v7;
	v7 =	vld [tilespmem:s21+$0xFFFFFFC0]  }
0x8b: {  	v6 =	vsel vm6, $0x3F800000, v0;
	v63 =	vld [tilespmem:s31+$0xFFFFFFD0];
	v2 =	vadd.f32 v3, v11;
	v3 =	vnsel vm6, $0x0, v3  }
0x8c: {  	s23 =	simm.s32 $0x16840;
	v26 =	vld [tilespmem:s21+$0xFFFFFFD0];
	v13 =	vadd.f32 v3, v4;
	v11 =	vadd.f32 v6, v5;
	vm6 =	vge.f32 v62, $1.000000010e-01  }
0x8d: {  	v18 =	vld [tilespmem:s23+$0xFFFFFFC0];
	vm8 =	vge.f32 v21, $1.000000010e-01;
	vm7 =	vge.f32 v19, $1.000000010e-01;
	v4 =	vsub.f32 v20, v1  }
0x8e: {  	v3 =	vld [tilespmem:s23+$0x30];
	vm9 =	vge.f32 v10, $1.000000010e-01;
	v8 =	vsub.f32 v16, v19;
	v6 =	vsub.f32 v17, v62  }
0x8f: {  	v5 =	vld [tilespmem:s23+$0x20];
	v7 =	vsub.f32 v7, v12;
	vm10 =	vge.f32 v23, $1.000000010e-01;
	v14 =	vsub.f32 v15, v21  }
0x90: {  	vm12 =	vge.f32 v12, $1.000000010e-01;
	v17 =	vld [tilespmem:s23+$0xFFFFFFD0];
	vm11 =	vge.f32 v63, $1.000000010e-01;
	v15 =	vsub.f32 v22, v10  }
0x91: {  	v20 =	vsub.f32 v26, v63;
	v19 =	vsub.f32 v9, v23;
	v9 =	vld [tilespmem:s23+$0x10];
	v21 =	vmul.f32 v7, v7  }
0x92: {  	s24 =	simm.s32 $0x0;
	s25 =	simm.s32 $0xD8C0;
	v16 =	vld [tilespmem:s23+$0xFFFFFFE0];
	v12 =	vsel vm9, $0x3F800000, v0;
	v10 =	vsel vm8, $0x3F800000, v0;
	v7 =	vsel vm7, $0x3F800000, v0  }
.LBB2_5:
0x93: {  	v22 =	vld [tilespmem:s25+$0x30];
	v18 =	vmul.f32 v21, v18;
	v20 =	vmul.f32 v20, v20;
	v21 =	vsel vm10, $0x3F800000, v0  }
0x94: {  	v23 =	vsel vm12, $0x3F800000, v0;
	v24 =	vsel vm11, $0x3F800000, v0;
	v19 =	vmul.f32 v19, v19;
	s21 =	sadd.s32 $0x80, s21;
	v25 =	vld [tilespmem:s23+$0xFFFFFFF0]  }
0x95: {  	v26 =	vld [tilespmem:s21+$0x30];
	v2 =	vadd.f32 v18, v2;
	v18 =	vnsel vm12, $0x0, v18;
	v17 =	vmul.f32 v20, v17  }
0x96: {  	v15 =	vmul.f32 v15, v15;
	v11 =	vadd.f32 v23, v11;
	v13 =	vadd.f32 v18, v13;
	v18 =	vld [tilespmem:s23+$0x0]  }
0x97: {  	v20 =	vld [tilespmem:s25+$0x20];
	v2 =	vadd.f32 v17, v2;
	v17 =	vnsel vm11, $0x0, v17;
	v16 =	vmul.f32 v19, v16  }
0x98: {  	v14 =	vmul.f32 v14, v14;
	v11 =	vadd.f32 v24, v11;
	v19 =	vld [tilespmem:s21+$0x20];
	v13 =	vadd.f32 v17, v13  }
0x99: {  	v17 =	vld [tilespmem:s25+$0x10];
	v2 =	vadd.f32 v16, v2;
	v16 =	vnsel vm10, $0x0, v16;
	v15 =	vmul.f32 v15, v25  }
0x9a: {  	v8 =	vmul.f32 v8, v8;
	v11 =	vadd.f32 v21, v11;
	v23 =	vld [tilespmem:s21+$0x10];
	v13 =	vadd.f32 v16, v13  }
0x9b: {  	v16 =	vld [tilespmem:s25+$0x0];
	v2 =	vadd.f32 v15, v2;
	v15 =	vnsel vm9, $0x0, v15;
	v14 =	vmul.f32 v14, v18  }
0x9c: {  	v6 =	vmul.f32 v6, v6;
	v11 =	vadd.f32 v12, v11;
	v21 =	vld [tilespmem:s21+$0x0];
	v13 =	vadd.f32 v15, v13  }
0x9d: {  	v8 =	vmul.f32 v8, v9;
	v12 =	vld [tilespmem:s25+$0xFFFFFFF0];
	v2 =	vadd.f32 v14, v2;
	v14 =	vnsel vm8, $0x0, v14  }
0x9e: {  	v4 =	vmul.f32 v4, v4;
	v10 =	vadd.f32 v10, v11;
	v9 =	vld [tilespmem:s21+$0xFFFFFFF0];
	v13 =	vadd.f32 v14, v13  }
0x9f: {  	v5 =	vmul.f32 v6, v5;
	v24 =	vld [tilespmem:s25+$0xFFFFFFE0];
	v2 =	vadd.f32 v8, v2;
	v8 =	vnsel vm7, $0x0, v8  }
0xa0: {  	v7 =	vadd.f32 v7, v10;
	v25 =	vld [tilespmem:s21+$0xFFFFFFE0];
	v6 =	vadd.f32 v8, v13;
	v8 =	vsel vm6, $0x3F800000, v0  }
0xa1: {  	v3 =	vmul.f32 v4, v3;
	v10 =	vld [tilespmem:s25+$0xFFFFFFC0];
	v2 =	vadd.f32 v5, v2;
	v5 =	vnsel vm6, $0x0, v5  }
0xa2: {  	s24 =	sadd.s32 $0x80, s24;
	vm6 =	vge.f32 v1, $1.000000010e-01;
	v1 =	vmovc v22;
	v14 =	vld [tilespmem:s21+$0xFFFFFFC0];
	v4 =	vadd.f32 v5, v6;
	v5 =	vadd.f32 v8, v7  }
0xa3: {  	p3 =	slt.u32 s24, $0x4780;
	v6 =	vsel vm6, $0x3F800000, v0;
	v7 =	vld [tilespmem:s25+$0xFFFFFFD0];
	v2 =	vadd.f32 v3, v2;
	v3 =	vnsel vm6, $0x0, v3  }
0xa4: {  	s23 =	sadd.s32 $0x80, s23;
	vm6 =	vge.f32 v20, $1.000000010e-01;
	v22 =	vld [tilespmem:s21+$0xFFFFFFD0];
	v13 =	vadd.f32 v3, v4;
	v11 =	vadd.f32 v6, v5  }
0xa5: {  	vm7 =	vge.f32 v17, $1.000000010e-01;
	vm8 =	vge.f32 v16, $1.000000010e-01;
	v4 =	vsub.f32 v26, v1;
	v3 =	vld [tilespmem:s23+$0x30]  }
.Ltmp4:
0xa6: {  	vm9 =	vge.f32 v12, $1.000000010e-01;
	v8 =	vsub.f32 v23, v17;
	v6 =	vsub.f32 v19, v20;
	v18 =	vld [tilespmem:s23+$0xFFFFFFC0];
	(pc) =	sbr.rel @p3 .LBB2_5-.Ltmp4, $4  }
0xa7: {  	vm10 =	vge.f32 v24, $1.000000010e-01;
	v19 =	vsub.f32 v14, v10;
	v14 =	vsub.f32 v21, v16;
	v5 =	vld [tilespmem:s23+$0x20]  }
0xa8: {  	v15 =	vsub.f32 v9, v12;
	vm12 =	vge.f32 v10, $1.000000010e-01;
	v17 =	vld [tilespmem:s23+$0xFFFFFFD0];
	vm11 =	vge.f32 v7, $1.000000010e-01  }
0xa9: {  	v21 =	vmul.f32 v19, v19;
	v20 =	vsub.f32 v22, v7;
	v19 =	vsub.f32 v25, v24;
	v9 =	vld [tilespmem:s23+$0x10]  }
0xaa: {  	v12 =	vsel vm9, $0x3F800000, v0;
	s25 =	sadd.s32 $0x80, s25;
	v10 =	vsel vm8, $0x3F800000, v0;
	v7 =	vsel vm7, $0x3F800000, v0;
	v16 =	vld [tilespmem:s23+$0xFFFFFFE0]  }
0xab: {  	v22 =	vld [tilespmem:s23+$0xFFFFFFF0];
	s18 =	rddreg [dreg:$0xe]  }
0xac: {  	v23 =	vld [tilespmem:s23+$0x0];
	[tilespmem:s10], [sflag:$0x2] =	stream.linear.gather [hbm4b:s18+s2], $0x4800, $0x38  }
0xad: {  	s30 =	rddreg [dreg:$0xf]  }
0xae: {  	[tilespmem:s12], [sflag:$0x2] =	stream.linear.gather [hbm4b:s30+s2], $0x4800, $0x38;
	[tilespmem:$0x1B100] =	vst v63  }
0xaf: {  	_ = 	snop  }
0xb0: {  	[tilespmem:s13], [sflag:$0x2] =	stream.linear.gather [hbm4b:s28+s2], $0x4800, $0x38;
	[tilespmem:$0x1B100] =	vst v63  }
0xb1: {  	_ =	swait.ge [sflag:s15], $0x4800  }
0xb2: {  	[sflag:s15] =	ssyncset.done $0x0  }
0xb3: {  	[sflag:s15] =	ssyncadd.s32 $0xFFFFB800  }
0xb4: {  	_ =	swait.ge [sflag:s15], $0x4800  }
0xb5: {  	[sflag:s15] =	ssyncset.done $0x0  }
0xb6: {  	[sflag:s15] =	ssyncadd.s32 $0xFFFFB800  }
0xb7: {  	v18 =	vmul.f32 v21, v18;
	_ =	swait.ge [sflag:s15], $0x4800  }
0xb8: {  	v20 =	vmul.f32 v20, v20;
	v21 =	vsel vm10, $0x3F800000, v0;
	[sflag:s15] =	ssyncset.done $0x0  }
0xb9: {  	v24 =	vsel vm12, $0x3F800000, v0;
	s31 =	simm.s32 $0x40;
	v25 =	vadd.f32 v18, v2;
	v2 =	vnsel vm12, $0x0, v18;
	[sflag:s15] =	ssyncadd.s32 $0xFFFFB800  }
0xba: {  	s21 =	simm.s32 $0x4840;
	v18 =	vmul.f32 v19, v19;
	v17 =	vmul.f32 v20, v17;
	v13 =	vadd.f32 v2, v13;
	v2 =	vld [tilespmem:s31+$0x30]  }
0xbb: {  	v15 =	vmul.f32 v15, v15;
	v11 =	vadd.f32 v24, v11;
	v19 =	vsel vm11, $0x3F800000, v0;
	v20 =	vld [tilespmem:s21+$0x30]  }
0xbc: {  	v61 =	vadd.f32 v17, v25;
	v17 =	vnsel vm11, $0x0, v17;
	v16 =	vmul.f32 v18, v16;
	v62 =	vld [tilespmem:s31+$0x20]  }
0xbd: {  	v14 =	vmul.f32 v14, v14;
	v11 =	vadd.f32 v19, v11;
	v13 =	vadd.f32 v17, v13;
	v17 =	vld [tilespmem:s21+$0x20]  }
0xbe: {  	v15 =	vmul.f32 v15, v22;
	v18 =	vadd.f32 v16, v61;
	v16 =	vnsel vm10, $0x0, v16;
	v19 =	vld [tilespmem:s31+$0x10]  }
0xbf: {  	v8 =	vmul.f32 v8, v8;
	v11 =	vadd.f32 v21, v11;
	v13 =	vadd.f32 v16, v13;
	v16 =	vld [tilespmem:s21+$0x10]  }
0xc0: {  	v14 =	vmul.f32 v14, v23;
	v18 =	vadd.f32 v15, v18;
	v15 =	vnsel vm9, $0x0, v15;
	v21 =	vld [tilespmem:s31+$0x0]  }
0xc1: {  	v6 =	vmul.f32 v6, v6;
	v11 =	vadd.f32 v12, v11;
	v13 =	vadd.f32 v15, v13;
	v12 =	vld [tilespmem:s21+$0x0]  }
0xc2: {  	v8 =	vmul.f32 v8, v9;
	v15 =	vadd.f32 v14, v18;
	v14 =	vnsel vm8, $0x0, v14;
	v9 =	vld [tilespmem:s31+$0xFFFFFFF0]  }
0xc3: {  	v4 =	vmul.f32 v4, v4;
	v10 =	vadd.f32 v10, v11;
	v13 =	vadd.f32 v14, v13;
	v22 =	vld [tilespmem:s21+$0xFFFFFFF0]  }
0xc4: {  	v5 =	vmul.f32 v6, v5;
	v11 =	vadd.f32 v8, v15;
	v8 =	vnsel vm7, $0x0, v8;
	v23 =	vld [tilespmem:s31+$0xFFFFFFE0]  }
0xc5: {  	v3 =	vmul.f32 v4, v3;
	v7 =	vadd.f32 v7, v10;
	v6 =	vadd.f32 v8, v13;
	v10 =	vld [tilespmem:s21+$0xFFFFFFE0]  }
0xc6: {  	v8 =	vsel vm6, $0x3F800000, v0;
	v11 =	vadd.f32 v5, v11;
	v5 =	vnsel vm6, $0x0, v5;
	v15 =	vld [tilespmem:s31+$0xFFFFFFC0]  }
0xc7: {  	vm6 =	vge.f32 v1, $1.000000010e-01;
	v4 =	vadd.f32 v5, v6;
	v5 =	vadd.f32 v8, v7;
	v7 =	vld [tilespmem:s21+$0xFFFFFFC0]  }
0xc8: {  	v6 =	vsel vm6, $0x3F800000, v0;
	v63 =	vld [tilespmem:s31+$0xFFFFFFD0];
	v1 =	vadd.f32 v3, v11;
	v3 =	vnsel vm6, $0x0, v3  }
0xc9: {  	s23 =	simm.s32 $0x9040;
	v26 =	vld [tilespmem:s21+$0xFFFFFFD0];
	v13 =	vadd.f32 v3, v4;
	v11 =	vadd.f32 v6, v5;
	vm6 =	vge.f32 v62, $1.000000010e-01  }
0xca: {  	v18 =	vld [tilespmem:s23+$0xFFFFFFC0];
	vm8 =	vge.f32 v21, $1.000000010e-01;
	vm7 =	vge.f32 v19, $1.000000010e-01;
	v4 =	vsub.f32 v20, v2  }
0xcb: {  	v3 =	vld [tilespmem:s23+$0x30];
	vm9 =	vge.f32 v9, $1.000000010e-01;
	v8 =	vsub.f32 v16, v19;
	v6 =	vsub.f32 v17, v62  }
0xcc: {  	v5 =	vld [tilespmem:s23+$0x20];
	v7 =	vsub.f32 v7, v15;
	vm10 =	vge.f32 v23, $1.000000010e-01;
	v14 =	vsub.f32 v12, v21  }
0xcd: {  	vm12 =	vge.f32 v15, $1.000000010e-01;
	v17 =	vld [tilespmem:s23+$0xFFFFFFD0];
	vm11 =	vge.f32 v63, $1.000000010e-01;
	v15 =	vsub.f32 v22, v9  }
0xce: {  	v20 =	vsub.f32 v26, v63;
	v19 =	vsub.f32 v10, v23;
	v9 =	vld [tilespmem:s23+$0x10];
	v21 =	vmul.f32 v7, v7  }
0xcf: {  	s24 =	simm.s32 $0x0;
	s25 =	simm.s32 $0xC0;
	v16 =	vld [tilespmem:s23+$0xFFFFFFE0];
	v12 =	vsel vm9, $0x3F800000, v0;
	v10 =	vsel vm8, $0x3F800000, v0;
	v7 =	vsel vm7, $0x3F800000, v0  }
.LBB2_7:
0xd0: {  	v22 =	vld [tilespmem:s25+$0x30];
	v18 =	vmul.f32 v21, v18;
	v20 =	vmul.f32 v20, v20;
	v21 =	vsel vm10, $0x3F800000, v0  }
0xd1: {  	v23 =	vsel vm12, $0x3F800000, v0;
	v24 =	vsel vm11, $0x3F800000, v0;
	v19 =	vmul.f32 v19, v19;
	s21 =	sadd.s32 $0x80, s21;
	v25 =	vld [tilespmem:s23+$0xFFFFFFF0]  }
0xd2: {  	v26 =	vld [tilespmem:s21+$0x30];
	v1 =	vadd.f32 v18, v1;
	v18 =	vnsel vm12, $0x0, v18;
	v17 =	vmul.f32 v20, v17  }
0xd3: {  	v15 =	vmul.f32 v15, v15;
	v11 =	vadd.f32 v23, v11;
	v13 =	vadd.f32 v18, v13;
	v18 =	vld [tilespmem:s23+$0x0]  }
0xd4: {  	v20 =	vld [tilespmem:s25+$0x20];
	v1 =	vadd.f32 v17, v1;
	v17 =	vnsel vm11, $0x0, v17;
	v16 =	vmul.f32 v19, v16  }
0xd5: {  	v14 =	vmul.f32 v14, v14;
	v11 =	vadd.f32 v24, v11;
	v19 =	vld [tilespmem:s21+$0x20];
	v13 =	vadd.f32 v17, v13  }
0xd6: {  	v17 =	vld [tilespmem:s25+$0x10];
	v1 =	vadd.f32 v16, v1;
	v16 =	vnsel vm10, $0x0, v16;
	v15 =	vmul.f32 v15, v25  }
0xd7: {  	v8 =	vmul.f32 v8, v8;
	v11 =	vadd.f32 v21, v11;
	v23 =	vld [tilespmem:s21+$0x10];
	v13 =	vadd.f32 v16, v13  }
0xd8: {  	v16 =	vld [tilespmem:s25+$0x0];
	v1 =	vadd.f32 v15, v1;
	v15 =	vnsel vm9, $0x0, v15;
	v14 =	vmul.f32 v14, v18  }
0xd9: {  	v6 =	vmul.f32 v6, v6;
	v11 =	vadd.f32 v12, v11;
	v21 =	vld [tilespmem:s21+$0x0];
	v13 =	vadd.f32 v15, v13  }
0xda: {  	v8 =	vmul.f32 v8, v9;
	v12 =	vld [tilespmem:s25+$0xFFFFFFF0];
	v1 =	vadd.f32 v14, v1;
	v14 =	vnsel vm8, $0x0, v14  }
0xdb: {  	v4 =	vmul.f32 v4, v4;
	v10 =	vadd.f32 v10, v11;
	v9 =	vld [tilespmem:s21+$0xFFFFFFF0];
	v13 =	vadd.f32 v14, v13  }
0xdc: {  	v5 =	vmul.f32 v6, v5;
	v24 =	vld [tilespmem:s25+$0xFFFFFFE0];
	v1 =	vadd.f32 v8, v1;
	v8 =	vnsel vm7, $0x0, v8  }
0xdd: {  	v7 =	vadd.f32 v7, v10;
	v25 =	vld [tilespmem:s21+$0xFFFFFFE0];
	v6 =	vadd.f32 v8, v13;
	v8 =	vsel vm6, $0x3F800000, v0  }
0xde: {  	v3 =	vmul.f32 v4, v3;
	v10 =	vld [tilespmem:s25+$0xFFFFFFC0];
	v1 =	vadd.f32 v5, v1;
	v5 =	vnsel vm6, $0x0, v5  }
0xdf: {  	s24 =	sadd.s32 $0x80, s24;
	vm6 =	vge.f32 v2, $1.000000010e-01;
	v2 =	vmovc v22;
	v14 =	vld [tilespmem:s21+$0xFFFFFFC0];
	v4 =	vadd.f32 v5, v6;
	v5 =	vadd.f32 v8, v7  }
0xe0: {  	p3 =	slt.u32 s24, $0x4780;
	v6 =	vsel vm6, $0x3F800000, v0;
	v7 =	vld [tilespmem:s25+$0xFFFFFFD0];
	v1 =	vadd.f32 v3, v1;
	v3 =	vnsel vm6, $0x0, v3  }
0xe1: {  	s23 =	sadd.s32 $0x80, s23;
	vm6 =	vge.f32 v20, $1.000000010e-01;
	v22 =	vld [tilespmem:s21+$0xFFFFFFD0];
	v13 =	vadd.f32 v3, v4;
	v11 =	vadd.f32 v6, v5  }
0xe2: {  	vm7 =	vge.f32 v17, $1.000000010e-01;
	vm8 =	vge.f32 v16, $1.000000010e-01;
	v4 =	vsub.f32 v26, v2;
	v3 =	vld [tilespmem:s23+$0x30]  }
.Ltmp5:
0xe3: {  	vm9 =	vge.f32 v12, $1.000000010e-01;
	v8 =	vsub.f32 v23, v17;
	v6 =	vsub.f32 v19, v20;
	v18 =	vld [tilespmem:s23+$0xFFFFFFC0];
	(pc) =	sbr.rel @p3 .LBB2_7-.Ltmp5, $4  }
0xe4: {  	vm10 =	vge.f32 v24, $1.000000010e-01;
	v19 =	vsub.f32 v14, v10;
	v14 =	vsub.f32 v21, v16;
	v5 =	vld [tilespmem:s23+$0x20]  }
0xe5: {  	v15 =	vsub.f32 v9, v12;
	vm12 =	vge.f32 v10, $1.000000010e-01;
	v17 =	vld [tilespmem:s23+$0xFFFFFFD0];
	vm11 =	vge.f32 v7, $1.000000010e-01  }
0xe6: {  	v21 =	vmul.f32 v19, v19;
	v20 =	vsub.f32 v22, v7;
	v19 =	vsub.f32 v25, v24;
	v9 =	vld [tilespmem:s23+$0x10]  }
0xe7: {  	v12 =	vsel vm9, $0x3F800000, v0;
	s25 =	sadd.s32 $0x80, s25;
	v10 =	vsel vm8, $0x3F800000, v0;
	v7 =	vsel vm7, $0x3F800000, v0;
	v16 =	vld [tilespmem:s23+$0xFFFFFFE0]  }
0xe8: {  	v22 =	vld [tilespmem:s23+$0xFFFFFFF0]  }
0xe9: {  	v23 =	vld [tilespmem:s23+$0x0];
	_ =	swait.ge [sflag:s16], $0x4800  }
0xea: {  	[sflag:s16] =	ssyncset.done $0x0  }
0xeb: {  	[sflag:s16] =	ssyncadd.s32 $0xFFFFB800  }
0xec: {  	_ =	swait.ge [sflag:s16], $0x4800  }
0xed: {  	v18 =	vmul.f32 v21, v18;
	[sflag:s16] =	ssyncset.done $0x0  }
0xee: {  	v20 =	vmul.f32 v20, v20;
	[sflag:s16] =	ssyncadd.s32 $0xFFFFB800  }
0xef: {  	v24 =	vsel vm12, $0x3F800000, v0;
	v15 =	vmul.f32 v15, v15;
	v25 =	vadd.f32 v18, v1;
	_ =	swait.ge [sflag:s16], $0x4800  }
0xf0: {  	v1 =	vnsel vm12, $0x0, v18;
	v18 =	vmul.f32 v19, v19;
	v17 =	vmul.f32 v20, v17;
	[sflag:s16] =	ssyncset.done $0x0  }
0xf1: {  	s31 =	simm.s32 $0xD840;
	v11 =	vadd.f32 v24, v11;
	v19 =	vsel vm11, $0x3F800000, v0;
	v13 =	vadd.f32 v1, v13;
	[sflag:s16] =	ssyncadd.s32 $0xFFFFB800  }
0xf2: {  	s21 =	simm.s32 $0x12040;
	v61 =	vadd.f32 v17, v25;
	v17 =	vnsel vm11, $0x0, v17;
	v16 =	vmul.f32 v18, v16;
	v1 =	vld [tilespmem:s31+$0x30]  }
0xf3: {  	v21 =	vsel vm10, $0x3F800000, v0;
	v11 =	vadd.f32 v19, v11;
	v13 =	vadd.f32 v17, v13;
	v20 =	vld [tilespmem:s21+$0x30]  }
0xf4: {  	v15 =	vmul.f32 v15, v22;
	v18 =	vadd.f32 v16, v61;
	v16 =	vnsel vm10, $0x0, v16;
	v62 =	vld [tilespmem:s31+$0x20]  }
0xf5: {  	v14 =	vmul.f32 v14, v14;
	v8 =	vmul.f32 v8, v8;
	v13 =	vadd.f32 v16, v13;
	v19 =	vld [tilespmem:s31+$0x10]  }
0xf6: {  	v11 =	vadd.f32 v21, v11;
	v18 =	vadd.f32 v15, v18;
	v15 =	vnsel vm9, $0x0, v15;
	v21 =	vld [tilespmem:s31+$0x0]  }
0xf7: {  	v6 =	vmul.f32 v6, v6;
	v13 =	vadd.f32 v15, v13;
	v15 =	vld [tilespmem:s21+$0x0]  }
0xf8: {  	v8 =	vmul.f32 v8, v9;
	v14 =	vmul.f32 v14, v23;
	v9 =	vld [tilespmem:s31+$0xFFFFFFF0]  }
0xf9: {  	v11 =	vadd.f32 v12, v11;
	v22 =	vld [tilespmem:s21+$0xFFFFFFF0]  }
0xfa: {  	v5 =	vmul.f32 v6, v5;
	v6 =	vld [tilespmem:s31+$0xFFFFFFE0];
	v12 =	vadd.f32 v14, v18;
	v14 =	vnsel vm8, $0x0, v14  }
0xfb: {  	v4 =	vmul.f32 v4, v4;
	v10 =	vadd.f32 v10, v11;
	v23 =	vld [tilespmem:s31+$0xFFFFFFC0];
	v13 =	vadd.f32 v14, v13  }
0xfc: {  	v63 =	vld [tilespmem:s31+$0xFFFFFFD0];
	v11 =	vadd.f32 v8, v12;
	v8 =	vnsel vm7, $0x0, v8  }
0xfd: {  	v3 =	vmul.f32 v4, v3;
	v26 =	vld [tilespmem:s21+$0xFFFFFFD0];
	v7 =	vadd.f32 v7, v10;
	v8 =	vadd.f32 v8, v13  }
0xfe: {  	v16 =	vld [tilespmem:s21+$0x10];
	v10 =	vsel vm6, $0x3F800000, v0;
	v11 =	vadd.f32 v5, v11;
	v5 =	vnsel vm6, $0x0, v5  }
0xff: {  	vm6 =	vge.f32 v2, $1.000000010e-01;
	vm8 =	vge.f32 v21, $1.000000010e-01;
	v4 =	vadd.f32 v5, v8;
	v8 =	vld [tilespmem:s21+$0xFFFFFFC0]  }
0x100: {  	s23 =	simm.s32 $0x16840;
	v17 =	vld [tilespmem:s21+$0x20];
	vm7 =	vge.f32 v19, $1.000000010e-01;
	vm9 =	vge.f32 v9, $1.000000010e-01;
	vm10 =	vge.f32 v6, $1.000000010e-01  }
0x101: {  	v18 =	vld [tilespmem:s23+$0xFFFFFFC0];
	v14 =	vsub.f32 v15, v21;
	vm12 =	vge.f32 v23, $1.000000010e-01;
	v15 =	vsub.f32 v22, v9  }
0x102: {  	v13 =	vld [tilespmem:s21+$0xFFFFFFE0];
	vm11 =	vge.f32 v63, $1.000000010e-01;
	v21 =	vsub.f32 v26, v63;
	v5 =	vadd.f32 v10, v7  }
0x103: {  	v2 =	vnsel vm6, $0x0, v3;
	v7 =	vsub.f32 v16, v19;
	v16 =	vld [tilespmem:s23+$0xFFFFFFD0];
	v10 =	vadd.f32 v3, v11  }
0x104: {  	v3 =	vsel vm6, $0x3F800000, v0;
	v11 =	vadd.f32 v2, v4;
	v2 =	vld [tilespmem:s23+$0x30];
	v8 =	vsub.f32 v8, v23  }
0x105: {  	v9 =	vsel vm8, $0x3F800000, v0;
	vm6 =	vge.f32 v62, $1.000000010e-01;
	v12 =	vadd.f32 v3, v5;
	v4 =	vld [tilespmem:s23+$0x20]  }
0x106: {  	v3 =	vsub.f32 v20, v1;
	v5 =	vsub.f32 v17, v62;
	v17 =	vld [tilespmem:s23+$0xFFFFFFE0];
	v20 =	vmul.f32 v8, v8  }
0x107: {  	s24 =	simm.s32 $0x0;
	s25 =	simm.s32 $0xD8C0;
	v19 =	vsub.f32 v13, v6;
	v13 =	vsel vm9, $0x3F800000, v0;
	v6 =	vsel vm7, $0x3F800000, v0;
	v8 =	vld [tilespmem:s23+$0x10]  }
.LBB2_9:
0x108: {  	v22 =	vld [tilespmem:s25+$0x30];
	v18 =	vmul.f32 v20, v18;
	v20 =	vmul.f32 v21, v21;
	v21 =	vsel vm10, $0x3F800000, v0  }
0x109: {  	v23 =	vsel vm12, $0x3F800000, v0;
	v24 =	vsel vm11, $0x3F800000, v0;
	v19 =	vmul.f32 v19, v19;
	s21 =	sadd.s32 $0x80, s21;
	v25 =	vld [tilespmem:s23+$0xFFFFFFF0]  }
0x10a: {  	v26 =	vld [tilespmem:s21+$0x30];
	v10 =	vadd.f32 v18, v10;
	v18 =	vnsel vm12, $0x0, v18;
	v16 =	vmul.f32 v20, v16  }
0x10b: {  	v15 =	vmul.f32 v15, v15;
	v12 =	vadd.f32 v23, v12;
	v11 =	vadd.f32 v18, v11;
	v18 =	vld [tilespmem:s23+$0x0]  }
0x10c: {  	v20 =	vld [tilespmem:s25+$0x20];
	v10 =	vadd.f32 v16, v10;
	v16 =	vnsel vm11, $0x0, v16;
	v17 =	vmul.f32 v19, v17  }
0x10d: {  	v14 =	vmul.f32 v14, v14;
	v12 =	vadd.f32 v24, v12;
	v19 =	vld [tilespmem:s21+$0x20];
	v11 =	vadd.f32 v16, v11  }
0x10e: {  	v16 =	vld [tilespmem:s25+$0x10];
	v10 =	vadd.f32 v17, v10;
	v17 =	vnsel vm10, $0x0, v17;
	v15 =	vmul.f32 v15, v25  }
0x10f: {  	v7 =	vmul.f32 v7, v7;
	v12 =	vadd.f32 v21, v12;
	v23 =	vld [tilespmem:s21+$0x10];
	v11 =	vadd.f32 v17, v11  }
0x110: {  	v17 =	vld [tilespmem:s25+$0x0];
	v10 =	vadd.f32 v15, v10;
	v15 =	vnsel vm9, $0x0, v15;
	v14 =	vmul.f32 v14, v18  }
0x111: {  	v5 =	vmul.f32 v5, v5;
	v12 =	vadd.f32 v13, v12;
	v21 =	vld [tilespmem:s21+$0x0];
	v11 =	vadd.f32 v15, v11  }
0x112: {  	v7 =	vmul.f32 v7, v8;
	v13 =	vld [tilespmem:s25+$0xFFFFFFF0];
	v10 =	vadd.f32 v14, v10;
	v14 =	vnsel vm8, $0x0, v14  }
0x113: {  	v3 =	vmul.f32 v3, v3;
	v9 =	vadd.f32 v9, v12;
	v8 =	vld [tilespmem:s21+$0xFFFFFFF0];
	v11 =	vadd.f32 v14, v11  }
0x114: {  	v4 =	vmul.f32 v5, v4;
	v24 =	vld [tilespmem:s25+$0xFFFFFFE0];
	v10 =	vadd.f32 v7, v10;
	v7 =	vnsel vm7, $0x0, v7  }
0x115: {  	v6 =	vadd.f32 v6, v9;
	v25 =	vld [tilespmem:s21+$0xFFFFFFE0];
	v5 =	vadd.f32 v7, v11;
	v7 =	vsel vm6, $0x3F800000, v0  }
0x116: {  	v2 =	vmul.f32 v3, v2;
	v9 =	vld [tilespmem:s25+$0xFFFFFFC0];
	v10 =	vadd.f32 v4, v10;
	v4 =	vnsel vm6, $0x0, v4  }
0x117: {  	s24 =	sadd.s32 $0x80, s24;
	vm6 =	vge.f32 v1, $1.000000010e-01;
	v1 =	vmovc v22;
	v14 =	vld [tilespmem:s21+$0xFFFFFFC0];
	v3 =	vadd.f32 v4, v5;
	v4 =	vadd.f32 v7, v6  }
0x118: {  	p3 =	slt.u32 s24, $0x4780;
	v5 =	vsel vm6, $0x3F800000, v0;
	v6 =	vld [tilespmem:s25+$0xFFFFFFD0];
	v10 =	vadd.f32 v2, v10;
	v2 =	vnsel vm6, $0x0, v2  }
0x119: {  	s23 =	sadd.s32 $0x80, s23;
	vm6 =	vge.f32 v20, $1.000000010e-01;
	v22 =	vld [tilespmem:s21+$0xFFFFFFD0];
	v11 =	vadd.f32 v2, v3;
	v12 =	vadd.f32 v5, v4  }
0x11a: {  	vm7 =	vge.f32 v16, $1.000000010e-01;
	vm8 =	vge.f32 v17, $1.000000010e-01;
	v3 =	vsub.f32 v26, v1;
	v2 =	vld [tilespmem:s23+$0x30]  }
.Ltmp6:
0x11b: {  	vm9 =	vge.f32 v13, $1.000000010e-01;
	v7 =	vsub.f32 v23, v16;
	v5 =	vsub.f32 v19, v20;
	v18 =	vld [tilespmem:s23+$0xFFFFFFC0];
	(pc) =	sbr.rel @p3 .LBB2_9-.Ltmp6, $4  }
0x11c: {  	vm10 =	vge.f32 v24, $1.000000010e-01;
	v19 =	vsub.f32 v14, v9;
	v14 =	vsub.f32 v21, v17;
	v4 =	vld [tilespmem:s23+$0x20]  }
0x11d: {  	v15 =	vsub.f32 v8, v13;
	vm12 =	vge.f32 v9, $1.000000010e-01;
	v16 =	vld [tilespmem:s23+$0xFFFFFFD0];
	vm11 =	vge.f32 v6, $1.000000010e-01  }
0x11e: {  	v20 =	vmul.f32 v19, v19;
	v21 =	vsub.f32 v22, v6;
	v19 =	vsub.f32 v25, v24;
	v8 =	vld [tilespmem:s23+$0x10]  }
0x11f: {  	v13 =	vsel vm9, $0x3F800000, v0;
	s25 =	sadd.s32 $0x80, s25;
	v9 =	vsel vm8, $0x3F800000, v0;
	v6 =	vsel vm7, $0x3F800000, v0;
	v17 =	vld [tilespmem:s23+$0xFFFFFFE0]  }
0x120: {  	v18 =	vmul.f32 v20, v18;
	v55 =	vmul.f32 v21, v21;
	v56 =	vsel vm10, $0x3F800000, v0  }
0x121: {  	v22 =	vsel vm12, $0x3F800000, v0;
	v23 =	vsel vm11, $0x3F800000, v0;
	v19 =	vmul.f32 v19, v19;
	v24 =	vld [tilespmem:s23+$0xFFFFFFF0]  }
0x122: {  	v10 =	vadd.f32 v18, v10;
	v18 =	vnsel vm12, $0x0, v18;
	v16 =	vmul.f32 v55, v16  }
0x123: {  	v15 =	vmul.f32 v15, v15;
	v57 =	vld [tilespmem:s23+$0x0];
	v12 =	vadd.f32 v22, v12;
	v11 =	vadd.f32 v18, v11  }
0x124: {  	v10 =	vadd.f32 v16, v10;
	v16 =	vnsel vm11, $0x0, v16;
	v17 =	vmul.f32 v19, v17  }
0x125: {  	v14 =	vmul.f32 v14, v14;
	v12 =	vadd.f32 v23, v12;
	v11 =	vadd.f32 v16, v11  }
0x126: {  	v15 =	vmul.f32 v15, v24;
	v10 =	vadd.f32 v17, v10;
	v58 =	vnsel vm10, $0x0, v17  }
0x127: {  	v7 =	vmul.f32 v7, v7;
	v12 =	vadd.f32 v56, v12;
	v11 =	vadd.f32 v58, v11  }
0x128: {  	v14 =	vmul.f32 v14, v57;
	v10 =	vadd.f32 v15, v10;
	v15 =	vnsel vm9, $0x0, v15  }
0x129: {  	v5 =	vmul.f32 v5, v5;
	v7 =	vmul.f32 v7, v8;
	v11 =	vadd.f32 v15, v11  }
0x12a: {  	v12 =	vadd.f32 v13, v12;
	v59 =	vnsel vm8, $0x0, v14;
	v10 =	vadd.f32 v14, v10  }
0x12b: {  	v3 =	vmul.f32 v3, v3;
	v4 =	vmul.f32 v5, v4;
	v60 =	vadd.f32 v59, v11  }
0x12c: {  	v9 =	vadd.f32 v9, v12;
	v10 =	vadd.f32 v7, v10;
	v7 =	vnsel vm7, $0x0, v7  }
0x12d: {  	v2 =	vmul.f32 v3, v2;
	v61 =	vadd.f32 v7, v60  }
0x12e: {  	v6 =	vadd.f32 v6, v9;
	v62 =	vadd.f32 v4, v10;
	v4 =	vnsel vm6, $0x0, v4  }
0x12f: {  	v3 =	vsel vm6, $0x3F800000, v0;
	vm6 =	vge.f32 v1, $1.000000010e-01;
	v4 =	vadd.f32 v4, v61  }
0x130: {  	v1 =	vadd.f32 v3, v6;
	v3 =	vadd.f32 v2, v62;
	v2 =	vnsel vm6, $0x0, v2  }
0x131: {  	v63 =	vsel vm6, $0x3F800000, v0;
	v2 =	vadd.f32 v2, v4  }
0x132: {  	v1 =	vadd.f32 v63, v1;
	(xrf2) =	vadd.scan.msk.f32 $0xffff, v3  }
0x133: {  	(xrf2) =	vadd.scan.msk.f32 $0xffff, v2  }
0x134: {  	(xrf2) =	vadd.scan.msk.f32 $0xffff, v1;
	_ =	sdelay $0x7  }
0x135: {  	v1, _, _ =	vpop (xrf2)  }
0x136: {  	v2, _, _ =	vpop (xrf2)  }
0x137: {  	v3, _, _ =	vpop (xrf2)  }
0x138: {  	v3 =	vbroadcast v3, $0xF  }
0x139: {  	v2 =	vbroadcast v2, $0xF  }
0x13a: {  	v1 =	vbroadcast v1, $0xF;
	v3 =	vnsel vm0, $0x0, v3  }
0x13b: {  	v2 =	vsel vm1, v3, v2  }
0x13c: {  	v1 =	vsel vm2, v2, v1  }
0x13d: {  	[tilespmem:$0x1B080] =	vst v1  }
.LBB2_11:
.Ltmp7:
0x13e: {  	(pc) =	sbr.rel @!p0 .LBB2_21-.Ltmp7, $1  }
0x13f: {  	_ =	sdelay $0x3  }
0x140: {  	s18 =	rddreg [dreg:$0x8]  }
0x141: {  	[tilespmem:s2], [sflag:$0x1] =	stream.linear.gather [hbm4b:s18+s2], $0x4800, $0x38;
	[tilespmem:$0x1B100] =	vst v63  }
0x142: {  	s29 =	rddreg [dreg:$0x9]  }
0x143: {  	[tilespmem:s1], [sflag:$0x1] =	stream.linear.gather [hbm4b:s29+s2], $0x4800, $0x38;
	[tilespmem:$0x1B100] =	vst v63  }
0x144: {  	_ = 	snop  }
0x145: {  	[tilespmem:s9], [sflag:$0x1] =	stream.linear.gather [hbm4b:s11+s2], $0x4800, $0x38;
	[tilespmem:$0x1B100] =	vst v63  }
0x146: {  	s30 =	rddreg [dreg:$0xa]  }
0x147: {  	[tilespmem:s10], [sflag:$0x2] =	stream.linear.gather [hbm4b:s30+s2], $0x4800, $0x38;
	[tilespmem:$0x1B100] =	vst v63  }
0x148: {  	s31 =	rddreg [dreg:$0xb]  }
0x149: {  	[tilespmem:s12], [sflag:$0x2] =	stream.linear.gather [hbm4b:s31+s2], $0x4800, $0x38;
	[tilespmem:$0x1B100] =	vst v63  }
0x14a: {  	_ = 	snop  }
0x14b: {  	[tilespmem:s13], [sflag:$0x2] =	stream.linear.gather [hbm4b:s14+s2], $0x4800, $0x38;
	[tilespmem:$0x1B100] =	vst v63  }
0x14c: {  	_ =	swait.ge [sflag:s15], $0x4800  }
0x14d: {  	[sflag:s15] =	ssyncset.done $0x0  }
0x14e: {  	[sflag:s15] =	ssyncadd.s32 $0xFFFFB800  }
0x14f: {  	_ =	swait.ge [sflag:s15], $0x4800  }
0x150: {  	[sflag:s15] =	ssyncset.done $0x0  }
0x151: {  	[sflag:s15] =	ssyncadd.s32 $0xFFFFB800  }
0x152: {  	_ =	swait.ge [sflag:s15], $0x4800  }
0x153: {  	[sflag:s15] =	ssyncset.done $0x0  }
0x154: {  	s23 =	simm.s32 $0x40;
	[sflag:s15] =	ssyncadd.s32 $0xFFFFB800  }
0x155: {  	s21 =	simm.s32 $0x4840;
	v2 =	vld [tilespmem:s23+$0x30]  }
0x156: {  	v4 =	vld [tilespmem:s21+$0x30]  }
0x157: {  	v5 =	vld [tilespmem:s23+$0x20]  }
0x158: {  	v6 =	vld [tilespmem:s21+$0x20]  }
0x159: {  	v7 =	vld [tilespmem:s23+$0x10]  }
0x15a: {  	v8 =	vld [tilespmem:s21+$0x10]  }
0x15b: {  	v9 =	vld [tilespmem:s23+$0x0]  }
0x15c: {  	v10 =	vld [tilespmem:s21+$0x0]  }
0x15d: {  	v11 =	vld [tilespmem:s23+$0xFFFFFFF0]  }
0x15e: {  	v13 =	vld [tilespmem:s21+$0xFFFFFFF0]  }
0x15f: {  	v14 =	vld [tilespmem:s23+$0xFFFFFFE0]  }
0x160: {  	v15 =	vld [tilespmem:s23+$0xFFFFFFC0]  }
0x161: {  	v12 =	vld [tilespmem:s21+$0xFFFFFFC0]  }
0x162: {  	v16 =	vld [tilespmem:s23+$0xFFFFFFD0]  }
0x163: {  	v19 =	vld [tilespmem:s21+$0xFFFFFFD0]  }
0x164: {  	v1 =	vimm.f32 $0.0e+00;
	v22 =	vld [tilespmem:s21+$0xFFFFFFE0]  }
0x165: {  	s23 =	simm.s32 $0x9040;
	vm6 =	vge.f32 v5, $1.000000010e-01;
	vm8 =	vge.f32 v9, $1.000000010e-01;
	vm7 =	vge.f32 v7, $1.000000010e-01  }
0x166: {  	v3 =	vld [tilespmem:s23+$0x30];
	v4 =	vsub.f32 v4, v2;
	vm9 =	vge.f32 v11, $1.000000010e-01;
	v8 =	vsub.f32 v8, v7  }
0x167: {  	v18 =	vld [tilespmem:s23+$0xFFFFFFC0];
	v6 =	vsub.f32 v6, v5;
	v7 =	vsub.f32 v12, v15;
	vm10 =	vge.f32 v14, $1.000000010e-01  }
0x168: {  	v17 =	vld [tilespmem:s23+$0xFFFFFFD0];
	v12 =	vsub.f32 v10, v9;
	vm12 =	vge.f32 v15, $1.000000010e-01;
	v15 =	vsub.f32 v13, v11  }
0x169: {  	v5 =	vld [tilespmem:s23+$0x20];
	vm11 =	vge.f32 v16, $1.000000010e-01;
	v20 =	vsub.f32 v19, v16;
	v19 =	vsub.f32 v22, v14  }
0x16a: {  	v10 =	vld [tilespmem:s23+$0x10];
	v14 =	vimm.f32 $0.0e+00;
	v13 =	vimm.f32 $0.0e+00;
	v21 =	vmul.f32 v7, v7  }
0x16b: {  	s24 =	simm.s32 $0x0;
	s25 =	simm.s32 $0xC0;
	v16 =	vld [tilespmem:s23+$0xFFFFFFE0];
	v11 =	vsel vm9, $0x3F800000, v0;
	v9 =	vsel vm8, $0x3F800000, v0;
	v7 =	vsel vm7, $0x3F800000, v0  }
.LBB2_13:
0x16c: {  	v22 =	vld [tilespmem:s25+$0x30];
	v18 =	vmul.f32 v21, v18;
	v20 =	vmul.f32 v20, v20;
	v21 =	vsel vm10, $0x3F800000, v0  }
0x16d: {  	v23 =	vsel vm12, $0x3F800000, v0;
	v24 =	vsel vm11, $0x3F800000, v0;
	v19 =	vmul.f32 v19, v19;
	s21 =	sadd.s32 $0x80, s21;
	v25 =	vld [tilespmem:s23+$0xFFFFFFF0]  }
0x16e: {  	v26 =	vld [tilespmem:s21+$0x30];
	v1 =	vadd.f32 v18, v1;
	v18 =	vnsel vm12, $0x0, v18;
	v17 =	vmul.f32 v20, v17  }
0x16f: {  	v15 =	vmul.f32 v15, v15;
	v13 =	vadd.f32 v23, v13;
	v14 =	vadd.f32 v18, v14;
	v18 =	vld [tilespmem:s23+$0x0]  }
0x170: {  	v20 =	vld [tilespmem:s25+$0x20];
	v1 =	vadd.f32 v17, v1;
	v17 =	vnsel vm11, $0x0, v17;
	v16 =	vmul.f32 v19, v16  }
0x171: {  	v12 =	vmul.f32 v12, v12;
	v13 =	vadd.f32 v24, v13;
	v19 =	vld [tilespmem:s21+$0x20];
	v14 =	vadd.f32 v17, v14  }
0x172: {  	v17 =	vld [tilespmem:s25+$0x10];
	v1 =	vadd.f32 v16, v1;
	v16 =	vnsel vm10, $0x0, v16;
	v15 =	vmul.f32 v15, v25  }
0x173: {  	v8 =	vmul.f32 v8, v8;
	v13 =	vadd.f32 v21, v13;
	v23 =	vld [tilespmem:s21+$0x10];
	v14 =	vadd.f32 v16, v14  }
0x174: {  	v16 =	vld [tilespmem:s25+$0x0];
	v1 =	vadd.f32 v15, v1;
	v15 =	vnsel vm9, $0x0, v15;
	v12 =	vmul.f32 v12, v18  }
0x175: {  	v6 =	vmul.f32 v6, v6;
	v11 =	vadd.f32 v11, v13;
	v21 =	vld [tilespmem:s21+$0x0];
	v14 =	vadd.f32 v15, v14  }
0x176: {  	v8 =	vmul.f32 v8, v10;
	v15 =	vld [tilespmem:s25+$0xFFFFFFF0];
	v1 =	vadd.f32 v12, v1;
	v12 =	vnsel vm8, $0x0, v12  }
0x177: {  	v4 =	vmul.f32 v4, v4;
	v9 =	vadd.f32 v9, v11;
	v10 =	vld [tilespmem:s21+$0xFFFFFFF0];
	v12 =	vadd.f32 v12, v14  }
0x178: {  	v5 =	vmul.f32 v6, v5;
	v11 =	vld [tilespmem:s25+$0xFFFFFFE0];
	v1 =	vadd.f32 v8, v1;
	v8 =	vnsel vm7, $0x0, v8  }
0x179: {  	v7 =	vadd.f32 v7, v9;
	v24 =	vld [tilespmem:s21+$0xFFFFFFE0];
	v6 =	vadd.f32 v8, v12;
	v8 =	vsel vm6, $0x3F800000, v0  }
0x17a: {  	v3 =	vmul.f32 v4, v3;
	v9 =	vld [tilespmem:s25+$0xFFFFFFC0];
	v1 =	vadd.f32 v5, v1;
	v5 =	vnsel vm6, $0x0, v5  }
0x17b: {  	s24 =	sadd.s32 $0x80, s24;
	vm6 =	vge.f32 v2, $1.000000010e-01;
	v2 =	vmovc v22;
	v12 =	vld [tilespmem:s21+$0xFFFFFFC0];
	v4 =	vadd.f32 v5, v6;
	v5 =	vadd.f32 v8, v7  }
0x17c: {  	p3 =	slt.u32 s24, $0x4780;
	v6 =	vsel vm6, $0x3F800000, v0;
	v7 =	vld [tilespmem:s25+$0xFFFFFFD0];
	v1 =	vadd.f32 v3, v1;
	v3 =	vnsel vm6, $0x0, v3  }
0x17d: {  	s23 =	sadd.s32 $0x80, s23;
	vm6 =	vge.f32 v20, $1.000000010e-01;
	v22 =	vld [tilespmem:s21+$0xFFFFFFD0];
	v14 =	vadd.f32 v3, v4;
	v13 =	vadd.f32 v6, v5  }
0x17e: {  	vm7 =	vge.f32 v17, $1.000000010e-01;
	vm8 =	vge.f32 v16, $1.000000010e-01;
	v4 =	vsub.f32 v26, v2;
	v3 =	vld [tilespmem:s23+$0x30]  }
.Ltmp8:
0x17f: {  	vm9 =	vge.f32 v15, $1.000000010e-01;
	v8 =	vsub.f32 v23, v17;
	v6 =	vsub.f32 v19, v20;
	v18 =	vld [tilespmem:s23+$0xFFFFFFC0];
	(pc) =	sbr.rel @p3 .LBB2_13-.Ltmp8, $4  }
0x180: {  	vm10 =	vge.f32 v11, $1.000000010e-01;
	v19 =	vsub.f32 v12, v9;
	v12 =	vsub.f32 v21, v16;
	v5 =	vld [tilespmem:s23+$0x20]  }
0x181: {  	v15 =	vsub.f32 v10, v15;
	vm12 =	vge.f32 v9, $1.000000010e-01;
	v17 =	vld [tilespmem:s23+$0xFFFFFFD0];
	vm11 =	vge.f32 v7, $1.000000010e-01  }
0x182: {  	v21 =	vmul.f32 v19, v19;
	v20 =	vsub.f32 v22, v7;
	v19 =	vsub.f32 v24, v11;
	v10 =	vld [tilespmem:s23+$0x10]  }
0x183: {  	s25 =	sadd.s32 $0x80, s25;
	v9 =	vsel vm8, $0x3F800000, v0;
	v11 =	vsel vm9, $0x3F800000, v0;
	v7 =	vsel vm7, $0x3F800000, v0;
	v16 =	vld [tilespmem:s23+$0xFFFFFFE0]  }
0x184: {  	v22 =	vld [tilespmem:s23+$0xFFFFFFF0];
	s18 =	rddreg [dreg:$0xc]  }
0x185: {  	v23 =	vld [tilespmem:s23+$0x0];
	[tilespmem:s2], [sflag:$0x1] =	stream.linear.gather [hbm4b:s18+s2], $0x4800, $0x38  }
0x186: {  	s30 =	rddreg [dreg:$0xd]  }
0x187: {  	[tilespmem:s1], [sflag:$0x1] =	stream.linear.gather [hbm4b:s30+s2], $0x4800, $0x38;
	[tilespmem:$0x1B100] =	vst v63  }
0x188: {  	_ = 	snop  }
0x189: {  	[tilespmem:s9], [sflag:$0x1] =	stream.linear.gather [hbm4b:s22+s2], $0x4800, $0x38;
	[tilespmem:$0x1B100] =	vst v63  }
0x18a: {  	_ =	swait.ge [sflag:s16], $0x4800  }
0x18b: {  	[sflag:s16] =	ssyncset.done $0x0  }
0x18c: {  	[sflag:s16] =	ssyncadd.s32 $0xFFFFB800  }
0x18d: {  	_ =	swait.ge [sflag:s16], $0x4800  }
0x18e: {  	[sflag:s16] =	ssyncset.done $0x0  }
0x18f: {  	[sflag:s16] =	ssyncadd.s32 $0xFFFFB800  }
0x190: {  	v18 =	vmul.f32 v21, v18;
	_ =	swait.ge [sflag:s16], $0x4800  }
0x191: {  	v20 =	vmul.f32 v20, v20;
	v21 =	vsel vm10, $0x3F800000, v0;
	[sflag:s16] =	ssyncset.done $0x0  }
0x192: {  	v24 =	vsel vm12, $0x3F800000, v0;
	s31 =	simm.s32 $0xD840;
	v25 =	vadd.f32 v18, v1;
	v1 =	vnsel vm12, $0x0, v18;
	[sflag:s16] =	ssyncadd.s32 $0xFFFFB800  }
0x193: {  	s21 =	simm.s32 $0x12040;
	v18 =	vmul.f32 v19, v19;
	v17 =	vmul.f32 v20, v17;
	v14 =	vadd.f32 v1, v14;
	v1 =	vld [tilespmem:s31+$0x30]  }
0x194: {  	v15 =	vmul.f32 v15, v15;
	v13 =	vadd.f32 v24, v13;
	v19 =	vsel vm11, $0x3F800000, v0;
	v20 =	vld [tilespmem:s21+$0x30]  }
0x195: {  	v61 =	vadd.f32 v17, v25;
	v17 =	vnsel vm11, $0x0, v17;
	v16 =	vmul.f32 v18, v16;
	v62 =	vld [tilespmem:s31+$0x20]  }
0x196: {  	v12 =	vmul.f32 v12, v12;
	v13 =	vadd.f32 v19, v13;
	v14 =	vadd.f32 v17, v14;
	v17 =	vld [tilespmem:s21+$0x20]  }
0x197: {  	v15 =	vmul.f32 v15, v22;
	v18 =	vadd.f32 v16, v61;
	v16 =	vnsel vm10, $0x0, v16;
	v19 =	vld [tilespmem:s31+$0x10]  }
0x198: {  	v8 =	vmul.f32 v8, v8;
	v13 =	vadd.f32 v21, v13;
	v14 =	vadd.f32 v16, v14;
	v16 =	vld [tilespmem:s21+$0x10]  }
0x199: {  	v12 =	vmul.f32 v12, v23;
	v18 =	vadd.f32 v15, v18;
	v15 =	vnsel vm9, $0x0, v15;
	v21 =	vld [tilespmem:s31+$0x0]  }
0x19a: {  	v6 =	vmul.f32 v6, v6;
	v11 =	vadd.f32 v11, v13;
	v14 =	vadd.f32 v15, v14;
	v15 =	vld [tilespmem:s21+$0x0]  }
0x19b: {  	v8 =	vmul.f32 v8, v10;
	v13 =	vadd.f32 v12, v18;
	v12 =	vnsel vm8, $0x0, v12;
	v10 =	vld [tilespmem:s31+$0xFFFFFFF0]  }
0x19c: {  	v4 =	vmul.f32 v4, v4;
	v9 =	vadd.f32 v9, v11;
	v12 =	vadd.f32 v12, v14;
	v22 =	vld [tilespmem:s21+$0xFFFFFFF0]  }
0x19d: {  	v5 =	vmul.f32 v6, v5;
	v11 =	vadd.f32 v8, v13;
	v8 =	vnsel vm7, $0x0, v8;
	v23 =	vld [tilespmem:s31+$0xFFFFFFE0]  }
0x19e: {  	v3 =	vmul.f32 v4, v3;
	v7 =	vadd.f32 v7, v9;
	v6 =	vadd.f32 v8, v12;
	v9 =	vld [tilespmem:s21+$0xFFFFFFE0]  }
0x19f: {  	v8 =	vsel vm6, $0x3F800000, v0;
	v11 =	vadd.f32 v5, v11;
	v5 =	vnsel vm6, $0x0, v5;
	v12 =	vld [tilespmem:s31+$0xFFFFFFC0]  }
0x1a0: {  	vm6 =	vge.f32 v2, $1.000000010e-01;
	v4 =	vadd.f32 v5, v6;
	v5 =	vadd.f32 v8, v7;
	v7 =	vld [tilespmem:s21+$0xFFFFFFC0]  }
0x1a1: {  	v6 =	vsel vm6, $0x3F800000, v0;
	v63 =	vld [tilespmem:s31+$0xFFFFFFD0];
	v2 =	vadd.f32 v3, v11;
	v3 =	vnsel vm6, $0x0, v3  }
0x1a2: {  	s23 =	simm.s32 $0x16840;
	v26 =	vld [tilespmem:s21+$0xFFFFFFD0];
	v13 =	vadd.f32 v3, v4;
	v11 =	vadd.f32 v6, v5;
	vm6 =	vge.f32 v62, $1.000000010e-01  }
0x1a3: {  	v18 =	vld [tilespmem:s23+$0xFFFFFFC0];
	vm8 =	vge.f32 v21, $1.000000010e-01;
	vm7 =	vge.f32 v19, $1.000000010e-01;
	v4 =	vsub.f32 v20, v1  }
0x1a4: {  	v3 =	vld [tilespmem:s23+$0x30];
	vm9 =	vge.f32 v10, $1.000000010e-01;
	v8 =	vsub.f32 v16, v19;
	v6 =	vsub.f32 v17, v62  }
0x1a5: {  	v5 =	vld [tilespmem:s23+$0x20];
	v7 =	vsub.f32 v7, v12;
	vm10 =	vge.f32 v23, $1.000000010e-01;
	v14 =	vsub.f32 v15, v21  }
0x1a6: {  	vm12 =	vge.f32 v12, $1.000000010e-01;
	v17 =	vld [tilespmem:s23+$0xFFFFFFD0];
	vm11 =	vge.f32 v63, $1.000000010e-01;
	v15 =	vsub.f32 v22, v10  }
0x1a7: {  	v20 =	vsub.f32 v26, v63;
	v19 =	vsub.f32 v9, v23;
	v9 =	vld [tilespmem:s23+$0x10];
	v21 =	vmul.f32 v7, v7  }
0x1a8: {  	s24 =	simm.s32 $0x0;
	s25 =	simm.s32 $0xD8C0;
	v16 =	vld [tilespmem:s23+$0xFFFFFFE0];
	v12 =	vsel vm9, $0x3F800000, v0;
	v10 =	vsel vm8, $0x3F800000, v0;
	v7 =	vsel vm7, $0x3F800000, v0  }
.LBB2_15:
0x1a9: {  	v22 =	vld [tilespmem:s25+$0x30];
	v18 =	vmul.f32 v21, v18;
	v20 =	vmul.f32 v20, v20;
	v21 =	vsel vm10, $0x3F800000, v0  }
0x1aa: {  	v23 =	vsel vm12, $0x3F800000, v0;
	v24 =	vsel vm11, $0x3F800000, v0;
	v19 =	vmul.f32 v19, v19;
	s21 =	sadd.s32 $0x80, s21;
	v25 =	vld [tilespmem:s23+$0xFFFFFFF0]  }
0x1ab: {  	v26 =	vld [tilespmem:s21+$0x30];
	v2 =	vadd.f32 v18, v2;
	v18 =	vnsel vm12, $0x0, v18;
	v17 =	vmul.f32 v20, v17  }
0x1ac: {  	v15 =	vmul.f32 v15, v15;
	v11 =	vadd.f32 v23, v11;
	v13 =	vadd.f32 v18, v13;
	v18 =	vld [tilespmem:s23+$0x0]  }
0x1ad: {  	v20 =	vld [tilespmem:s25+$0x20];
	v2 =	vadd.f32 v17, v2;
	v17 =	vnsel vm11, $0x0, v17;
	v16 =	vmul.f32 v19, v16  }
0x1ae: {  	v14 =	vmul.f32 v14, v14;
	v11 =	vadd.f32 v24, v11;
	v19 =	vld [tilespmem:s21+$0x20];
	v13 =	vadd.f32 v17, v13  }
0x1af: {  	v17 =	vld [tilespmem:s25+$0x10];
	v2 =	vadd.f32 v16, v2;
	v16 =	vnsel vm10, $0x0, v16;
	v15 =	vmul.f32 v15, v25  }
0x1b0: {  	v8 =	vmul.f32 v8, v8;
	v11 =	vadd.f32 v21, v11;
	v23 =	vld [tilespmem:s21+$0x10];
	v13 =	vadd.f32 v16, v13  }
0x1b1: {  	v16 =	vld [tilespmem:s25+$0x0];
	v2 =	vadd.f32 v15, v2;
	v15 =	vnsel vm9, $0x0, v15;
	v14 =	vmul.f32 v14, v18  }
0x1b2: {  	v6 =	vmul.f32 v6, v6;
	v11 =	vadd.f32 v12, v11;
	v21 =	vld [tilespmem:s21+$0x0];
	v13 =	vadd.f32 v15, v13  }
0x1b3: {  	v8 =	vmul.f32 v8, v9;
	v12 =	vld [tilespmem:s25+$0xFFFFFFF0];
	v2 =	vadd.f32 v14, v2;
	v14 =	vnsel vm8, $0x0, v14  }
0x1b4: {  	v4 =	vmul.f32 v4, v4;
	v10 =	vadd.f32 v10, v11;
	v9 =	vld [tilespmem:s21+$0xFFFFFFF0];
	v13 =	vadd.f32 v14, v13  }
0x1b5: {  	v5 =	vmul.f32 v6, v5;
	v24 =	vld [tilespmem:s25+$0xFFFFFFE0];
	v2 =	vadd.f32 v8, v2;
	v8 =	vnsel vm7, $0x0, v8  }
0x1b6: {  	v7 =	vadd.f32 v7, v10;
	v25 =	vld [tilespmem:s21+$0xFFFFFFE0];
	v6 =	vadd.f32 v8, v13;
	v8 =	vsel vm6, $0x3F800000, v0  }
0x1b7: {  	v3 =	vmul.f32 v4, v3;
	v10 =	vld [tilespmem:s25+$0xFFFFFFC0];
	v2 =	vadd.f32 v5, v2;
	v5 =	vnsel vm6, $0x0, v5  }
0x1b8: {  	s24 =	sadd.s32 $0x80, s24;
	vm6 =	vge.f32 v1, $1.000000010e-01;
	v1 =	vmovc v22;
	v14 =	vld [tilespmem:s21+$0xFFFFFFC0];
	v4 =	vadd.f32 v5, v6;
	v5 =	vadd.f32 v8, v7  }
0x1b9: {  	p3 =	slt.u32 s24, $0x4780;
	v6 =	vsel vm6, $0x3F800000, v0;
	v7 =	vld [tilespmem:s25+$0xFFFFFFD0];
	v2 =	vadd.f32 v3, v2;
	v3 =	vnsel vm6, $0x0, v3  }
0x1ba: {  	s23 =	sadd.s32 $0x80, s23;
	vm6 =	vge.f32 v20, $1.000000010e-01;
	v22 =	vld [tilespmem:s21+$0xFFFFFFD0];
	v13 =	vadd.f32 v3, v4;
	v11 =	vadd.f32 v6, v5  }
0x1bb: {  	vm7 =	vge.f32 v17, $1.000000010e-01;
	vm8 =	vge.f32 v16, $1.000000010e-01;
	v4 =	vsub.f32 v26, v1;
	v3 =	vld [tilespmem:s23+$0x30]  }
.Ltmp9:
0x1bc: {  	vm9 =	vge.f32 v12, $1.000000010e-01;
	v8 =	vsub.f32 v23, v17;
	v6 =	vsub.f32 v19, v20;
	v18 =	vld [tilespmem:s23+$0xFFFFFFC0];
	(pc) =	sbr.rel @p3 .LBB2_15-.Ltmp9, $4  }
0x1bd: {  	vm10 =	vge.f32 v24, $1.000000010e-01;
	v19 =	vsub.f32 v14, v10;
	v14 =	vsub.f32 v21, v16;
	v5 =	vld [tilespmem:s23+$0x20]  }
0x1be: {  	v15 =	vsub.f32 v9, v12;
	vm12 =	vge.f32 v10, $1.000000010e-01;
	v17 =	vld [tilespmem:s23+$0xFFFFFFD0];
	vm11 =	vge.f32 v7, $1.000000010e-01  }
0x1bf: {  	v21 =	vmul.f32 v19, v19;
	v20 =	vsub.f32 v22, v7;
	v19 =	vsub.f32 v25, v24;
	v9 =	vld [tilespmem:s23+$0x10]  }
0x1c0: {  	v12 =	vsel vm9, $0x3F800000, v0;
	s25 =	sadd.s32 $0x80, s25;
	v10 =	vsel vm8, $0x3F800000, v0;
	v7 =	vsel vm7, $0x3F800000, v0;
	v16 =	vld [tilespmem:s23+$0xFFFFFFE0]  }
0x1c1: {  	v22 =	vld [tilespmem:s23+$0xFFFFFFF0];
	s18 =	rddreg [dreg:$0x10]  }
0x1c2: {  	v23 =	vld [tilespmem:s23+$0x0];
	[tilespmem:s10], [sflag:$0x2] =	stream.linear.gather [hbm4b:s18+s2], $0x4800, $0x38  }
0x1c3: {  	s30 =	rddreg [dreg:$0x11]  }
0x1c4: {  	[tilespmem:s12], [sflag:$0x2] =	stream.linear.gather [hbm4b:s30+s2], $0x4800, $0x38;
	[tilespmem:$0x1B100] =	vst v63  }
0x1c5: {  	_ = 	snop  }
0x1c6: {  	[tilespmem:s13], [sflag:$0x2] =	stream.linear.gather [hbm4b:s28+s2], $0x4800, $0x38;
	[tilespmem:$0x1B100] =	vst v63  }
0x1c7: {  	_ =	swait.ge [sflag:s15], $0x4800  }
0x1c8: {  	[sflag:s15] =	ssyncset.done $0x0  }
0x1c9: {  	[sflag:s15] =	ssyncadd.s32 $0xFFFFB800  }
0x1ca: {  	_ =	swait.ge [sflag:s15], $0x4800  }
0x1cb: {  	[sflag:s15] =	ssyncset.done $0x0  }
0x1cc: {  	[sflag:s15] =	ssyncadd.s32 $0xFFFFB800  }
0x1cd: {  	v18 =	vmul.f32 v21, v18;
	_ =	swait.ge [sflag:s15], $0x4800  }
0x1ce: {  	v20 =	vmul.f32 v20, v20;
	v21 =	vsel vm10, $0x3F800000, v0;
	[sflag:s15] =	ssyncset.done $0x0  }
0x1cf: {  	v24 =	vsel vm12, $0x3F800000, v0;
	s31 =	simm.s32 $0x40;
	v25 =	vadd.f32 v18, v2;
	v2 =	vnsel vm12, $0x0, v18;
	[sflag:s15] =	ssyncadd.s32 $0xFFFFB800  }
0x1d0: {  	s21 =	simm.s32 $0x4840;
	v18 =	vmul.f32 v19, v19;
	v17 =	vmul.f32 v20, v17;
	v13 =	vadd.f32 v2, v13;
	v2 =	vld [tilespmem:s31+$0x30]  }
0x1d1: {  	v15 =	vmul.f32 v15, v15;
	v11 =	vadd.f32 v24, v11;
	v19 =	vsel vm11, $0x3F800000, v0;
	v20 =	vld [tilespmem:s21+$0x30]  }
0x1d2: {  	v61 =	vadd.f32 v17, v25;
	v17 =	vnsel vm11, $0x0, v17;
	v16 =	vmul.f32 v18, v16;
	v62 =	vld [tilespmem:s31+$0x20]  }
0x1d3: {  	v14 =	vmul.f32 v14, v14;
	v11 =	vadd.f32 v19, v11;
	v13 =	vadd.f32 v17, v13;
	v17 =	vld [tilespmem:s21+$0x20]  }
0x1d4: {  	v15 =	vmul.f32 v15, v22;
	v18 =	vadd.f32 v16, v61;
	v16 =	vnsel vm10, $0x0, v16;
	v19 =	vld [tilespmem:s31+$0x10]  }
0x1d5: {  	v8 =	vmul.f32 v8, v8;
	v11 =	vadd.f32 v21, v11;
	v13 =	vadd.f32 v16, v13;
	v16 =	vld [tilespmem:s21+$0x10]  }
0x1d6: {  	v14 =	vmul.f32 v14, v23;
	v18 =	vadd.f32 v15, v18;
	v15 =	vnsel vm9, $0x0, v15;
	v21 =	vld [tilespmem:s31+$0x0]  }
0x1d7: {  	v6 =	vmul.f32 v6, v6;
	v11 =	vadd.f32 v12, v11;
	v13 =	vadd.f32 v15, v13;
	v12 =	vld [tilespmem:s21+$0x0]  }
0x1d8: {  	v8 =	vmul.f32 v8, v9;
	v15 =	vadd.f32 v14, v18;
	v14 =	vnsel vm8, $0x0, v14;
	v9 =	vld [tilespmem:s31+$0xFFFFFFF0]  }
0x1d9: {  	v4 =	vmul.f32 v4, v4;
	v10 =	vadd.f32 v10, v11;
	v13 =	vadd.f32 v14, v13;
	v22 =	vld [tilespmem:s21+$0xFFFFFFF0]  }
0x1da: {  	v5 =	vmul.f32 v6, v5;
	v11 =	vadd.f32 v8, v15;
	v8 =	vnsel vm7, $0x0, v8;
	v23 =	vld [tilespmem:s31+$0xFFFFFFE0]  }
0x1db: {  	v3 =	vmul.f32 v4, v3;
	v7 =	vadd.f32 v7, v10;
	v6 =	vadd.f32 v8, v13;
	v10 =	vld [tilespmem:s21+$0xFFFFFFE0]  }
0x1dc: {  	v8 =	vsel vm6, $0x3F800000, v0;
	v11 =	vadd.f32 v5, v11;
	v5 =	vnsel vm6, $0x0, v5;
	v15 =	vld [tilespmem:s31+$0xFFFFFFC0]  }
0x1dd: {  	vm6 =	vge.f32 v1, $1.000000010e-01;
	v4 =	vadd.f32 v5, v6;
	v5 =	vadd.f32 v8, v7;
	v7 =	vld [tilespmem:s21+$0xFFFFFFC0]  }
0x1de: {  	v6 =	vsel vm6, $0x3F800000, v0;
	v63 =	vld [tilespmem:s31+$0xFFFFFFD0];
	v1 =	vadd.f32 v3, v11;
	v3 =	vnsel vm6, $0x0, v3  }
0x1df: {  	s23 =	simm.s32 $0x9040;
	v26 =	vld [tilespmem:s21+$0xFFFFFFD0];
	v13 =	vadd.f32 v3, v4;
	v11 =	vadd.f32 v6, v5;
	vm6 =	vge.f32 v62, $1.000000010e-01  }
0x1e0: {  	v18 =	vld [tilespmem:s23+$0xFFFFFFC0];
	vm8 =	vge.f32 v21, $1.000000010e-01;
	vm7 =	vge.f32 v19, $1.000000010e-01;
	v4 =	vsub.f32 v20, v2  }
0x1e1: {  	v3 =	vld [tilespmem:s23+$0x30];
	vm9 =	vge.f32 v9, $1.000000010e-01;
	v8 =	vsub.f32 v16, v19;
	v6 =	vsub.f32 v17, v62  }
0x1e2: {  	v5 =	vld [tilespmem:s23+$0x20];
	v7 =	vsub.f32 v7, v15;
	vm10 =	vge.f32 v23, $1.000000010e-01;
	v14 =	vsub.f32 v12, v21  }
0x1e3: {  	vm12 =	vge.f32 v15, $1.000000010e-01;
	v17 =	vld [tilespmem:s23+$0xFFFFFFD0];
	vm11 =	vge.f32 v63, $1.000000010e-01;
	v15 =	vsub.f32 v22, v9  }
0x1e4: {  	v20 =	vsub.f32 v26, v63;
	v19 =	vsub.f32 v10, v23;
	v9 =	vld [tilespmem:s23+$0x10];
	v21 =	vmul.f32 v7, v7  }
0x1e5: {  	s24 =	simm.s32 $0x0;
	s25 =	simm.s32 $0xC0;
	v16 =	vld [tilespmem:s23+$0xFFFFFFE0];
	v12 =	vsel vm9, $0x3F800000, v0;
	v10 =	vsel vm8, $0x3F800000, v0;
	v7 =	vsel vm7, $0x3F800000, v0  }
.LBB2_17:
0x1e6: {  	v22 =	vld [tilespmem:s25+$0x30];
	v18 =	vmul.f32 v21, v18;
	v20 =	vmul.f32 v20, v20;
	v21 =	vsel vm10, $0x3F800000, v0  }
0x1e7: {  	v23 =	vsel vm12, $0x3F800000, v0;
	v24 =	vsel vm11, $0x3F800000, v0;
	v19 =	vmul.f32 v19, v19;
	s21 =	sadd.s32 $0x80, s21;
	v25 =	vld [tilespmem:s23+$0xFFFFFFF0]  }
0x1e8: {  	v26 =	vld [tilespmem:s21+$0x30];
	v1 =	vadd.f32 v18, v1;
	v18 =	vnsel vm12, $0x0, v18;
	v17 =	vmul.f32 v20, v17  }
0x1e9: {  	v15 =	vmul.f32 v15, v15;
	v11 =	vadd.f32 v23, v11;
	v13 =	vadd.f32 v18, v13;
	v18 =	vld [tilespmem:s23+$0x0]  }
0x1ea: {  	v20 =	vld [tilespmem:s25+$0x20];
	v1 =	vadd.f32 v17, v1;
	v17 =	vnsel vm11, $0x0, v17;
	v16 =	vmul.f32 v19, v16  }
0x1eb: {  	v14 =	vmul.f32 v14, v14;
	v11 =	vadd.f32 v24, v11;
	v19 =	vld [tilespmem:s21+$0x20];
	v13 =	vadd.f32 v17, v13  }
0x1ec: {  	v17 =	vld [tilespmem:s25+$0x10];
	v1 =	vadd.f32 v16, v1;
	v16 =	vnsel vm10, $0x0, v16;
	v15 =	vmul.f32 v15, v25  }
0x1ed: {  	v8 =	vmul.f32 v8, v8;
	v11 =	vadd.f32 v21, v11;
	v23 =	vld [tilespmem:s21+$0x10];
	v13 =	vadd.f32 v16, v13  }
0x1ee: {  	v16 =	vld [tilespmem:s25+$0x0];
	v1 =	vadd.f32 v15, v1;
	v15 =	vnsel vm9, $0x0, v15;
	v14 =	vmul.f32 v14, v18  }
0x1ef: {  	v6 =	vmul.f32 v6, v6;
	v11 =	vadd.f32 v12, v11;
	v21 =	vld [tilespmem:s21+$0x0];
	v13 =	vadd.f32 v15, v13  }
0x1f0: {  	v8 =	vmul.f32 v8, v9;
	v12 =	vld [tilespmem:s25+$0xFFFFFFF0];
	v1 =	vadd.f32 v14, v1;
	v14 =	vnsel vm8, $0x0, v14  }
0x1f1: {  	v4 =	vmul.f32 v4, v4;
	v10 =	vadd.f32 v10, v11;
	v9 =	vld [tilespmem:s21+$0xFFFFFFF0];
	v13 =	vadd.f32 v14, v13  }
0x1f2: {  	v5 =	vmul.f32 v6, v5;
	v24 =	vld [tilespmem:s25+$0xFFFFFFE0];
	v1 =	vadd.f32 v8, v1;
	v8 =	vnsel vm7, $0x0, v8  }
0x1f3: {  	v7 =	vadd.f32 v7, v10;
	v25 =	vld [tilespmem:s21+$0xFFFFFFE0];
	v6 =	vadd.f32 v8, v13;
	v8 =	vsel vm6, $0x3F800000, v0  }
0x1f4: {  	v3 =	vmul.f32 v4, v3;
	v10 =	vld [tilespmem:s25+$0xFFFFFFC0];
	v1 =	vadd.f32 v5, v1;
	v5 =	vnsel vm6, $0x0, v5  }
0x1f5: {  	s24 =	sadd.s32 $0x80, s24;
	vm6 =	vge.f32 v2, $1.000000010e-01;
	v2 =	vmovc v22;
	v14 =	vld [tilespmem:s21+$0xFFFFFFC0];
	v4 =	vadd.f32 v5, v6;
	v5 =	vadd.f32 v8, v7  }
0x1f6: {  	p3 =	slt.u32 s24, $0x4780;
	v6 =	vsel vm6, $0x3F800000, v0;
	v7 =	vld [tilespmem:s25+$0xFFFFFFD0];
	v1 =	vadd.f32 v3, v1;
	v3 =	vnsel vm6, $0x0, v3  }
0x1f7: {  	s23 =	sadd.s32 $0x80, s23;
	vm6 =	vge.f32 v20, $1.000000010e-01;
	v22 =	vld [tilespmem:s21+$0xFFFFFFD0];
	v13 =	vadd.f32 v3, v4;
	v11 =	vadd.f32 v6, v5  }
0x1f8: {  	vm7 =	vge.f32 v17, $1.000000010e-01;
	vm8 =	vge.f32 v16, $1.000000010e-01;
	v4 =	vsub.f32 v26, v2;
	v3 =	vld [tilespmem:s23+$0x30]  }
.Ltmp10:
0x1f9: {  	vm9 =	vge.f32 v12, $1.000000010e-01;
	v8 =	vsub.f32 v23, v17;
	v6 =	vsub.f32 v19, v20;
	v18 =	vld [tilespmem:s23+$0xFFFFFFC0];
	(pc) =	sbr.rel @p3 .LBB2_17-.Ltmp10, $4  }
0x1fa: {  	vm10 =	vge.f32 v24, $1.000000010e-01;
	v19 =	vsub.f32 v14, v10;
	v14 =	vsub.f32 v21, v16;
	v5 =	vld [tilespmem:s23+$0x20]  }
0x1fb: {  	v15 =	vsub.f32 v9, v12;
	vm12 =	vge.f32 v10, $1.000000010e-01;
	v17 =	vld [tilespmem:s23+$0xFFFFFFD0];
	vm11 =	vge.f32 v7, $1.000000010e-01  }
0x1fc: {  	v21 =	vmul.f32 v19, v19;
	v20 =	vsub.f32 v22, v7;
	v19 =	vsub.f32 v25, v24;
	v9 =	vld [tilespmem:s23+$0x10]  }
0x1fd: {  	v12 =	vsel vm9, $0x3F800000, v0;
	s25 =	sadd.s32 $0x80, s25;
	v10 =	vsel vm8, $0x3F800000, v0;
	v7 =	vsel vm7, $0x3F800000, v0;
	v16 =	vld [tilespmem:s23+$0xFFFFFFE0]  }
0x1fe: {  	v22 =	vld [tilespmem:s23+$0xFFFFFFF0]  }
0x1ff: {  	v23 =	vld [tilespmem:s23+$0x0];
	_ =	swait.ge [sflag:s16], $0x4800  }
0x200: {  	[sflag:s16] =	ssyncset.done $0x0  }
0x201: {  	[sflag:s16] =	ssyncadd.s32 $0xFFFFB800  }
0x202: {  	_ =	swait.ge [sflag:s16], $0x4800  }
0x203: {  	v18 =	vmul.f32 v21, v18;
	[sflag:s16] =	ssyncset.done $0x0  }
0x204: {  	v20 =	vmul.f32 v20, v20;
	[sflag:s16] =	ssyncadd.s32 $0xFFFFB800  }
0x205: {  	v24 =	vsel vm12, $0x3F800000, v0;
	v15 =	vmul.f32 v15, v15;
	v25 =	vadd.f32 v18, v1;
	_ =	swait.ge [sflag:s16], $0x4800  }
0x206: {  	v1 =	vnsel vm12, $0x0, v18;
	v18 =	vmul.f32 v19, v19;
	v17 =	vmul.f32 v20, v17;
	[sflag:s16] =	ssyncset.done $0x0  }
0x207: {  	s31 =	simm.s32 $0xD840;
	v11 =	vadd.f32 v24, v11;
	v19 =	vsel vm11, $0x3F800000, v0;
	v13 =	vadd.f32 v1, v13;
	[sflag:s16] =	ssyncadd.s32 $0xFFFFB800  }
0x208: {  	s21 =	simm.s32 $0x12040;
	v61 =	vadd.f32 v17, v25;
	v17 =	vnsel vm11, $0x0, v17;
	v16 =	vmul.f32 v18, v16;
	v1 =	vld [tilespmem:s31+$0x30]  }
0x209: {  	v21 =	vsel vm10, $0x3F800000, v0;
	v11 =	vadd.f32 v19, v11;
	v13 =	vadd.f32 v17, v13;
	v20 =	vld [tilespmem:s21+$0x30]  }
0x20a: {  	v15 =	vmul.f32 v15, v22;
	v18 =	vadd.f32 v16, v61;
	v16 =	vnsel vm10, $0x0, v16;
	v62 =	vld [tilespmem:s31+$0x20]  }
0x20b: {  	v14 =	vmul.f32 v14, v14;
	v8 =	vmul.f32 v8, v8;
	v13 =	vadd.f32 v16, v13;
	v19 =	vld [tilespmem:s31+$0x10]  }
0x20c: {  	v11 =	vadd.f32 v21, v11;
	v18 =	vadd.f32 v15, v18;
	v15 =	vnsel vm9, $0x0, v15;
	v21 =	vld [tilespmem:s31+$0x0]  }
0x20d: {  	v6 =	vmul.f32 v6, v6;
	v13 =	vadd.f32 v15, v13;
	v15 =	vld [tilespmem:s21+$0x0]  }
0x20e: {  	v8 =	vmul.f32 v8, v9;
	v14 =	vmul.f32 v14, v23;
	v9 =	vld [tilespmem:s31+$0xFFFFFFF0]  }
0x20f: {  	v11 =	vadd.f32 v12, v11;
	v22 =	vld [tilespmem:s21+$0xFFFFFFF0]  }
0x210: {  	v5 =	vmul.f32 v6, v5;
	v6 =	vld [tilespmem:s31+$0xFFFFFFE0];
	v12 =	vadd.f32 v14, v18;
	v14 =	vnsel vm8, $0x0, v14  }
0x211: {  	v4 =	vmul.f32 v4, v4;
	v10 =	vadd.f32 v10, v11;
	v23 =	vld [tilespmem:s31+$0xFFFFFFC0];
	v13 =	vadd.f32 v14, v13  }
0x212: {  	v63 =	vld [tilespmem:s31+$0xFFFFFFD0];
	v11 =	vadd.f32 v8, v12;
	v8 =	vnsel vm7, $0x0, v8  }
0x213: {  	v3 =	vmul.f32 v4, v3;
	v26 =	vld [tilespmem:s21+$0xFFFFFFD0];
	v7 =	vadd.f32 v7, v10;
	v8 =	vadd.f32 v8, v13  }
0x214: {  	v16 =	vld [tilespmem:s21+$0x10];
	v10 =	vsel vm6, $0x3F800000, v0;
	v11 =	vadd.f32 v5, v11;
	v5 =	vnsel vm6, $0x0, v5  }
0x215: {  	vm6 =	vge.f32 v2, $1.000000010e-01;
	vm8 =	vge.f32 v21, $1.000000010e-01;
	v4 =	vadd.f32 v5, v8;
	v8 =	vld [tilespmem:s21+$0xFFFFFFC0]  }
0x216: {  	s23 =	simm.s32 $0x16840;
	v17 =	vld [tilespmem:s21+$0x20];
	vm7 =	vge.f32 v19, $1.000000010e-01;
	vm9 =	vge.f32 v9, $1.000000010e-01;
	vm10 =	vge.f32 v6, $1.000000010e-01  }
0x217: {  	v18 =	vld [tilespmem:s23+$0xFFFFFFC0];
	v14 =	vsub.f32 v15, v21;
	vm12 =	vge.f32 v23, $1.000000010e-01;
	v15 =	vsub.f32 v22, v9  }
0x218: {  	v13 =	vld [tilespmem:s21+$0xFFFFFFE0];
	vm11 =	vge.f32 v63, $1.000000010e-01;
	v21 =	vsub.f32 v26, v63;
	v5 =	vadd.f32 v10, v7  }
0x219: {  	v2 =	vnsel vm6, $0x0, v3;
	v7 =	vsub.f32 v16, v19;
	v16 =	vld [tilespmem:s23+$0xFFFFFFD0];
	v10 =	vadd.f32 v3, v11  }
0x21a: {  	v3 =	vsel vm6, $0x3F800000, v0;
	v11 =	vadd.f32 v2, v4;
	v2 =	vld [tilespmem:s23+$0x30];
	v8 =	vsub.f32 v8, v23  }
0x21b: {  	v9 =	vsel vm8, $0x3F800000, v0;
	vm6 =	vge.f32 v62, $1.000000010e-01;
	v12 =	vadd.f32 v3, v5;
	v4 =	vld [tilespmem:s23+$0x20]  }
0x21c: {  	v3 =	vsub.f32 v20, v1;
	v5 =	vsub.f32 v17, v62;
	v17 =	vld [tilespmem:s23+$0xFFFFFFE0];
	v20 =	vmul.f32 v8, v8  }
0x21d: {  	s24 =	simm.s32 $0x0;
	s25 =	simm.s32 $0xD8C0;
	v19 =	vsub.f32 v13, v6;
	v13 =	vsel vm9, $0x3F800000, v0;
	v6 =	vsel vm7, $0x3F800000, v0;
	v8 =	vld [tilespmem:s23+$0x10]  }
.LBB2_19:
0x21e: {  	v22 =	vld [tilespmem:s25+$0x30];
	v18 =	vmul.f32 v20, v18;
	v20 =	vmul.f32 v21, v21;
	v21 =	vsel vm10, $0x3F800000, v0  }
0x21f: {  	v23 =	vsel vm12, $0x3F800000, v0;
	v24 =	vsel vm11, $0x3F800000, v0;
	v19 =	vmul.f32 v19, v19;
	s21 =	sadd.s32 $0x80, s21;
	v25 =	vld [tilespmem:s23+$0xFFFFFFF0]  }
0x220: {  	v26 =	vld [tilespmem:s21+$0x30];
	v10 =	vadd.f32 v18, v10;
	v18 =	vnsel vm12, $0x0, v18;
	v16 =	vmul.f32 v20, v16  }
0x221: {  	v15 =	vmul.f32 v15, v15;
	v12 =	vadd.f32 v23, v12;
	v11 =	vadd.f32 v18, v11;
	v18 =	vld [tilespmem:s23+$0x0]  }
0x222: {  	v20 =	vld [tilespmem:s25+$0x20];
	v10 =	vadd.f32 v16, v10;
	v16 =	vnsel vm11, $0x0, v16;
	v17 =	vmul.f32 v19, v17  }
0x223: {  	v14 =	vmul.f32 v14, v14;
	v12 =	vadd.f32 v24, v12;
	v19 =	vld [tilespmem:s21+$0x20];
	v11 =	vadd.f32 v16, v11  }
0x224: {  	v16 =	vld [tilespmem:s25+$0x10];
	v10 =	vadd.f32 v17, v10;
	v17 =	vnsel vm10, $0x0, v17;
	v15 =	vmul.f32 v15, v25  }
0x225: {  	v7 =	vmul.f32 v7, v7;
	v12 =	vadd.f32 v21, v12;
	v23 =	vld [tilespmem:s21+$0x10];
	v11 =	vadd.f32 v17, v11  }
0x226: {  	v17 =	vld [tilespmem:s25+$0x0];
	v10 =	vadd.f32 v15, v10;
	v15 =	vnsel vm9, $0x0, v15;
	v14 =	vmul.f32 v14, v18  }
0x227: {  	v5 =	vmul.f32 v5, v5;
	v12 =	vadd.f32 v13, v12;
	v21 =	vld [tilespmem:s21+$0x0];
	v11 =	vadd.f32 v15, v11  }
0x228: {  	v7 =	vmul.f32 v7, v8;
	v13 =	vld [tilespmem:s25+$0xFFFFFFF0];
	v10 =	vadd.f32 v14, v10;
	v14 =	vnsel vm8, $0x0, v14  }
0x229: {  	v3 =	vmul.f32 v3, v3;
	v9 =	vadd.f32 v9, v12;
	v8 =	vld [tilespmem:s21+$0xFFFFFFF0];
	v11 =	vadd.f32 v14, v11  }
0x22a: {  	v4 =	vmul.f32 v5, v4;
	v24 =	vld [tilespmem:s25+$0xFFFFFFE0];
	v10 =	vadd.f32 v7, v10;
	v7 =	vnsel vm7, $0x0, v7  }
0x22b: {  	v6 =	vadd.f32 v6, v9;
	v25 =	vld [tilespmem:s21+$0xFFFFFFE0];
	v5 =	vadd.f32 v7, v11;
	v7 =	vsel vm6, $0x3F800000, v0  }
0x22c: {  	v2 =	vmul.f32 v3, v2;
	v9 =	vld [tilespmem:s25+$0xFFFFFFC0];
	v10 =	vadd.f32 v4, v10;
	v4 =	vnsel vm6, $0x0, v4  }
0x22d: {  	s24 =	sadd.s32 $0x80, s24;
	vm6 =	vge.f32 v1, $1.000000010e-01;
	v1 =	vmovc v22;
	v14 =	vld [tilespmem:s21+$0xFFFFFFC0];
	v3 =	vadd.f32 v4, v5;
	v4 =	vadd.f32 v7, v6  }
0x22e: {  	p3 =	slt.u32 s24, $0x4780;
	v5 =	vsel vm6, $0x3F800000, v0;
	v6 =	vld [tilespmem:s25+$0xFFFFFFD0];
	v10 =	vadd.f32 v2, v10;
	v2 =	vnsel vm6, $0x0, v2  }
0x22f: {  	s23 =	sadd.s32 $0x80, s23;
	vm6 =	vge.f32 v20, $1.000000010e-01;
	v22 =	vld [tilespmem:s21+$0xFFFFFFD0];
	v11 =	vadd.f32 v2, v3;
	v12 =	vadd.f32 v5, v4  }
0x230: {  	vm7 =	vge.f32 v16, $1.000000010e-01;
	vm8 =	vge.f32 v17, $1.000000010e-01;
	v3 =	vsub.f32 v26, v1;
	v2 =	vld [tilespmem:s23+$0x30]  }
.Ltmp11:
0x231: {  	vm9 =	vge.f32 v13, $1.000000010e-01;
	v7 =	vsub.f32 v23, v16;
	v5 =	vsub.f32 v19, v20;
	v18 =	vld [tilespmem:s23+$0xFFFFFFC0];
	(pc) =	sbr.rel @p3 .LBB2_19-.Ltmp11, $4  }
0x232: {  	vm10 =	vge.f32 v24, $1.000000010e-01;
	v19 =	vsub.f32 v14, v9;
	v14 =	vsub.f32 v21, v17;
	v4 =	vld [tilespmem:s23+$0x20]  }
0x233: {  	v15 =	vsub.f32 v8, v13;
	vm12 =	vge.f32 v9, $1.000000010e-01;
	v16 =	vld [tilespmem:s23+$0xFFFFFFD0];
	vm11 =	vge.f32 v6, $1.000000010e-01  }
0x234: {  	v20 =	vmul.f32 v19, v19;
	v21 =	vsub.f32 v22, v6;
	v19 =	vsub.f32 v25, v24;
	v8 =	vld [tilespmem:s23+$0x10]  }
0x235: {  	v13 =	vsel vm9, $0x3F800000, v0;
	s25 =	sadd.s32 $0x80, s25;
	v9 =	vsel vm8, $0x3F800000, v0;
	v6 =	vsel vm7, $0x3F800000, v0;
	v17 =	vld [tilespmem:s23+$0xFFFFFFE0]  }
0x236: {  	v18 =	vmul.f32 v20, v18;
	v55 =	vmul.f32 v21, v21;
	v56 =	vsel vm10, $0x3F800000, v0  }
0x237: {  	v22 =	vsel vm12, $0x3F800000, v0;
	v23 =	vsel vm11, $0x3F800000, v0;
	v19 =	vmul.f32 v19, v19;
	v24 =	vld [tilespmem:s23+$0xFFFFFFF0]  }
0x238: {  	v10 =	vadd.f32 v18, v10;
	v18 =	vnsel vm12, $0x0, v18;
	v16 =	vmul.f32 v55, v16  }
0x239: {  	v15 =	vmul.f32 v15, v15;
	v57 =	vld [tilespmem:s23+$0x0];
	v12 =	vadd.f32 v22, v12;
	v11 =	vadd.f32 v18, v11  }
0x23a: {  	v10 =	vadd.f32 v16, v10;
	v16 =	vnsel vm11, $0x0, v16;
	v17 =	vmul.f32 v19, v17  }
0x23b: {  	v14 =	vmul.f32 v14, v14;
	v12 =	vadd.f32 v23, v12;
	v11 =	vadd.f32 v16, v11  }
0x23c: {  	v15 =	vmul.f32 v15, v24;
	v10 =	vadd.f32 v17, v10;
	v58 =	vnsel vm10, $0x0, v17  }
0x23d: {  	v7 =	vmul.f32 v7, v7;
	v12 =	vadd.f32 v56, v12;
	v11 =	vadd.f32 v58, v11  }
0x23e: {  	v14 =	vmul.f32 v14, v57;
	v10 =	vadd.f32 v15, v10;
	v15 =	vnsel vm9, $0x0, v15  }
0x23f: {  	v5 =	vmul.f32 v5, v5;
	v7 =	vmul.f32 v7, v8;
	v11 =	vadd.f32 v15, v11  }
0x240: {  	v12 =	vadd.f32 v13, v12;
	v59 =	vnsel vm8, $0x0, v14;
	v10 =	vadd.f32 v14, v10  }
0x241: {  	v3 =	vmul.f32 v3, v3;
	v4 =	vmul.f32 v5, v4;
	v60 =	vadd.f32 v59, v11  }
0x242: {  	v9 =	vadd.f32 v9, v12;
	v10 =	vadd.f32 v7, v10;
	v7 =	vnsel vm7, $0x0, v7  }
0x243: {  	v2 =	vmul.f32 v3, v2;
	v61 =	vadd.f32 v7, v60  }
0x244: {  	v6 =	vadd.f32 v6, v9;
	v62 =	vadd.f32 v4, v10;
	v4 =	vnsel vm6, $0x0, v4  }
0x245: {  	v3 =	vsel vm6, $0x3F800000, v0;
	vm6 =	vge.f32 v1, $1.000000010e-01;
	v4 =	vadd.f32 v4, v61  }
0x246: {  	v1 =	vadd.f32 v3, v6;
	v3 =	vadd.f32 v2, v62;
	v2 =	vnsel vm6, $0x0, v2  }
0x247: {  	v63 =	vsel vm6, $0x3F800000, v0;
	v2 =	vadd.f32 v2, v4  }
0x248: {  	v1 =	vadd.f32 v63, v1;
	(xrf2) =	vadd.scan.msk.f32 $0xffff, v3  }
0x249: {  	(xrf2) =	vadd.scan.msk.f32 $0xffff, v2  }
0x24a: {  	(xrf2) =	vadd.scan.msk.f32 $0xffff, v1;
	_ =	sdelay $0x7  }
0x24b: {  	v1, _, _ =	vpop (xrf2)  }
0x24c: {  	v2, _, _ =	vpop (xrf2)  }
0x24d: {  	v3, _, _ =	vpop (xrf2)  }
0x24e: {  	v3 =	vbroadcast v3, $0xF  }
0x24f: {  	v2 =	vbroadcast v2, $0xF  }
0x250: {  	v1 =	vbroadcast v1, $0xF;
	v3 =	vnsel vm0, $0x0, v3  }
0x251: {  	v2 =	vsel vm1, v3, v2  }
0x252: {  	v1 =	vsel vm2, v2, v1  }
0x253: {  	[tilespmem:$0x1B080] =	vst v1  }
.LBB2_21:
0x254: {  	[hbm4b:s17+s2] =	stream.linear.scatter [tilespmem:s26], [sflag:$0x3], $0x80, $0x38;
	[tilespmem:$0x1B100] =	vst v63  }
.Ltmp12:
0x255: {  	_ =	swait.ge [sflag:s19], $0x80;
	(pc) =	sbr.rel @p2 .LBB2_47-.Ltmp12, $3  }
0x256: {  	[sflag:s19] =	ssyncset.done $0x0  }
0x257: {  	[sflag:s19] =	ssyncadd.s32 $0xFFFFFF80  }
0x258: {  	[bflag:$0x0] =	sbarrier.arrive $0xFFFF;
	_ =	sdelay $0x1  }
0x259: {  	s18 =	rddreg [dreg:$0x12];
	s21 =	simm.s32 $0x1B000  }
0x25a: {  	[tilespmem:s21], [sflag:$0x3] =	stream.linear.gather [hbm4b:s18+s2], $0x80, $0x38;
	[tilespmem:$0x1B100] =	vst v63  }
0x25b: {  	_ =	swait.ge [sflag:s19], $0x80  }
0x25c: {  	[sflag:s19] =	ssyncset.done $0x0  }
0x25d: {  	[sflag:s19] =	ssyncadd.s32 $0xFFFFFF80  }
0x25e: {  	v1 =	vld [tilespmem:$0x1B080]  }
0x25f: {  	v2 =	vld [tilespmem:$0x1B000];
	_ =	sdelay $0x3  }
0x260: {  	v3 =	vsel vm2, $0x0, v1  }
0x261: {  	(xrf2) =	vadd.scan.msk.f32 $0xffff, v3;
	v3 =	vsel vm2, $0x0, v2  }
0x262: {  	(xrf2) =	vadd.scan.msk.f32 $0xffff, v3;
	v3 =	vsel vm3, $0x0, v1  }
0x263: {  	(xrf2) =	vadd.scan.msk.f32 $0xffff, v3;
	v3 =	vsel vm3, $0x0, v2  }
0x264: {  	v1 =	vsel vm4, $0x0, v1;
	(xrf2) =	vadd.scan.msk.f32 $0xffff, v3  }
0x265: {  	(xrf2) =	vadd.scan.msk.f32 $0xffff, v1;
	v1 =	vsel vm4, $0x0, v2  }
0x266: {  	(xrf2) =	vadd.scan.msk.f32 $0xffff, v1;
	_ =	sdelay $0x4  }
0x267: {  	v1, _, _ =	vpop (xrf2)  }
0x268: {  	v2, _, _ =	vpop (xrf2);
	(v2sf) =	vpush v1, $0xF  }
0x269: {  	v1, _, _ =	vpop (xrf2);
	(v2sf) =	vpush v2, $0xF  }
0x26a: {  	v2, _, _ =	vpop (xrf2);
	(v2sf) =	vpush v1, $0xF  }
0x26b: {  	v1, _, _ =	vpop (xrf2);
	(v2sf) =	vpush v2, $0xF  }
0x26c: {  	(v2sf) =	vpush v1, $0xF;
	v1, _, _ =	vpop (xrf2)  }
0x26d: {  	(v2sf) =	vpush v1, $0xF;
	_ =	sdelay $0x9  }
0x26e: {  	s31 =	spop (v2sf)  }
0x26f: {  	s23 =	spop (v2sf)  }
0x270: {  	s24 =	spop (v2sf)  }
0x271: {  	s25 =	spop (v2sf)  }
0x272: {  	s26 =	spop (v2sf)  }
0x273: {  	s29 =	spop (v2sf)  }
0x274: {  	s26 =	sadd.f32 s29, s26;
	_ =	sdelay $0x1  }
0x275: {  	s29 =	ssub.f32 $1.474560000e+05, s26  }
0x276: {  	v1 =	vmov s26  }
0x277: {  	(erf) = vrcp.f32 v1;
	v1 =	vmov s29  }
0x278: {  	(erf) = vrcp.f32 v1;
	_ =	sdelay $0x2  }
0x279: {  	s21 =	smul.f32 $3.000000000e+00, s26  }
0x27a: {  	s23 =	sadd.f32 s23, s31  }
0x27b: {  	p4 =	sgt.f32 s26, $0.0e+00;
	p5 =	sge.f32 s29, s21  }
0x27c: {  	s24 =	sadd.f32 s25, s24  }
0x27d: {  	p3 =	seq.f32 s26, $0.0e+00;
	p4 =	por !p4, !p5  }
0x27e: {  	s23 =	ssub.f32 s23, s24;
	p4 =	por !p4, !p4;
	v1 =	vpop (erf)  }
0x27f: {  	p4 =	por p3, p4;
	v2 =	vpop (erf)  }
0x280: {  	p5 =	por p1, !p4;
	v1 =	vmul.f32 s24, v1;
	v2 =	vmul.f32 s23, v2  }
.Ltmp13:
0x281: {  	_ = 	snop;
	(pc) =	sbr.rel @p5 .LBB2_34-.Ltmp13, $4  }
0x282: {  	v2 =	vadd.f32 v2, v1  }
0x283: {  	vm6 =	vmmov $0x1  }
0x284: {  	vm7 =	vmmov vm5;
	v2 =	vnsel vm6, $0x0, v2  }
0x285: {  	s21 =	simm.s32 @p3 $0x43FA0000;
	vm7 =	vmneg @p3 vm7;
	[tilespmem:$0x1B080] =	vst v2  }
0x286: {  	s23 =	simm.s32 $0x0;
	s26 =	simm.s32 $0x7F800000;
	s24 =	simm.s32 $0x0  }
.LBB2_24:
0x287: {  	s25 =	ssub.s32 s26, s23  }
0x288: {  	s25 =	sshrl.u32 s25, $0x1  }
0x289: {  	s25 =	sadd.s32 s23, s25  }
0x28a: {  	v2 =	vmov s25  }
0x28b: {  	v3 =	vimm.f32 $0.0e+00;
	s29 =	simm.s32 $0x0;
	v2 =	vbroadcast v2, $0x0  }
.LBB2_25:
0x28c: {  	s30 =	smul.u32 $0x4800, s29;
	_ =	sdelay $0x1  }
0x28d: {  	s30 =	sadd.s32 s3, s30  }
0x28e: {  	s30 =	sshrl.u32 s30, $0x3  }
0x28f: {  	s18 =	simm.s32 $0x0;
	s31 =	sadd.s32 s4, s30  }
0x290: {  	[tilespmem:s18], [sflag:$0x3] =	stream.linear.gather [hbm4b:s31+s18], $0x4800, $0x38;
	[tilespmem:$0x1B100] =	vst v63  }
0x291: {  	_ =	swait.ge [sflag:s19], $0x4800  }
0x292: {  	[sflag:s19] =	ssyncset.done $0x0  }
0x293: {  	s31 =	sadd.s32 s6, s30;
	[sflag:s19] =	ssyncadd.s32 $0xFFFFB800  }
0x294: {  	[tilespmem:s1], [sflag:$0x3] =	stream.linear.gather [hbm4b:s31+s18], $0x4800, $0x38;
	[tilespmem:$0x1B100] =	vst v63  }
0x295: {  	_ =	swait.ge [sflag:s19], $0x4800  }
0x296: {  	[sflag:s19] =	ssyncset.done $0x0  }
0x297: {  	s30 =	sadd.s32 s8, s30;
	[sflag:s19] =	ssyncadd.s32 $0xFFFFB800  }
0x298: {  	[tilespmem:s9], [sflag:$0x3] =	stream.linear.gather [hbm4b:s30+s18], $0x4800, $0x38;
	[tilespmem:$0x1B100] =	vst v63  }
0x299: {  	_ =	swait.ge [sflag:s19], $0x4800  }
0x29a: {  	[sflag:s19] =	ssyncset.done $0x0  }
0x29b: {  	s18 =	simm.s32 $0x0;
	[sflag:s19] =	ssyncadd.s32 $0xFFFFB800  }
0x29c: {  	v4 =	vld [tilespmem:s18+$0x0]  }
0x29d: {  	v5 =	vld [tilespmem:s18+$0x4800];
	_ =	sdelay $0x4  }
0x29e: {  	v5 =	vsub.f32 v5, v4  }
0x29f: {  	s30 =	simm.s32 $0x10;
	v7 =	vld [tilespmem:s18+$0x9000]  }
0x2a0: {  	v8 =	vmul.f32 v5, v5;
	v5 =	vld [tilespmem:s30+$0x0]  }
0x2a1: {  	v6 =	vld [tilespmem:s30+$0x4800];
	_ =	sdelay $0x2  }
0x2a2: {  	s31 =	simm.s32 $0x80;
	v7 =	vmul.f32 v8, v7  }
.LBB2_26:
0x2a3: {  	v8 =	vld [tilespmem:s30+$0x9000];
	s30 =	sshra.s32 s31, $0x2;
	vm8 =	vlt.f32 v4, $1.000000010e-01;
	v4 =	vmov v5;
	p5 =	sne.s32 s31, $0x11FC0  }
.Ltmp14:
0x2a4: {  	s31 =	sadd.s32 $0x40, s31;
	v5 =	vld [tilespmem:s30+$0x0];
	v9 =	vsub.f32 v6, v4;
	vm8 =	vmor vm7, vm8;
	vm9 =	vge.f32 v7, v2;
	(pc) =	sbr.rel @p5 .LBB2_26-.Ltmp14, $4  }
0x2a5: {  	v6 =	vld [tilespmem:s30+$0x4800];
	vm8 =	vmand vm8, vm9  }
0x2a6: {  	v7 =	vmul.f32 v9, v9;
	v9 =	vsel vm8, $0x3F800000, v0  }
0x2a7: {  	v3 =	vadd.f32 v9, v3  }
0x2a8: {  	v7 =	vmul.f32 v7, v8  }
0x2a9: {  	v8 =	vld [tilespmem:s30+$0x9000]  }
0x2aa: {  	v6 =	vsub.f32 v6, v5;
	_ =	sdelay $0x1  }
0x2ab: {  	v6 =	vmul.f32 v6, v6  }
0x2ac: {  	vm8 =	vlt.f32 v4, $1.000000010e-01;
	s29 =	sadd.s32 $0x1, s29  }
0x2ad: {  	vm8 =	vmor vm7, vm8;
	vm9 =	vge.f32 v7, v2;
	p5 =	sne.s32 s29, $0x8;
	v4 =	vmul.f32 v6, v8  }
.Ltmp15:
0x2ae: {  	vm14 =	vlt.f32 v5, $1.000000010e-01;
	vm8 =	vmand vm8, vm9;
	(pc) =	sbr.rel @p5 .LBB2_25-.Ltmp15, $4  }
0x2af: {  	v5 =	vsel vm8, $0x3F800000, v0;
	vm8 =	vmor vm7, vm14;
	vm15 =	vge.f32 v4, v2  }
0x2b0: {  	v3 =	vadd.f32 v5, v3;
	vm8 =	vmand vm8, vm15  }
0x2b1: {  	v4 =	vsel vm8, $0x3F800000, v0  }
0x2b2: {  	v3 =	vadd.f32 v4, v3  }
0x2b3: {  	_ = 	snop  }
0x2b4: {  	(xrf2) =	vadd.scan.msk.f32 $0xffff, v3;
	_ =	sdelay $0x9  }
0x2b5: {  	v2, _, _ =	vpop (xrf2)  }
0x2b6: {  	(v2sf) =	vpush v2, $0xF;
	_ =	sdelay $0xe  }
0x2b7: {  	s18 =	spop (v2sf)  }
0x2b8: {  	p5 =	sge.f32 s18, s21  }
0x2b9: {  	s24 =	sadd.s32 $0x1, s24  }
0x2ba: {  	s23 =	smov.u32 @p5 s25;
	s25 =	smov.u32 @p5 s26;
	p5 =	sne.s32 s24, $0x1F  }
.Ltmp16:
0x2bb: {  	_ = 	snop;
	(pc) =	sbr.rel @p5 .LBB2_24-.Ltmp16, $2  }
0x2bc: {  	_ =	sdelay $0x2  }
0x2bd: {  	s26 =	smov.u32 s25  }
0x2be: {  	v2 =	vmov s23  }
0x2bf: {  	s23 =	simm.s32 $0x0;
	v3 =	vimm.f32 $0.0e+00;
	v4 =	vimm.f32 $0.0e+00;
	s24 =	simm.s32 $0x0;
	v2 =	vbroadcast v2, $0x0  }
.LBB2_30:
0x2c0: {  	s18 =	smul.u32 $0x4800, s24;
	_ =	sdelay $0x1  }
0x2c1: {  	s18 =	sadd.s32 s3, s18  }
0x2c2: {  	s18 =	sshrl.u32 s18, $0x3  }
0x2c3: {  	s25 =	sadd.s32 s4, s18  }
0x2c4: {  	[tilespmem:s23], [sflag:$0x3] =	stream.linear.gather [hbm4b:s25+s23], $0x4800, $0x38;
	[tilespmem:$0x1B100] =	vst v63  }
0x2c5: {  	_ =	swait.ge [sflag:s19], $0x4800  }
0x2c6: {  	[sflag:s19] =	ssyncset.done $0x0  }
0x2c7: {  	s30 =	sadd.s32 s6, s18;
	[sflag:s19] =	ssyncadd.s32 $0xFFFFB800  }
0x2c8: {  	[tilespmem:s1], [sflag:$0x3] =	stream.linear.gather [hbm4b:s30+s23], $0x4800, $0x38;
	[tilespmem:$0x1B100] =	vst v63  }
0x2c9: {  	_ =	swait.ge [sflag:s19], $0x4800  }
0x2ca: {  	[sflag:s19] =	ssyncset.done $0x0  }
0x2cb: {  	s18 =	sadd.s32 s8, s18;
	[sflag:s19] =	ssyncadd.s32 $0xFFFFB800  }
0x2cc: {  	[tilespmem:s9], [sflag:$0x3] =	stream.linear.gather [hbm4b:s18+s23], $0x4800, $0x38;
	[tilespmem:$0x1B100] =	vst v63  }
0x2cd: {  	_ =	swait.ge [sflag:s19], $0x4800  }
0x2ce: {  	[sflag:s19] =	ssyncset.done $0x0  }
0x2cf: {  	s31 =	simm.s32 $0x0;
	[sflag:s19] =	ssyncadd.s32 $0xFFFFB800  }
0x2d0: {  	v5 =	vld [tilespmem:s31+$0x0]  }
0x2d1: {  	v6 =	vld [tilespmem:s31+$0x4800];
	_ =	sdelay $0x4  }
0x2d2: {  	v6 =	vsub.f32 v6, v5  }
0x2d3: {  	s25 =	simm.s32 $0x10;
	v7 =	vld [tilespmem:s31+$0x9000]  }
0x2d4: {  	v9 =	vmul.f32 v6, v6;
	v6 =	vld [tilespmem:s25+$0x0]  }
0x2d5: {  	v8 =	vld [tilespmem:s25+$0x4800];
	_ =	sdelay $0x2  }
0x2d6: {  	s26 =	simm.s32 $0x80;
	v7 =	vmul.f32 v9, v7  }
.LBB2_31:
0x2d7: {  	v9 =	vld [tilespmem:s25+$0x9000];
	s25 =	sshra.s32 s26, $0x2;
	vm8 =	vlt.f32 v5, $1.000000010e-01;
	v5 =	vmov v6;
	p5 =	sne.s32 s26, $0x11FC0  }
.Ltmp17:
0x2d8: {  	s26 =	sadd.s32 $0x40, s26;
	v6 =	vld [tilespmem:s25+$0x0];
	v10 =	vsub.f32 v8, v5;
	vm8 =	vmor vm7, vm8;
	vm9 =	vgt.f32 v7, v2;
	(pc) =	sbr.rel @p5 .LBB2_31-.Ltmp17, $4  }
0x2d9: {  	v8 =	vld [tilespmem:s25+$0x4800];
	vm8 =	vmand vm8, vm9  }
0x2da: {  	v10 =	vmul.f32 v10, v10;
	v11 =	vsel vm8, $0x3F800000, v0;
	v7 =	vnsel vm8, $0x0, v7  }
0x2db: {  	v4 =	vadd.f32 v11, v4;
	v3 =	vadd.f32 v7, v3  }
0x2dc: {  	v7 =	vmul.f32 v10, v9  }
0x2dd: {  	v9 =	vld [tilespmem:s25+$0x9000]  }
0x2de: {  	v8 =	vsub.f32 v8, v6;
	_ =	sdelay $0x1  }
0x2df: {  	vm8 =	vlt.f32 v5, $1.000000010e-01;
	v5 =	vmul.f32 v8, v8  }
0x2e0: {  	s24 =	sadd.s32 $0x1, s24;
	vm8 =	vmor vm7, vm8;
	vm9 =	vgt.f32 v7, v2  }
0x2e1: {  	p5 =	sne.s32 s24, $0x8;
	vm8 =	vmand vm8, vm9;
	v5 =	vmul.f32 v5, v9  }
.Ltmp18:
0x2e2: {  	vm14 =	vlt.f32 v6, $1.000000010e-01;
	v63 =	vsel vm8, $0x3F800000, v0;
	(pc) =	sbr.rel @p5 .LBB2_30-.Ltmp18, $4  }
0x2e3: {  	v6 =	vnsel vm8, $0x0, v7;
	vm8 =	vmor vm7, vm14;
	vm15 =	vgt.f32 v5, v2  }
0x2e4: {  	v4 =	vadd.f32 v63, v4;
	v3 =	vadd.f32 v6, v3;
	vm8 =	vmand vm8, vm15  }
0x2e5: {  	v6 =	vsel vm8, $0x3F800000, v0;
	v5 =	vnsel vm8, $0x0, v5  }
0x2e6: {  	v4 =	vadd.f32 v6, v4;
	v3 =	vadd.f32 v5, v3  }
0x2e7: {  	_ = 	snop  }
0x2e8: {  	(xrf2) =	vadd.scan.msk.f32 $0xffff, v4;
	_ =	sdelay $0x2  }
0x2e9: {  	(xrf0) =	vmax.scan.msk.f32 $0xffff, v2  }
0x2ea: {  	(xrf2) =	vadd.scan.msk.f32 $0xffff, v3;
	_ =	sdelay $0x4  }
0x2eb: {  	v2, _, _ =	vpop (xrf0)  }
0x2ec: {  	(v2sf) =	vpush v2, $0xF;
	v3, _, _ =	vpop (xrf2)  }
0x2ed: {  	(v2sf) =	vpush v3, $0xF;
	_ =	sdelay $0x2  }
0x2ee: {  	v2, _, _ =	vpop (xrf2)  }
0x2ef: {  	(v2sf) =	vpush v2, $0xF;
	_ =	sdelay $0x6  }
0x2f0: {  	v2 =	vmov s21  }
0x2f1: {  	(erf) = vrcp.f32 v2;
	_ =	sdelay $0x1  }
0x2f2: {  	s18 =	spop (v2sf)  }
0x2f3: {  	s23 =	spop (v2sf)  }
0x2f4: {  	s23 =	ssub.f32 s21, s23;
	_ =	sdelay $0x1  }
0x2f5: {  	s18 =	smul.f32 s23, s18  }
0x2f6: {  	s31 =	spop (v2sf)  }
0x2f7: {  	s18 =	sadd.f32 s18, s31  }
0x2f8: {  	v2 =	vpop (erf)  }
0x2f9: {  	v2 =	vmul.f32 s18, v2;
	_ =	sdelay $0x1  }
0x2fa: {  	v3 =	vadd.f32 v2, v1;
	_ =	sdelay $0x1  }
0x2fb: {  	v2 =	vpsel p3, v2, v3  }
0x2fc: {  	v2 =	vnsel vm6, $0x0, v2  }
0x2fd: {  	[tilespmem:$0x1B080] =	vst v2  }
.LBB2_34:
0x2fe: {  	p4 =	por !p4, !p0  }
0x2ff: {  	p4 =	por !p4, !p4  }
.Ltmp19:
0x300: {  	_ = 	snop;
	(pc) =	sbr.rel @!p4 .LBB2_46-.Ltmp19, $1  }
0x301: {  	_ =	sdelay $0x3  }
0x302: {  	s23 =	simm.s32 $0x0;
	s25 =	simm.s32 $0x7F800000;
	s24 =	simm.s32 $0x0  }
.LBB2_36:
0x303: {  	s18 =	ssub.s32 s25, s23  }
0x304: {  	s18 =	sshrl.u32 s18, $0x1  }
0x305: {  	s26 =	sadd.s32 s23, s18  }
0x306: {  	v2 =	vmov s26  }
0x307: {  	v3 =	vimm.f32 $0.0e+00;
	s29 =	simm.s32 $0x0;
	v2 =	vbroadcast v2, $0x0  }
.LBB2_37:
0x308: {  	s18 =	smul.u32 $0x4800, s29;
	_ =	sdelay $0x1  }
0x309: {  	s18 =	sadd.s32 s3, s18  }
0x30a: {  	s18 =	sshrl.u32 s18, $0x3  }
0x30b: {  	s31 =	simm.s32 $0x0;
	s30 =	sadd.s32 s5, s18  }
0x30c: {  	[tilespmem:s31], [sflag:$0x3] =	stream.linear.gather [hbm4b:s30+s31], $0x4800, $0x38;
	[tilespmem:$0x1B100] =	vst v63  }
0x30d: {  	_ =	swait.ge [sflag:s19], $0x4800  }
0x30e: {  	[sflag:s19] =	ssyncset.done $0x0  }
0x30f: {  	s30 =	sadd.s32 s7, s18;
	[sflag:s19] =	ssyncadd.s32 $0xFFFFB800  }
0x310: {  	[tilespmem:s1], [sflag:$0x3] =	stream.linear.gather [hbm4b:s30+s31], $0x4800, $0x38;
	[tilespmem:$0x1B100] =	vst v63  }
0x311: {  	_ =	swait.ge [sflag:s19], $0x4800  }
0x312: {  	[sflag:s19] =	ssyncset.done $0x0  }
0x313: {  	s18 =	sadd.s32 s8, s18;
	[sflag:s19] =	ssyncadd.s32 $0xFFFFB800  }
0x314: {  	[tilespmem:s9], [sflag:$0x3] =	stream.linear.gather [hbm4b:s18+s31], $0x4800, $0x38;
	[tilespmem:$0x1B100] =	vst v63  }
0x315: {  	_ =	swait.ge [sflag:s19], $0x4800  }
0x316: {  	[sflag:s19] =	ssyncset.done $0x0  }
0x317: {  	s18 =	simm.s32 $0x0;
	[sflag:s19] =	ssyncadd.s32 $0xFFFFB800  }
0x318: {  	v4 =	vld [tilespmem:s18+$0x0]  }
0x319: {  	v5 =	vld [tilespmem:s18+$0x4800];
	_ =	sdelay $0x4  }
0x31a: {  	v5 =	vsub.f32 v5, v4  }
0x31b: {  	s30 =	simm.s32 $0x10;
	v7 =	vld [tilespmem:s18+$0x9000]  }
0x31c: {  	v8 =	vmul.f32 v5, v5;
	v5 =	vld [tilespmem:s30+$0x0]  }
0x31d: {  	v6 =	vld [tilespmem:s30+$0x4800];
	_ =	sdelay $0x2  }
0x31e: {  	s31 =	simm.s32 $0x80;
	v7 =	vmul.f32 v8, v7  }
.LBB2_38:
0x31f: {  	v8 =	vld [tilespmem:s30+$0x9000];
	s30 =	sshra.s32 s31, $0x2;
	vm8 =	vlt.f32 v4, $1.000000010e-01;
	v4 =	vmov v5;
	p4 =	sne.s32 s31, $0x11FC0  }
.Ltmp20:
0x320: {  	s31 =	sadd.s32 $0x40, s31;
	v5 =	vld [tilespmem:s30+$0x0];
	v9 =	vsub.f32 v6, v4;
	vm8 =	vmor vm7, vm8;
	vm9 =	vge.f32 v7, v2;
	(pc) =	sbr.rel @p4 .LBB2_38-.Ltmp20, $4  }
0x321: {  	v6 =	vld [tilespmem:s30+$0x4800];
	vm8 =	vmand vm8, vm9  }
0x322: {  	v7 =	vmul.f32 v9, v9;
	v9 =	vsel vm8, $0x3F800000, v0  }
0x323: {  	v3 =	vadd.f32 v9, v3  }
0x324: {  	v7 =	vmul.f32 v7, v8  }
0x325: {  	v8 =	vld [tilespmem:s30+$0x9000]  }
0x326: {  	v6 =	vsub.f32 v6, v5;
	_ =	sdelay $0x1  }
0x327: {  	v6 =	vmul.f32 v6, v6  }
0x328: {  	vm8 =	vlt.f32 v4, $1.000000010e-01;
	s29 =	sadd.s32 $0x1, s29  }
0x329: {  	vm8 =	vmor vm7, vm8;
	vm9 =	vge.f32 v7, v2;
	p4 =	sne.s32 s29, $0x8;
	v4 =	vmul.f32 v6, v8  }
.Ltmp21:
0x32a: {  	vm14 =	vlt.f32 v5, $1.000000010e-01;
	vm8 =	vmand vm8, vm9;
	(pc) =	sbr.rel @p4 .LBB2_37-.Ltmp21, $4  }
0x32b: {  	v5 =	vsel vm8, $0x3F800000, v0;
	vm8 =	vmor vm7, vm14;
	vm15 =	vge.f32 v4, v2  }
0x32c: {  	v3 =	vadd.f32 v5, v3;
	vm8 =	vmand vm8, vm15  }
0x32d: {  	v4 =	vsel vm8, $0x3F800000, v0  }
0x32e: {  	v3 =	vadd.f32 v4, v3  }
0x32f: {  	_ = 	snop  }
0x330: {  	(xrf2) =	vadd.scan.msk.f32 $0xffff, v3;
	_ =	sdelay $0x9  }
0x331: {  	v2, _, _ =	vpop (xrf2)  }
0x332: {  	(v2sf) =	vpush v2, $0xF;
	_ =	sdelay $0xe  }
0x333: {  	s18 =	spop (v2sf)  }
0x334: {  	p4 =	sge.f32 s18, s21  }
0x335: {  	s24 =	sadd.s32 $0x1, s24  }
0x336: {  	s23 =	smov.u32 @p4 s26;
	s26 =	smov.u32 @p4 s25;
	p4 =	sne.s32 s24, $0x1F  }
.Ltmp22:
0x337: {  	_ = 	snop;
	(pc) =	sbr.rel @p4 .LBB2_36-.Ltmp22, $2  }
0x338: {  	_ =	sdelay $0x2  }
0x339: {  	s25 =	smov.u32 s26  }
0x33a: {  	v2 =	vmov s23  }
0x33b: {  	s23 =	simm.s32 $0x0;
	v3 =	vimm.f32 $0.0e+00;
	v4 =	vimm.f32 $0.0e+00;
	s24 =	simm.s32 $0x0;
	v2 =	vbroadcast v2, $0x0  }
.LBB2_42:
0x33c: {  	s18 =	smul.u32 $0x4800, s24;
	_ =	sdelay $0x1  }
0x33d: {  	s18 =	sadd.s32 s3, s18  }
0x33e: {  	s18 =	sshrl.u32 s18, $0x3  }
0x33f: {  	s25 =	sadd.s32 s5, s18  }
0x340: {  	[tilespmem:s23], [sflag:$0x3] =	stream.linear.gather [hbm4b:s25+s23], $0x4800, $0x38;
	[tilespmem:$0x1B100] =	vst v63  }
0x341: {  	_ =	swait.ge [sflag:s19], $0x4800  }
0x342: {  	[sflag:s19] =	ssyncset.done $0x0  }
0x343: {  	s30 =	sadd.s32 s7, s18;
	[sflag:s19] =	ssyncadd.s32 $0xFFFFB800  }
0x344: {  	[tilespmem:s1], [sflag:$0x3] =	stream.linear.gather [hbm4b:s30+s23], $0x4800, $0x38;
	[tilespmem:$0x1B100] =	vst v63  }
0x345: {  	_ =	swait.ge [sflag:s19], $0x4800  }
0x346: {  	[sflag:s19] =	ssyncset.done $0x0  }
0x347: {  	s18 =	sadd.s32 s8, s18;
	[sflag:s19] =	ssyncadd.s32 $0xFFFFB800  }
0x348: {  	[tilespmem:s9], [sflag:$0x3] =	stream.linear.gather [hbm4b:s18+s23], $0x4800, $0x38;
	[tilespmem:$0x1B100] =	vst v63  }
0x349: {  	_ =	swait.ge [sflag:s19], $0x4800  }
0x34a: {  	[sflag:s19] =	ssyncset.done $0x0  }
0x34b: {  	s31 =	simm.s32 $0x0;
	[sflag:s19] =	ssyncadd.s32 $0xFFFFB800  }
0x34c: {  	v5 =	vld [tilespmem:s31+$0x0]  }
0x34d: {  	v6 =	vld [tilespmem:s31+$0x4800];
	_ =	sdelay $0x4  }
0x34e: {  	v6 =	vsub.f32 v6, v5  }
0x34f: {  	s25 =	simm.s32 $0x10;
	v7 =	vld [tilespmem:s31+$0x9000]  }
0x350: {  	v9 =	vmul.f32 v6, v6;
	v6 =	vld [tilespmem:s25+$0x0]  }
0x351: {  	v8 =	vld [tilespmem:s25+$0x4800];
	_ =	sdelay $0x2  }
0x352: {  	s26 =	simm.s32 $0x80;
	v7 =	vmul.f32 v9, v7  }
.LBB2_43:
0x353: {  	v9 =	vld [tilespmem:s25+$0x9000];
	s25 =	sshra.s32 s26, $0x2;
	vm8 =	vlt.f32 v5, $1.000000010e-01;
	v5 =	vmov v6;
	p4 =	sne.s32 s26, $0x11FC0  }
.Ltmp23:
0x354: {  	s26 =	sadd.s32 $0x40, s26;
	v6 =	vld [tilespmem:s25+$0x0];
	v10 =	vsub.f32 v8, v5;
	vm8 =	vmor vm7, vm8;
	vm9 =	vgt.f32 v7, v2;
	(pc) =	sbr.rel @p4 .LBB2_43-.Ltmp23, $4  }
0x355: {  	v8 =	vld [tilespmem:s25+$0x4800];
	vm8 =	vmand vm8, vm9  }
0x356: {  	v10 =	vmul.f32 v10, v10;
	v11 =	vsel vm8, $0x3F800000, v0;
	v7 =	vnsel vm8, $0x0, v7  }
0x357: {  	v4 =	vadd.f32 v11, v4;
	v3 =	vadd.f32 v7, v3  }
0x358: {  	v7 =	vmul.f32 v10, v9  }
0x359: {  	v9 =	vld [tilespmem:s25+$0x9000]  }
0x35a: {  	v8 =	vsub.f32 v8, v6;
	_ =	sdelay $0x1  }
0x35b: {  	vm8 =	vlt.f32 v5, $1.000000010e-01;
	v5 =	vmul.f32 v8, v8  }
0x35c: {  	s24 =	sadd.s32 $0x1, s24;
	vm8 =	vmor vm7, vm8;
	vm9 =	vgt.f32 v7, v2  }
0x35d: {  	p4 =	sne.s32 s24, $0x8;
	vm8 =	vmand vm8, vm9;
	v5 =	vmul.f32 v5, v9  }
.Ltmp24:
0x35e: {  	vm14 =	vlt.f32 v6, $1.000000010e-01;
	v63 =	vsel vm8, $0x3F800000, v0;
	(pc) =	sbr.rel @p4 .LBB2_42-.Ltmp24, $4  }
0x35f: {  	v6 =	vnsel vm8, $0x0, v7;
	vm8 =	vmor vm7, vm14;
	vm15 =	vgt.f32 v5, v2  }
0x360: {  	v4 =	vadd.f32 v63, v4;
	v3 =	vadd.f32 v6, v3;
	vm8 =	vmand vm8, vm15  }
0x361: {  	v6 =	vsel vm8, $0x3F800000, v0;
	v5 =	vnsel vm8, $0x0, v5  }
0x362: {  	v4 =	vadd.f32 v6, v4;
	v3 =	vadd.f32 v5, v3  }
0x363: {  	_ = 	snop  }
0x364: {  	(xrf2) =	vadd.scan.msk.f32 $0xffff, v4;
	_ =	sdelay $0x2  }
0x365: {  	(xrf0) =	vmax.scan.msk.f32 $0xffff, v2  }
0x366: {  	(xrf2) =	vadd.scan.msk.f32 $0xffff, v3;
	_ =	sdelay $0x4  }
0x367: {  	v2, _, _ =	vpop (xrf0)  }
0x368: {  	(v2sf) =	vpush v2, $0xF;
	v3, _, _ =	vpop (xrf2)  }
0x369: {  	(v2sf) =	vpush v3, $0xF;
	_ =	sdelay $0x2  }
0x36a: {  	v2, _, _ =	vpop (xrf2)  }
0x36b: {  	(v2sf) =	vpush v2, $0xF;
	_ =	sdelay $0x6  }
0x36c: {  	v2 =	vmov s21  }
0x36d: {  	(erf) = vrcp.f32 v2;
	_ =	sdelay $0x1  }
0x36e: {  	s18 =	spop (v2sf)  }
0x36f: {  	s23 =	spop (v2sf)  }
0x370: {  	s30 =	ssub.f32 s21, s23;
	_ =	sdelay $0x1  }
0x371: {  	s18 =	smul.f32 s30, s18  }
0x372: {  	s31 =	spop (v2sf)  }
0x373: {  	s18 =	sadd.f32 s18, s31  }
0x374: {  	v2 =	vpop (erf)  }
0x375: {  	v2 =	vmul.f32 s18, v2;
	_ =	sdelay $0x1  }
.Ltmp25:
0x376: {  	v1 =	vadd.f32 v2, v1;
	(pc) =	sbr.rel .LBB2_46-.Ltmp25, $4  }
0x377: {  	_ = 	snop  }
0x378: {  	v1 =	vpsel p3, v2, v1  }
0x379: {  	v1 =	vnsel vm6, $0x0, v1  }
0x37a: {  	[tilespmem:$0x1B080] =	vst v1  }
.LBB2_48:
0x37b: {  	_ =	sfence.sel $0x180000  }
0x37c: {  	[bflag:$0x0] =	sbarrier.arrive $0xFFFF  }
0x37d: {  	_ =	strace $0x90000047  }
0x37e: {  	s0 =	stileid.u32;
	[bflag:$0x2] =	sbarrier.arrive $0xFFFF  }
0x37f: {  	p0 =	sne.s32 s0, $0x0;
	s0 =	rddreg [dreg:$0x1]  }
0x380: {  	s0 =	sadd.s32 @!p0 $0x100000, s0  }
0x381: {  	[sflag:s0] =	ssyncadd.tile.s32 @!p0 $0x1;
	_ =	shalt  }
.Lfunc_end2:
_tile_overlayer_lowered:
.L_overlay_start_2:
0x382: {  	(tag) =	ssettag $0x2  }
0x383: {  	s0 =	rddreg [dreg:$0x0];
	s2 =	stileid.u32  }
0x384: {  	s1 =	rddreg [dreg:$0x1];
	p0 =	sne.s32 s2, $0x0  }
0x385: {  	s3 =	rddreg [dreg:$0x2];
	[bflag:$0x3] =	sbarrier.arrive $0xFFFF;
	s2 =	simm.s32 @!p0 $0x1C03  }
0x386: {  	[timem:s3], [sflag:s2] =	dma.local @!p0 [hbm:s0], s1  }
0x387: {  	s0 =	simm.s32 @!p0 $0x3  }
0x388: {  	_ =	swait.ge @!p0 [sflag:s0], s1  }
0x389: {  	s1 =	ssub.s32 @!p0 $0x0, s1;
	[sflag:s0] =	ssyncset.done @!p0 $0x0  }
0x38a: {  	[sflag:s0] =	ssyncadd.s32 @!p0 s1  }
0x38b: {  	[bflag:$0x3] =	sbarrier.arrive $0xFFFF  }
0x38c: {  	_ =	shalt  }

</sc_bundles>
